<compile_context>
chip_gen: v7x
topology: tpu7x:2x2x1
jax: 0.10.2.dev20260603
libtpu: 0.0.44.dev20260713+nightly
codegen_flags: <defaults>
</compile_context>

<pallas_src>
import functools

import jax
import jax.numpy as jnp
from jax import lax
from jax.experimental import pallas as pl
from jax.experimental.pallas import tpu as pltpu
from jax.experimental.pallas import tpu_sc as plsc

_EPS = 1e-5
_G = 128
_NC = 2
_NS = 16
_CH = 128


def _round_up(a, b):
  return (a + b - 1) // b * b



def _mm1_body(n, x_ref, w_ref, dp_ref, hp_ref, dinv_ref):
  dp = dp_ref[...]
  deg = 1.0 + dp[0, :, :1] + dp[1, :, :1]
  dinv = lax.rsqrt(deg)
  h = jnp.dot(x_ref[...], w_ref[...], preferred_element_type=jnp.float32,
              precision=lax.Precision.HIGHEST)
  hp_ref[...] = h * dinv
  dinv_ref[...] = dinv


def _pre_block(accp_ref, hp_ref, dinv_ref, b_ref):
  ap = accp_ref[...]
  return (ap[0] + ap[1] + hp_ref[...]) * dinv_ref[...] + b_ref[...]


def _stats_mm2_body(n, steps, accp_ref, hp_ref, dinv_ref, b_ref, g_ref,
                    be_ref, w_ref, hp2_ref, s_ref, q_ref):
  i = pl.program_id(0)
  pre = _pre_block(accp_ref, hp_ref, dinv_ref, b_ref)

  @pl.when(i == 0)
  def _():
    s_ref[...] = jnp.zeros_like(s_ref)
    q_ref[...] = jnp.zeros_like(q_ref)

  @pl.when(i < steps)
  def _():
    s_ref[...] += jnp.sum(pre, axis=0, keepdims=True)
    q_ref[...] += jnp.sum(pre * pre, axis=0, keepdims=True)

  @pl.when(i >= steps)
  def _():
    mu = s_ref[...] * (1.0 / n)
    var = q_ref[...] * (1.0 / n) - mu * mu
    sc = g_ref[...] * lax.rsqrt(var + _EPS)
    r = jnp.maximum((pre - mu) * sc + be_ref[...], 0.0)
    h = jnp.dot(r, w_ref[...], preferred_element_type=jnp.float32,
                precision=lax.Precision.HIGHEST)
    hp2_ref[...] = h * dinv_ref[...]


def _stats_pool_head_body(n, bm, steps, accp_ref, hp_ref, dinv_ref, b_ref,
                          g_ref, be_ref, batch_ref, w1_ref, b1_ref, w2_ref,
                          b2_ref, ps_ref, pc_ref, out_ref, s_ref, q_ref):
  i = pl.program_id(0)

  @pl.when(i == 0)
  def _():
    s_ref[...] = jnp.zeros_like(s_ref)
    q_ref[...] = jnp.zeros_like(q_ref)

  @pl.when(i < 2 * steps)
  def _():
    pre = _pre_block(accp_ref, hp_ref, dinv_ref, b_ref)

    @pl.when(i < steps)
    def _():
      s_ref[...] += jnp.sum(pre, axis=0, keepdims=True)
      q_ref[...] += jnp.sum(pre * pre, axis=0, keepdims=True)

    @pl.when(i >= steps)
    def _():
      mu = s_ref[...] * (1.0 / n)
      var = q_ref[...] * (1.0 / n) - mu * mu
      sc = g_ref[...] * lax.rsqrt(var + _EPS)
      r = jnp.maximum((pre - mu) * sc + be_ref[...], 0.0)
      bt = batch_ref[...]
      gid = lax.broadcasted_iota(jnp.int32, (bm, _G), 1)
      oh = (bt == gid).astype(jnp.float32)
      dn = (((0,), (0,)), ((), ()))
      ps = lax.dot_general(oh, r, dn, preferred_element_type=jnp.float32,
                           precision=lax.Precision.HIGHEST)
      pc = lax.dot_general(oh, jnp.ones((bm, 1), jnp.float32), dn,
                           preferred_element_type=jnp.float32,
                           precision=lax.Precision.HIGHEST)

      @pl.when(i == steps)
      def _():
        ps_ref[...] = ps
        pc_ref[...] = pc

      @pl.when(i != steps)
      def _():
        ps_ref[...] += ps
        pc_ref[...] += pc

  @pl.when(i == 2 * steps)
  def _():
    pooled = ps_ref[...] / jnp.maximum(pc_ref[...], 1.0)
    a = jnp.dot(pooled, w1_ref[...], preferred_element_type=jnp.float32,
                precision=lax.Precision.HIGHEST)
    a = jnp.maximum(a + b1_ref[...], 0.0)
    o = jnp.dot(a, w2_ref[...], preferred_element_type=jnp.float32,
                precision=lax.Precision.HIGHEST)
    out_ref[...] = o + b2_ref[...]


@functools.lru_cache(maxsize=None)
def _build(N, E, F, H):
  NW = _NC * _NS
  assert E % NW == 0, E
  EP = E // NW
  RT = _round_up(-(-N // _NS), 8)
  NPAD = RT * _NS

  mesh = plsc.VectorSubcoreMesh(core_axis_name="c", subcore_axis_name="s",
                                num_cores=_NC, num_subcores=_NS)

  NBD = 4
  NCHPD = _round_up(-(-EP // _CH), NBD)
  EPPD = NCHPD * _CH
  NGD = NCHPD // NBD
  CHA = _CH
  NB = 3
  NCHP = _round_up(-(-EP // CHA), NB)
  EPP = NCHP * CHA
  NG = NCHP // NB
  deg_scratch = (
      [pltpu.VMEM((NCHPD, _CH), jnp.int32)] +
      [pltpu.VMEM((_CH, 128), jnp.float32)] +
      [pltpu.SemaphoreType.DMA] * NBD +
      [pltpu.VMEM_SHARED((NPAD, 128), jnp.float32)]
  )

  @functools.partial(
      pl.kernel,
      out_type=jax.ShapeDtypeStruct((_NC, NPAD, 128), jnp.float32),
      mesh=mesh,
      scratch_types=deg_scratch,
  )
  def deg_kernel(dstp_hbm, ones_hbm, zeros_hbm, out_hbm, *bufs):
    dv = bufs[0]
    ones_v = bufs[1]
    ss = bufs[2:2 + NBD]
    deg_sh = bufs[2 + NBD]
    cid = lax.axis_index("c")
    sid = lax.axis_index("s")
    wid = cid * _NS + sid
    pltpu.sync_copy(ones_hbm, ones_v)
    pltpu.sync_copy(dstp_hbm.at[wid], dv)
    pltpu.sync_copy(zeros_hbm, deg_sh.at[pl.ds(sid * RT, RT)])
    plsc.subcore_barrier()
    for b in range(NBD):
      pltpu.async_copy(ones_v, deg_sh.at[dv.at[b]], ss[b], add=True)

    def body(j, carry):
      for b in range(NBD):
        c = j * NBD + b
        pltpu.make_async_copy(ones_v, deg_sh.at[dv.at[c]], ss[b]).wait()

        @pl.when(j < NGD - 1)
        def _():
          pltpu.async_copy(ones_v, deg_sh.at[dv.at[c + NBD]], ss[b],
                           add=True)

      return carry

    lax.fori_loop(0, NGD, body, 0)
    plsc.subcore_barrier()
    pltpu.sync_copy(deg_sh.at[pl.ds(sid * RT, RT)],
                    out_hbm.at[cid, pl.ds(sid * RT, RT), :])

  acc_scratch = (
      [pltpu.VMEM((2, CHA), jnp.int32)] * NB +
      [pltpu.VMEM((CHA, F), jnp.float32)] * NB +
      [pltpu.SemaphoreType.DMA] * (2 * NB) +
      [pltpu.VMEM_SHARED((NPAD, F), jnp.float32)]
  )

  @functools.partial(
      pl.kernel,
      out_type=jax.ShapeDtypeStruct((_NC, NPAD, F), jnp.float32),
      mesh=mesh,
      scratch_types=acc_scratch,
  )
  def acc_kernel(hp_hbm, ep_hbm, zrows_hbm, out_hbm, *bufs):
    idx2 = bufs[:NB]
    rows = bufs[NB:2 * NB]
    gs = bufs[2 * NB:3 * NB]
    ss = bufs[3 * NB:4 * NB]
    acc_sh = bufs[4 * NB]
    cid = lax.axis_index("c")
    sid = lax.axis_index("s")
    wid = cid * _NS + sid
    pltpu.sync_copy(zrows_hbm, acc_sh.at[pl.ds(sid * RT, RT)])
    plsc.subcore_barrier()
    base = wid * NCHP
    for b in range(NB):
      pltpu.sync_copy(ep_hbm.at[base + b], idx2[b])
      pltpu.async_copy(hp_hbm.at[idx2[b].at[0]], rows[b], gs[b])

    def body(j, carry):
      for b in range(NB):
        c = j * NB + b
        pltpu.make_async_copy(hp_hbm.at[idx2[b].at[0]], rows[b], gs[b]).wait()
        pltpu.async_copy(rows[b], acc_sh.at[idx2[b].at[1]], ss[b], add=True)

        @pl.when(j < NG - 1)
        def _():
          pltpu.make_async_copy(rows[b], acc_sh.at[idx2[b].at[1]],
                                ss[b]).wait()
          pltpu.sync_copy(ep_hbm.at[base + c + NB], idx2[b])
          pltpu.async_copy(hp_hbm.at[idx2[b].at[0]], rows[b], gs[b])

      return carry

    lax.fori_loop(0, NG, body, 0)
    for b in range(NB):
      pltpu.make_async_copy(rows[b], acc_sh.at[idx2[b].at[1]], ss[b]).wait()
    plsc.subcore_barrier()
    pltpu.sync_copy(acc_sh.at[pl.ds(sid * RT, RT)],
                    out_hbm.at[cid, pl.ds(sid * RT, RT), :])

  bm = max(d for d in range(8, min(N, 2048) + 1, 8) if N % d == 0)
  steps = N // bm
  f32 = jnp.float32

  mm1 = pl.pallas_call(
      functools.partial(_mm1_body, N),
      grid=(steps,),
      in_specs=[
          pl.BlockSpec((bm, F), lambda i: (i, 0)),
          pl.BlockSpec((F, H), lambda i: (0, 0)),
          pl.BlockSpec((_NC, bm, 128), lambda i: (0, i, 0)),
      ],
      out_specs=[
          pl.BlockSpec((bm, H), lambda i: (i, 0)),
          pl.BlockSpec((bm, 1), lambda i: (i, 0)),
      ],
      out_shape=[
          jax.ShapeDtypeStruct((N, H), f32),
          jax.ShapeDtypeStruct((N, 1), f32),
      ],
  )

  wrap = lambda i: (jnp.where(i < steps, i, jnp.minimum(i - steps, steps - 1)), 0)
  wrap3 = lambda i: (0, jnp.where(i < steps, i, jnp.minimum(i - steps, steps - 1)), 0)
  const = lambda i: (0, 0)

  stats_mm2 = pl.pallas_call(
      functools.partial(_stats_mm2_body, N, steps),
      grid=(2 * steps,),
      in_specs=[
          pl.BlockSpec((_NC, bm, H), wrap3),
          pl.BlockSpec((bm, H), wrap),
          pl.BlockSpec((bm, 1), wrap),
          pl.BlockSpec((1, H), const),
          pl.BlockSpec((1, H), const),
          pl.BlockSpec((1, H), const),
          pl.BlockSpec((H, H), const),
      ],
      out_specs=[
          pl.BlockSpec((bm, H), wrap),
          pl.BlockSpec((1, H), const),
          pl.BlockSpec((1, H), const),
      ],
      out_shape=[
          jax.ShapeDtypeStruct((N, H), f32),
          jax.ShapeDtypeStruct((1, H), f32),
          jax.ShapeDtypeStruct((1, H), f32),
      ],
  )

  stats_pool_head = pl.pallas_call(
      functools.partial(_stats_pool_head_body, N, bm, steps),
      grid=(2 * steps + 1,),
      in_specs=[
          pl.BlockSpec((_NC, bm, H), wrap3),
          pl.BlockSpec((bm, H), wrap),
          pl.BlockSpec((bm, 1), wrap),
          pl.BlockSpec((1, H), const),
          pl.BlockSpec((1, H), const),
          pl.BlockSpec((1, H), const),
          pl.BlockSpec((bm, 1), wrap),
          pl.BlockSpec((H, 32), const),
          pl.BlockSpec((1, 32), const),
          pl.BlockSpec((32, 2), const),
          pl.BlockSpec((1, 2), const),
      ],
      out_specs=[
          pl.BlockSpec((_G, H), const),
          pl.BlockSpec((_G, 1), const),
          pl.BlockSpec((_G, 2), const),
          pl.BlockSpec((1, H), const),
          pl.BlockSpec((1, H), const),
      ],
      out_shape=[
          jax.ShapeDtypeStruct((_G, H), f32),
          jax.ShapeDtypeStruct((_G, 1), f32),
          jax.ShapeDtypeStruct((_G, 2), f32),
          jax.ShapeDtypeStruct((1, H), f32),
          jax.ShapeDtypeStruct((1, H), f32),
      ],
  )

  return dict(deg=deg_kernel, acc=acc_kernel, mm1=mm1,
              stats_mm2=stats_mm2, stats_pool_head=stats_pool_head,
              RT=RT, NPAD=NPAD, EP=EP, EPP=EPP, EPPD=EPPD)



def kernel(x, edge_index, batch, W1, b1, gamma1, beta1, W2, b2, gamma2,
           beta2, fc1_W, fc1_b, fc2_W, fc2_b):
  N, F = x.shape
  H = W1.shape[1]
  E = edge_index.shape[1]
  k = _build(N, E, F, H)
  RT = k["RT"]

  NW = _NC * _NS
  EP = k["EP"]
  NPAD = k["NPAD"]
  EPP = k["EPP"]
  EPPD = k["EPPD"]
  src = edge_index[0]
  dst = edge_index[1]
  srcr = src.reshape(NW, EP)
  dstr = dst.reshape(NW, EP)
  tile = jnp.arange(NW, dtype=jnp.int32)[:, None]

  def padded(base2d, epp, trash):
    ne = epp - EP
    lane = jnp.arange(ne, dtype=jnp.int32)[None, :]
    if trash:
      p = N + (tile * ne + lane) % (NPAD - N)
    else:
      p = (tile * ne + lane) % N
    return jnp.concatenate([base2d, p], axis=1).reshape(NW * epp)

  NCHP = EPP // _CH
  sp3 = padded(srcr, EPP, False).reshape(NW, NCHP, _CH)
  dp3 = padded(dstr, EPP, True).reshape(NW, NCHP, _CH)
  epair = jnp.stack([sp3, dp3], axis=2).reshape(NW * NCHP, 2, _CH)
  dstpd = padded(dstr, EPPD, True).reshape(NW, EPPD // _CH, _CH)
  f32 = jnp.float32
  zrows = jnp.zeros((RT, F), f32)
  ones_ch = jnp.ones((_CH, 128), f32)
  zeros_rt = jnp.zeros((RT, 128), f32)

  degp = k["deg"](dstpd, ones_ch, zeros_rt)
  hp1, dinv = k["mm1"](x, W1, degp)

  accp1 = k["acc"](hp1, epair, zrows)
  hp2, _, _ = k["stats_mm2"](accp1, hp1, dinv, b1.reshape(1, H),
                             gamma1.reshape(1, H), beta1.reshape(1, H), W2)

  accp2 = k["acc"](hp2, epair, zrows)
  ps, pc, out, _, _ = k["stats_pool_head"](
      accp2, hp2, dinv, b2.reshape(1, H), gamma2.reshape(1, H),
      beta2.reshape(1, H), batch.reshape(N, 1), fc1_W, fc1_b.reshape(1, -1),
      fc2_W, fc2_b.reshape(1, -1))
  return out

# --- scband reference (transcript-rebuilt; emitter-appended) ---
"""Pipeline reference for scband-gcnclassifier-6923487282676 (READ-ONLY COPY).

The authoritative reference and input builder live on the scoring server;
editing this copy changes nothing except your own understanding.
"""

import jax, jax.numpy as jnp
import numpy as np

N = 10000
E = 320000
F_IN = 128
H = 128
G = 128


def setup_inputs(seed: int = 0) -> dict:
    key = jax.random.key(seed)
    ks = jax.random.split(key, 12)
    x = jax.random.normal(ks[0], (N, F_IN), dtype=jnp.float32)
    edge_index = jax.random.randint(ks[1], (2, E), 0, N, dtype=jnp.int32)
    batch = jnp.sort(jax.random.randint(ks[2], (N,), 0, G, dtype=jnp.int32))
    W1 = jax.random.normal(ks[3], (F_IN, H), dtype=jnp.float32) * (1.0 / np.sqrt(F_IN))
    b1 = jnp.zeros((H,), dtype=jnp.float32)
    gamma1 = jnp.ones((H,), dtype=jnp.float32)
    beta1 = jnp.zeros((H,), dtype=jnp.float32)
    W2 = jax.random.normal(ks[4], (H, H), dtype=jnp.float32) * (1.0 / np.sqrt(H))
    b2 = jnp.zeros((H,), dtype=jnp.float32)
    gamma2 = jnp.ones((H,), dtype=jnp.float32)
    beta2 = jnp.zeros((H,), dtype=jnp.float32)
    fc1_W = jax.random.normal(ks[5], (H, 32), dtype=jnp.float32) * (1.0 / np.sqrt(H))
    fc1_b = jnp.zeros((32,), dtype=jnp.float32)
    fc2_W = jax.random.normal(ks[6], (32, 2), dtype=jnp.float32) * (1.0 / np.sqrt(32))
    fc2_b = jnp.zeros((2,), dtype=jnp.float32)
    return {"x": x, "edge_index": edge_index, "batch": batch,
            "W1": W1, "b1": b1, "gamma1": gamma1, "beta1": beta1,
            "W2": W2, "b2": b2, "gamma2": gamma2, "beta2": beta2,
            "fc1_W": fc1_W, "fc1_b": fc1_b, "fc2_W": fc2_W, "fc2_b": fc2_b}


def _gcn_conv(x, src, dst, W, b):
    n = x.shape[0]
    loop = jnp.arange(n, dtype=src.dtype)
    s = jnp.concatenate([src, loop])
    d = jnp.concatenate([dst, loop])
    deg = jax.ops.segment_sum(jnp.ones(s.shape, jnp.float32), d, num_segments=n)
    dinv = jnp.where(deg > 0, deg ** -0.5, 0.0)
    norm = dinv[s] * dinv[d]
    h = x @ W
    out = jax.ops.segment_sum(h[s] * norm[:, None], d, num_segments=n)
    return out + b


def _batchnorm(x, gamma, beta, eps=1e-5):
    mu = jnp.mean(x, axis=0)
    var = jnp.var(x, axis=0)
    return (x - mu) / jnp.sqrt(var + eps) * gamma + beta


def reference(x, edge_index, batch, W1, b1, gamma1, beta1, W2, b2, gamma2, beta2, fc1_W, fc1_b, fc2_W, fc2_b):
    src, dst = edge_index[0], edge_index[1]
    h = jax.nn.relu(_batchnorm(_gcn_conv(x, src, dst, W1, b1), gamma1, beta1))
    h = jax.nn.relu(_batchnorm(_gcn_conv(h, src, dst, W2, b2), gamma2, beta2))
    sums = jax.ops.segment_sum(h, batch, num_segments=G)
    counts = jax.ops.segment_sum(jnp.ones((h.shape[0],), jnp.float32), batch, num_segments=G)
    pooled = sums / jnp.clip(counts, 1.0)[:, None]
    h = jax.nn.relu(pooled @ fc1_W + fc1_b)
    return h @ fc2_W + fc2_b

if __name__ == "__main__":
    import jax
    _d = setup_inputs()
    print(jax.jit(kernel)(*tuple(_d.values())))

</pallas_src>

<mosaic_0001>
#map = affine_map<(d0, d1) -> (0, 0, 0)>
#map1 = affine_map<(d0, d1) -> (0, 0)>
module attributes {stable_mosaic.version = 14 : i64} {
  func.func @deg_kernel(%arg0: i32, %arg1: i32, %arg2: memref<32x80x128xi32, #tpu.memory_space<hbm>>, %arg3: memref<128x128xf32, #tpu.memory_space<hbm>>, %arg4: memref<632x128xf32, #tpu.memory_space<hbm>>, %arg5: memref<2x10112x128xf32, #tpu.memory_space<hbm>>, %arg6: memref<80x128xi32, #tpu.memory_space<vmem>>, %arg7: memref<128x128xf32, #tpu.memory_space<vmem>>, %arg8: memref<!tpu.dma_semaphore, #tpu.memory_space<semaphore_mem>>, %arg9: memref<!tpu.dma_semaphore, #tpu.memory_space<semaphore_mem>>, %arg10: memref<!tpu.dma_semaphore, #tpu.memory_space<semaphore_mem>>, %arg11: memref<!tpu.dma_semaphore, #tpu.memory_space<semaphore_mem>>, %arg12: memref<10112x128xf32, #tpu.memory_space<vmem_shared>>) attributes {dimension_semantics = [#tpu.dimension_semantics<core_parallel>, #tpu.dimension_semantics<subcore_parallel>], iteration_bounds = array<i64: 2, 16>, scalar_prefetch = 0 : i64, scratch_operands = 7 : i64, tpu.core_type = #tpu.core_type<sc_vector_subcore>, window_params = [{transform_indices = #map}, {transform_indices = #map1}, {transform_indices = #map1}, {transform_indices = #map}]} {
    %mul3A = arith.constant 16 : i32
    %mul3A_0 = arith.muli %arg0, %mul3A : i32
    %add3A = arith.addi %mul3A_0, %arg1 : i32
    "tpu.region"() ({
      %run_scoped3A = tpu.sem_alloc : memref<!tpu.dma_semaphore, #tpu.memory_space<semaphore_mem>>
      tpu.enqueue_dma source(%arg3 : memref<128x128xf32, #tpu.memory_space<hbm>>) target(%arg7 : memref<128x128xf32, #tpu.memory_space<vmem>>) target_semaphore(%run_scoped3A : memref<!tpu.dma_semaphore, #tpu.memory_space<semaphore_mem>>)
      tpu.wait_dma2 semaphore(%run_scoped3A : memref<!tpu.dma_semaphore, #tpu.memory_space<semaphore_mem>>) src(%arg3 : memref<128x128xf32, #tpu.memory_space<hbm>>) dst(%arg7 : memref<128x128xf32, #tpu.memory_space<vmem>>)
      tpu.yield
    }) : () -> ()
    "tpu.region"() ({
      %run_scoped3A = tpu.sem_alloc : memref<!tpu.dma_semaphore, #tpu.memory_space<semaphore_mem>>
      %dma_start3A_40 = arith.constant 0 : i32
      %dma_start3A_41 = arith.constant 0 : i32
      %dma_start3A_42 = tpu.memref_slice %arg2[%add3A, %dma_start3A_40, %dma_start3A_41] : memref<32x80x128xi32, #tpu.memory_space<hbm>> -> memref<1x80x128xi32, #tpu.memory_space<hbm>>
      %dma_start3A_43 = tpu.memref_squeeze %dma_start3A_42 : memref<1x80x128xi32, #tpu.memory_space<hbm>> -> memref<80x128xi32, #tpu.memory_space<hbm>>
      %dma_start3A_44 = arith.constant 0 : i32
      %dma_start3A_45 = arith.constant 0 : i32
      %dma_start3A_46 = tpu.memref_slice %arg2[%add3A, %dma_start3A_44, %dma_start3A_45] : memref<32x80x128xi32, #tpu.memory_space<hbm>> -> memref<1x80x128xi32, #tpu.memory_space<hbm>>
      %dma_start3A_47 = tpu.memref_squeeze %dma_start3A_46 : memref<1x80x128xi32, #tpu.memory_space<hbm>> -> memref<80x128xi32, #tpu.memory_space<hbm>>
      tpu.enqueue_dma source(%dma_start3A_47 : memref<80x128xi32, #tpu.memory_space<hbm>>) target(%arg6 : memref<80x128xi32, #tpu.memory_space<vmem>>) target_semaphore(%run_scoped3A : memref<!tpu.dma_semaphore, #tpu.memory_space<semaphore_mem>>)
      %dma_wait3A = arith.constant 0 : i32
      %dma_wait3A_48 = arith.constant 0 : i32
      %dma_wait3A_49 = tpu.memref_slice %arg2[%add3A, %dma_wait3A, %dma_wait3A_48] : memref<32x80x128xi32, #tpu.memory_space<hbm>> -> memref<1x80x128xi32, #tpu.memory_space<hbm>>
      %dma_wait3A_50 = tpu.memref_squeeze %dma_wait3A_49 : memref<1x80x128xi32, #tpu.memory_space<hbm>> -> memref<80x128xi32, #tpu.memory_space<hbm>>
      %dma_wait3A_51 = arith.constant 0 : i32
      %dma_wait3A_52 = arith.constant 0 : i32
      %dma_wait3A_53 = tpu.memref_slice %arg2[%add3A, %dma_wait3A_51, %dma_wait3A_52] : memref<32x80x128xi32, #tpu.memory_space<hbm>> -> memref<1x80x128xi32, #tpu.memory_space<hbm>>
      %dma_wait3A_54 = tpu.memref_squeeze %dma_wait3A_53 : memref<1x80x128xi32, #tpu.memory_space<hbm>> -> memref<80x128xi32, #tpu.memory_space<hbm>>
      tpu.wait_dma2 semaphore(%run_scoped3A : memref<!tpu.dma_semaphore, #tpu.memory_space<semaphore_mem>>) src(%dma_wait3A_54 : memref<80x128xi32, #tpu.memory_space<hbm>>) dst(%arg6 : memref<80x128xi32, #tpu.memory_space<vmem>>)
      tpu.yield
    }) : () -> ()
    %mul3A_1 = arith.constant 632 : i32
    %mul3A_2 = arith.muli %arg1, %mul3A_1 : i32
    "tpu.region"() ({
      %run_scoped3A = tpu.sem_alloc : memref<!tpu.dma_semaphore, #tpu.memory_space<semaphore_mem>>
      %dma_start3A_40 = arith.constant 0 : i32
      %dma_start3A_41 = tpu.memref_slice %arg12[%mul3A_2, %dma_start3A_40] : memref<10112x128xf32, #tpu.memory_space<vmem_shared>> -> memref<632x128xf32, #tpu.memory_space<vmem_shared>>
      tpu.enqueue_dma source(%arg4 : memref<632x128xf32, #tpu.memory_space<hbm>>) target(%dma_start3A_41 : memref<632x128xf32, #tpu.memory_space<vmem_shared>>) target_semaphore(%run_scoped3A : memref<!tpu.dma_semaphore, #tpu.memory_space<semaphore_mem>>)
      %dma_wait3A = arith.constant 0 : i32
      %dma_wait3A_42 = tpu.memref_slice %arg12[%mul3A_2, %dma_wait3A] : memref<10112x128xf32, #tpu.memory_space<vmem_shared>> -> memref<632x128xf32, #tpu.memory_space<vmem_shared>>
      tpu.wait_dma2 semaphore(%run_scoped3A : memref<!tpu.dma_semaphore, #tpu.memory_space<semaphore_mem>>) src(%arg4 : memref<632x128xf32, #tpu.memory_space<hbm>>) dst(%dma_wait3A_42 : memref<632x128xf32, #tpu.memory_space<vmem_shared>>)
      tpu.yield
    }) : () -> ()
    %barrier3A = arith.constant 0 : index
    tpu.barrier barrier_id(%barrier3A)
    %dma_start3A = arith.constant 0 : i32
    %dma_start3A_3 = arith.constant 0 : i32
    %dma_start3A_4 = tpu.memref_slice %arg6[%dma_start3A, %dma_start3A_3] : memref<80x128xi32, #tpu.memory_space<vmem>> -> memref<1x128xi32, #tpu.memory_space<vmem>>
    %dma_start3A_5 = tpu.memref_squeeze %dma_start3A_4 : memref<1x128xi32, #tpu.memory_space<vmem>> -> memref<128xi32, #tpu.memory_space<vmem>>
    %dma_start3A_6 = arith.constant 0 : i32
    %dma_start3A_7 = arith.constant 0 : i32
    %dma_start3A_8 = tpu.memref_slice %arg12[%dma_start3A_6, %dma_start3A_7] : memref<10112x128xf32, #tpu.memory_space<vmem_shared>> -> memref<10112x128xf32, #tpu.memory_space<vmem_shared>>
    tpu.enqueue_indirect_dma source(%arg7 : memref<128x128xf32, #tpu.memory_space<vmem>>) target(%dma_start3A_8 : memref<10112x128xf32, #tpu.memory_space<vmem_shared>>) offsets(%dma_start3A_5 : memref<128xi32, #tpu.memory_space<vmem>>) semaphore(%arg8 : memref<!tpu.dma_semaphore, #tpu.memory_space<semaphore_mem>>) {add = true}
    %dma_start3A_9 = arith.constant 1 : i32
    %dma_start3A_10 = arith.constant 0 : i32
    %dma_start3A_11 = tpu.memref_slice %arg6[%dma_start3A_9, %dma_start3A_10] : memref<80x128xi32, #tpu.memory_space<vmem>> -> memref<1x128xi32, #tpu.memory_space<vmem>>
    %dma_start3A_12 = tpu.memref_squeeze %dma_start3A_11 : memref<1x128xi32, #tpu.memory_space<vmem>> -> memref<128xi32, #tpu.memory_space<vmem>>
    %dma_start3A_13 = arith.constant 0 : i32
    %dma_start3A_14 = arith.constant 0 : i32
    %dma_start3A_15 = tpu.memref_slice %arg12[%dma_start3A_13, %dma_start3A_14] : memref<10112x128xf32, #tpu.memory_space<vmem_shared>> -> memref<10112x128xf32, #tpu.memory_space<vmem_shared>>
    tpu.enqueue_indirect_dma source(%arg7 : memref<128x128xf32, #tpu.memory_space<vmem>>) target(%dma_start3A_15 : memref<10112x128xf32, #tpu.memory_space<vmem_shared>>) offsets(%dma_start3A_12 : memref<128xi32, #tpu.memory_space<vmem>>) semaphore(%arg9 : memref<!tpu.dma_semaphore, #tpu.memory_space<semaphore_mem>>) {add = true}
    %dma_start3A_16 = arith.constant 2 : i32
    %dma_start3A_17 = arith.constant 0 : i32
    %dma_start3A_18 = tpu.memref_slice %arg6[%dma_start3A_16, %dma_start3A_17] : memref<80x128xi32, #tpu.memory_space<vmem>> -> memref<1x128xi32, #tpu.memory_space<vmem>>
    %dma_start3A_19 = tpu.memref_squeeze %dma_start3A_18 : memref<1x128xi32, #tpu.memory_space<vmem>> -> memref<128xi32, #tpu.memory_space<vmem>>
    %dma_start3A_20 = arith.constant 0 : i32
    %dma_start3A_21 = arith.constant 0 : i32
    %dma_start3A_22 = tpu.memref_slice %arg12[%dma_start3A_20, %dma_start3A_21] : memref<10112x128xf32, #tpu.memory_space<vmem_shared>> -> memref<10112x128xf32, #tpu.memory_space<vmem_shared>>
    tpu.enqueue_indirect_dma source(%arg7 : memref<128x128xf32, #tpu.memory_space<vmem>>) target(%dma_start3A_22 : memref<10112x128xf32, #tpu.memory_space<vmem_shared>>) offsets(%dma_start3A_19 : memref<128xi32, #tpu.memory_space<vmem>>) semaphore(%arg10 : memref<!tpu.dma_semaphore, #tpu.memory_space<semaphore_mem>>) {add = true}
    %dma_start3A_23 = arith.constant 3 : i32
    %dma_start3A_24 = arith.constant 0 : i32
    %dma_start3A_25 = tpu.memref_slice %arg6[%dma_start3A_23, %dma_start3A_24] : memref<80x128xi32, #tpu.memory_space<vmem>> -> memref<1x128xi32, #tpu.memory_space<vmem>>
    %dma_start3A_26 = tpu.memref_squeeze %dma_start3A_25 : memref<1x128xi32, #tpu.memory_space<vmem>> -> memref<128xi32, #tpu.memory_space<vmem>>
    %dma_start3A_27 = arith.constant 0 : i32
    %dma_start3A_28 = arith.constant 0 : i32
    %dma_start3A_29 = tpu.memref_slice %arg12[%dma_start3A_27, %dma_start3A_28] : memref<10112x128xf32, #tpu.memory_space<vmem_shared>> -> memref<10112x128xf32, #tpu.memory_space<vmem_shared>>
    tpu.enqueue_indirect_dma source(%arg7 : memref<128x128xf32, #tpu.memory_space<vmem>>) target(%dma_start3A_29 : memref<10112x128xf32, #tpu.memory_space<vmem_shared>>) offsets(%dma_start3A_26 : memref<128xi32, #tpu.memory_space<vmem>>) semaphore(%arg11 : memref<!tpu.dma_semaphore, #tpu.memory_space<semaphore_mem>>) {add = true}
    %scan3A = arith.constant 0 : i32
    %scan3A_30 = arith.constant 0 : i32
    %scan3A_31 = arith.constant 20 : i32
    %scan3A_32 = arith.addi %scan3A_30, %scan3A_31 : i32
    %scan3A_33 = arith.constant 1 : i32
    scf.for %scan3A_40 = %scan3A_30 to %scan3A_32 step %scan3A_33  : i32 {
      %mul3A_41 = arith.constant 4 : i32
      %mul3A_42 = arith.muli %scan3A_40, %mul3A_41 : i32
      %add3A_43 = arith.constant 0 : i32
      %add3A_44 = arith.addi %mul3A_42, %add3A_43 : i32
      %dma_wait3A = arith.constant 0 : i32
      %dma_wait3A_45 = tpu.memref_slice %arg6[%add3A_44, %dma_wait3A] : memref<80x128xi32, #tpu.memory_space<vmem>> -> memref<1x128xi32, #tpu.memory_space<vmem>>
      %dma_wait3A_46 = tpu.memref_squeeze %dma_wait3A_45 : memref<1x128xi32, #tpu.memory_space<vmem>> -> memref<128xi32, #tpu.memory_space<vmem>>
      %dma_wait3A_47 = arith.constant 0 : i32
      %dma_wait3A_48 = arith.constant 0 : i32
      %dma_wait3A_49 = tpu.memref_slice %arg12[%dma_wait3A_47, %dma_wait3A_48] : memref<10112x128xf32, #tpu.memory_space<vmem_shared>> -> memref<10112x128xf32, #tpu.memory_space<vmem_shared>>
      tpu.wait_indirect_dma semaphore(%arg8 : memref<!tpu.dma_semaphore, #tpu.memory_space<semaphore_mem>>) src(%arg7 : memref<128x128xf32, #tpu.memory_space<vmem>>) dst(%dma_wait3A_49 : memref<10112x128xf32, #tpu.memory_space<vmem_shared>>)
      %lt3A = arith.constant 19 : i32
      %lt3A_50 = arith.cmpi slt, %scan3A_40, %lt3A : i32
      %convert_element_type3A = arith.extui %lt3A_50 : i1 to i32
      %cond3A = arith.constant 0 : i32
      %cond3A_51 = arith.cmpi ne, %convert_element_type3A, %cond3A : i32
      scf.if %cond3A_51 {
        %add3A_97 = arith.constant 4 : i32
        %add3A_98 = arith.addi %add3A_44, %add3A_97 : i32
        %dma_start3A_99 = arith.constant 0 : i32
        %dma_start3A_100 = tpu.memref_slice %arg6[%add3A_98, %dma_start3A_99] : memref<80x128xi32, #tpu.memory_space<vmem>> -> memref<1x128xi32, #tpu.memory_space<vmem>>
        %dma_start3A_101 = tpu.memref_squeeze %dma_start3A_100 : memref<1x128xi32, #tpu.memory_space<vmem>> -> memref<128xi32, #tpu.memory_space<vmem>>
        %dma_start3A_102 = arith.constant 0 : i32
        %dma_start3A_103 = arith.constant 0 : i32
        %dma_start3A_104 = tpu.memref_slice %arg12[%dma_start3A_102, %dma_start3A_103] : memref<10112x128xf32, #tpu.memory_space<vmem_shared>> -> memref<10112x128xf32, #tpu.memory_space<vmem_shared>>
        tpu.enqueue_indirect_dma source(%arg7 : memref<128x128xf32, #tpu.memory_space<vmem>>) target(%dma_start3A_104 : memref<10112x128xf32, #tpu.memory_space<vmem_shared>>) offsets(%dma_start3A_101 : memref<128xi32, #tpu.memory_space<vmem>>) semaphore(%arg8 : memref<!tpu.dma_semaphore, #tpu.memory_space<semaphore_mem>>) {add = true}
      } else {
      }
      %mul3A_52 = arith.constant 4 : i32
      %mul3A_53 = arith.muli %scan3A_40, %mul3A_52 : i32
      %add3A_54 = arith.constant 1 : i32
      %add3A_55 = arith.addi %mul3A_53, %add3A_54 : i32
      %dma_wait3A_56 = arith.constant 0 : i32
      %dma_wait3A_57 = tpu.memref_slice %arg6[%add3A_55, %dma_wait3A_56] : memref<80x128xi32, #tpu.memory_space<vmem>> -> memref<1x128xi32, #tpu.memory_space<vmem>>
      %dma_wait3A_58 = tpu.memref_squeeze %dma_wait3A_57 : memref<1x128xi32, #tpu.memory_space<vmem>> -> memref<128xi32, #tpu.memory_space<vmem>>
      %dma_wait3A_59 = arith.constant 0 : i32
      %dma_wait3A_60 = arith.constant 0 : i32
      %dma_wait3A_61 = tpu.memref_slice %arg12[%dma_wait3A_59, %dma_wait3A_60] : memref<10112x128xf32, #tpu.memory_space<vmem_shared>> -> memref<10112x128xf32, #tpu.memory_space<vmem_shared>>
      tpu.wait_indirect_dma semaphore(%arg9 : memref<!tpu.dma_semaphore, #tpu.memory_space<semaphore_mem>>) src(%arg7 : memref<128x128xf32, #tpu.memory_space<vmem>>) dst(%dma_wait3A_61 : memref<10112x128xf32, #tpu.memory_space<vmem_shared>>)
      %lt3A_62 = arith.constant 19 : i32
      %lt3A_63 = arith.cmpi slt, %scan3A_40, %lt3A_62 : i32
      %convert_element_type3A_64 = arith.extui %lt3A_63 : i1 to i32
      %cond3A_65 = arith.constant 0 : i32
      %cond3A_66 = arith.cmpi ne, %convert_element_type3A_64, %cond3A_65 : i32
      scf.if %cond3A_66 {
        %add3A_97 = arith.constant 4 : i32
        %add3A_98 = arith.addi %add3A_55, %add3A_97 : i32
        %dma_start3A_99 = arith.constant 0 : i32
        %dma_start3A_100 = tpu.memref_slice %arg6[%add3A_98, %dma_start3A_99] : memref<80x128xi32, #tpu.memory_space<vmem>> -> memref<1x128xi32, #tpu.memory_space<vmem>>
        %dma_start3A_101 = tpu.memref_squeeze %dma_start3A_100 : memref<1x128xi32, #tpu.memory_space<vmem>> -> memref<128xi32, #tpu.memory_space<vmem>>
        %dma_start3A_102 = arith.constant 0 : i32
        %dma_start3A_103 = arith.constant 0 : i32
        %dma_start3A_104 = tpu.memref_slice %arg12[%dma_start3A_102, %dma_start3A_103] : memref<10112x128xf32, #tpu.memory_space<vmem_shared>> -> memref<10112x128xf32, #tpu.memory_space<vmem_shared>>
        tpu.enqueue_indirect_dma source(%arg7 : memref<128x128xf32, #tpu.memory_space<vmem>>) target(%dma_start3A_104 : memref<10112x128xf32, #tpu.memory_space<vmem_shared>>) offsets(%dma_start3A_101 : memref<128xi32, #tpu.memory_space<vmem>>) semaphore(%arg9 : memref<!tpu.dma_semaphore, #tpu.memory_space<semaphore_mem>>) {add = true}
      } else {
      }
      %mul3A_67 = arith.constant 4 : i32
      %mul3A_68 = arith.muli %scan3A_40, %mul3A_67 : i32
      %add3A_69 = arith.constant 2 : i32
      %add3A_70 = arith.addi %mul3A_68, %add3A_69 : i32
      %dma_wait3A_71 = arith.constant 0 : i32
      %dma_wait3A_72 = tpu.memref_slice %arg6[%add3A_70, %dma_wait3A_71] : memref<80x128xi32, #tpu.memory_space<vmem>> -> memref<1x128xi32, #tpu.memory_space<vmem>>
      %dma_wait3A_73 = tpu.memref_squeeze %dma_wait3A_72 : memref<1x128xi32, #tpu.memory_space<vmem>> -> memref<128xi32, #tpu.memory_space<vmem>>
      %dma_wait3A_74 = arith.constant 0 : i32
      %dma_wait3A_75 = arith.constant 0 : i32
      %dma_wait3A_76 = tpu.memref_slice %arg12[%dma_wait3A_74, %dma_wait3A_75] : memref<10112x128xf32, #tpu.memory_space<vmem_shared>> -> memref<10112x128xf32, #tpu.memory_space<vmem_shared>>
      tpu.wait_indirect_dma semaphore(%arg10 : memref<!tpu.dma_semaphore, #tpu.memory_space<semaphore_mem>>) src(%arg7 : memref<128x128xf32, #tpu.memory_space<vmem>>) dst(%dma_wait3A_76 : memref<10112x128xf32, #tpu.memory_space<vmem_shared>>)
      %lt3A_77 = arith.constant 19 : i32
      %lt3A_78 = arith.cmpi slt, %scan3A_40, %lt3A_77 : i32
      %convert_element_type3A_79 = arith.extui %lt3A_78 : i1 to i32
      %cond3A_80 = arith.constant 0 : i32
      %cond3A_81 = arith.cmpi ne, %convert_element_type3A_79, %cond3A_80 : i32
      scf.if %cond3A_81 {
        %add3A_97 = arith.constant 4 : i32
        %add3A_98 = arith.addi %add3A_70, %add3A_97 : i32
        %dma_start3A_99 = arith.constant 0 : i32
        %dma_start3A_100 = tpu.memref_slice %arg6[%add3A_98, %dma_start3A_99] : memref<80x128xi32, #tpu.memory_space<vmem>> -> memref<1x128xi32, #tpu.memory_space<vmem>>
        %dma_start3A_101 = tpu.memref_squeeze %dma_start3A_100 : memref<1x128xi32, #tpu.memory_space<vmem>> -> memref<128xi32, #tpu.memory_space<vmem>>
        %dma_start3A_102 = arith.constant 0 : i32
        %dma_start3A_103 = arith.constant 0 : i32
        %dma_start3A_104 = tpu.memref_slice %arg12[%dma_start3A_102, %dma_start3A_103] : memref<10112x128xf32, #tpu.memory_space<vmem_shared>> -> memref<10112x128xf32, #tpu.memory_space<vmem_shared>>
        tpu.enqueue_indirect_dma source(%arg7 : memref<128x128xf32, #tpu.memory_space<vmem>>) target(%dma_start3A_104 : memref<10112x128xf32, #tpu.memory_space<vmem_shared>>) offsets(%dma_start3A_101 : memref<128xi32, #tpu.memory_space<vmem>>) semaphore(%arg10 : memref<!tpu.dma_semaphore, #tpu.memory_space<semaphore_mem>>) {add = true}
      } else {
      }
      %mul3A_82 = arith.constant 4 : i32
      %mul3A_83 = arith.muli %scan3A_40, %mul3A_82 : i32
      %add3A_84 = arith.constant 3 : i32
      %add3A_85 = arith.addi %mul3A_83, %add3A_84 : i32
      %dma_wait3A_86 = arith.constant 0 : i32
      %dma_wait3A_87 = tpu.memref_slice %arg6[%add3A_85, %dma_wait3A_86] : memref<80x128xi32, #tpu.memory_space<vmem>> -> memref<1x128xi32, #tpu.memory_space<vmem>>
      %dma_wait3A_88 = tpu.memref_squeeze %dma_wait3A_87 : memref<1x128xi32, #tpu.memory_space<vmem>> -> memref<128xi32, #tpu.memory_space<vmem>>
      %dma_wait3A_89 = arith.constant 0 : i32
      %dma_wait3A_90 = arith.constant 0 : i32
      %dma_wait3A_91 = tpu.memref_slice %arg12[%dma_wait3A_89, %dma_wait3A_90] : memref<10112x128xf32, #tpu.memory_space<vmem_shared>> -> memref<10112x128xf32, #tpu.memory_space<vmem_shared>>
      tpu.wait_indirect_dma semaphore(%arg11 : memref<!tpu.dma_semaphore, #tpu.memory_space<semaphore_mem>>) src(%arg7 : memref<128x128xf32, #tpu.memory_space<vmem>>) dst(%dma_wait3A_91 : memref<10112x128xf32, #tpu.memory_space<vmem_shared>>)
      %lt3A_92 = arith.constant 19 : i32
      %lt3A_93 = arith.cmpi slt, %scan3A_40, %lt3A_92 : i32
      %convert_element_type3A_94 = arith.extui %lt3A_93 : i1 to i32
      %cond3A_95 = arith.constant 0 : i32
      %cond3A_96 = arith.cmpi ne, %convert_element_type3A_94, %cond3A_95 : i32
      scf.if %cond3A_96 {
        %add3A_97 = arith.constant 4 : i32
        %add3A_98 = arith.addi %add3A_85, %add3A_97 : i32
        %dma_start3A_99 = arith.constant 0 : i32
        %dma_start3A_100 = tpu.memref_slice %arg6[%add3A_98, %dma_start3A_99] : memref<80x128xi32, #tpu.memory_space<vmem>> -> memref<1x128xi32, #tpu.memory_space<vmem>>
        %dma_start3A_101 = tpu.memref_squeeze %dma_start3A_100 : memref<1x128xi32, #tpu.memory_space<vmem>> -> memref<128xi32, #tpu.memory_space<vmem>>
        %dma_start3A_102 = arith.constant 0 : i32
        %dma_start3A_103 = arith.constant 0 : i32
        %dma_start3A_104 = tpu.memref_slice %arg12[%dma_start3A_102, %dma_start3A_103] : memref<10112x128xf32, #tpu.memory_space<vmem_shared>> -> memref<10112x128xf32, #tpu.memory_space<vmem_shared>>
        tpu.enqueue_indirect_dma source(%arg7 : memref<128x128xf32, #tpu.memory_space<vmem>>) target(%dma_start3A_104 : memref<10112x128xf32, #tpu.memory_space<vmem_shared>>) offsets(%dma_start3A_101 : memref<128xi32, #tpu.memory_space<vmem>>) semaphore(%arg11 : memref<!tpu.dma_semaphore, #tpu.memory_space<semaphore_mem>>) {add = true}
      } else {
      }
    }
    %scan3A_34 = arith.constant 20 : i32
    %barrier3A_35 = arith.constant 0 : index
    tpu.barrier barrier_id(%barrier3A_35)
    %mul3A_36 = arith.constant 632 : i32
    %mul3A_37 = arith.muli %arg1, %mul3A_36 : i32
    %mul3A_38 = arith.constant 632 : i32
    %mul3A_39 = arith.muli %arg1, %mul3A_38 : i32
    "tpu.region"() ({
      %run_scoped3A = tpu.sem_alloc : memref<!tpu.dma_semaphore, #tpu.memory_space<semaphore_mem>>
      %dma_start3A_40 = arith.constant 0 : i32
      %dma_start3A_41 = tpu.memref_slice %arg5[%arg0, %mul3A_39, %dma_start3A_40] : memref<2x10112x128xf32, #tpu.memory_space<hbm>> -> memref<1x632x128xf32, #tpu.memory_space<hbm>>
      %dma_start3A_42 = tpu.memref_squeeze %dma_start3A_41 : memref<1x632x128xf32, #tpu.memory_space<hbm>> -> memref<632x128xf32, #tpu.memory_space<hbm>>
      %dma_start3A_43 = arith.constant 0 : i32
      %dma_start3A_44 = tpu.memref_slice %arg12[%mul3A_37, %dma_start3A_43] : memref<10112x128xf32, #tpu.memory_space<vmem_shared>> -> memref<632x128xf32, #tpu.memory_space<vmem_shared>>
      tpu.enqueue_dma source(%dma_start3A_44 : memref<632x128xf32, #tpu.memory_space<vmem_shared>>) target(%dma_start3A_42 : memref<632x128xf32, #tpu.memory_space<hbm>>) target_semaphore(%run_scoped3A : memref<!tpu.dma_semaphore, #tpu.memory_space<semaphore_mem>>)
      %dma_wait3A = arith.constant 0 : i32
      %dma_wait3A_45 = tpu.memref_slice %arg5[%arg0, %mul3A_39, %dma_wait3A] : memref<2x10112x128xf32, #tpu.memory_space<hbm>> -> memref<1x632x128xf32, #tpu.memory_space<hbm>>
      %dma_wait3A_46 = tpu.memref_squeeze %dma_wait3A_45 : memref<1x632x128xf32, #tpu.memory_space<hbm>> -> memref<632x128xf32, #tpu.memory_space<hbm>>
      %dma_wait3A_47 = arith.constant 0 : i32
      %dma_wait3A_48 = tpu.memref_slice %arg12[%mul3A_37, %dma_wait3A_47] : memref<10112x128xf32, #tpu.memory_space<vmem_shared>> -> memref<632x128xf32, #tpu.memory_space<vmem_shared>>
      tpu.wait_dma2 semaphore(%run_scoped3A : memref<!tpu.dma_semaphore, #tpu.memory_space<semaphore_mem>>) src(%dma_wait3A_48 : memref<632x128xf32, #tpu.memory_space<vmem_shared>>) dst(%dma_wait3A_46 : memref<632x128xf32, #tpu.memory_space<hbm>>)
      tpu.yield
    }) : () -> ()
    return
  }
}

#map = affine_map<(d0, d1) -> (0, 0)>
#map1 = affine_map<(d0, d1) -> (0, 0, 0)>
module attributes {stable_mosaic.version = 14 : i64} {
  func.func @acc_kernel(%arg0: i32, %arg1: i32, %arg2: memref<10000x128xf32, #tpu.memory_space<hbm>>, %arg3: memref<2592x2x128xi32, #tpu.memory_space<hbm>>, %arg4: memref<632x128xf32, #tpu.memory_space<hbm>>, %arg5: memref<2x10112x128xf32, #tpu.memory_space<hbm>>, %arg6: memref<2x128xi32, #tpu.memory_space<vmem>>, %arg7: memref<2x128xi32, #tpu.memory_space<vmem>>, %arg8: memref<2x128xi32, #tpu.memory_space<vmem>>, %arg9: memref<128x128xf32, #tpu.memory_space<vmem>>, %arg10: memref<128x128xf32, #tpu.memory_space<vmem>>, %arg11: memref<128x128xf32, #tpu.memory_space<vmem>>, %arg12: memref<!tpu.dma_semaphore, #tpu.memory_space<semaphore_mem>>, %arg13: memref<!tpu.dma_semaphore, #tpu.memory_space<semaphore_mem>>, %arg14: memref<!tpu.dma_semaphore, #tpu.memory_space<semaphore_mem>>, %arg15: memref<!tpu.dma_semaphore, #tpu.memory_space<semaphore_mem>>, %arg16: memref<!tpu.dma_semaphore, #tpu.memory_space<semaphore_mem>>, %arg17: memref<!tpu.dma_semaphore, #tpu.memory_space<semaphore_mem>>, %arg18: memref<10112x128xf32, #tpu.memory_space<vmem_shared>>) attributes {dimension_semantics = [#tpu.dimension_semantics<core_parallel>, #tpu.dimension_semantics<subcore_parallel>], iteration_bounds = array<i64: 2, 16>, scalar_prefetch = 0 : i64, scratch_operands = 13 : i64, tpu.core_type = #tpu.core_type<sc_vector_subcore>, window_params = [{transform_indices = #map}, {transform_indices = #map1}, {transform_indices = #map}, {transform_indices = #map1}]} {
    %mul3A = arith.constant 16 : i32
    %mul3A_0 = arith.muli %arg0, %mul3A : i32
    %add3A = arith.addi %mul3A_0, %arg1 : i32
    %mul3A_1 = arith.constant 632 : i32
    %mul3A_2 = arith.muli %arg1, %mul3A_1 : i32
    "tpu.region"() ({
      %run_scoped3A = tpu.sem_alloc : memref<!tpu.dma_semaphore, #tpu.memory_space<semaphore_mem>>
      %dma_start3A_61 = arith.constant 0 : i32
      %dma_start3A_62 = tpu.memref_slice %arg18[%mul3A_2, %dma_start3A_61] : memref<10112x128xf32, #tpu.memory_space<vmem_shared>> -> memref<632x128xf32, #tpu.memory_space<vmem_shared>>
      tpu.enqueue_dma source(%arg4 : memref<632x128xf32, #tpu.memory_space<hbm>>) target(%dma_start3A_62 : memref<632x128xf32, #tpu.memory_space<vmem_shared>>) target_semaphore(%run_scoped3A : memref<!tpu.dma_semaphore, #tpu.memory_space<semaphore_mem>>)
      %dma_wait3A_63 = arith.constant 0 : i32
      %dma_wait3A_64 = tpu.memref_slice %arg18[%mul3A_2, %dma_wait3A_63] : memref<10112x128xf32, #tpu.memory_space<vmem_shared>> -> memref<632x128xf32, #tpu.memory_space<vmem_shared>>
      tpu.wait_dma2 semaphore(%run_scoped3A : memref<!tpu.dma_semaphore, #tpu.memory_space<semaphore_mem>>) src(%arg4 : memref<632x128xf32, #tpu.memory_space<hbm>>) dst(%dma_wait3A_64 : memref<632x128xf32, #tpu.memory_space<vmem_shared>>)
      tpu.yield
    }) : () -> ()
    %barrier3A = arith.constant 0 : index
    tpu.barrier barrier_id(%barrier3A)
    %mul3A_3 = arith.constant 81 : i32
    %mul3A_4 = arith.muli %add3A, %mul3A_3 : i32
    %add3A_5 = arith.constant 0 : i32
    %add3A_6 = arith.addi %mul3A_4, %add3A_5 : i32
    "tpu.region"() ({
      %run_scoped3A = tpu.sem_alloc : memref<!tpu.dma_semaphore, #tpu.memory_space<semaphore_mem>>
      %dma_start3A_61 = arith.constant 0 : i32
      %dma_start3A_62 = arith.constant 0 : i32
      %dma_start3A_63 = tpu.memref_slice %arg3[%add3A_6, %dma_start3A_61, %dma_start3A_62] : memref<2592x2x128xi32, #tpu.memory_space<hbm>> -> memref<1x2x128xi32, #tpu.memory_space<hbm>>
      %dma_start3A_64 = tpu.memref_squeeze %dma_start3A_63 : memref<1x2x128xi32, #tpu.memory_space<hbm>> -> memref<2x128xi32, #tpu.memory_space<hbm>>
      %dma_start3A_65 = arith.constant 0 : i32
      %dma_start3A_66 = arith.constant 0 : i32
      %dma_start3A_67 = tpu.memref_slice %arg3[%add3A_6, %dma_start3A_65, %dma_start3A_66] : memref<2592x2x128xi32, #tpu.memory_space<hbm>> -> memref<1x2x128xi32, #tpu.memory_space<hbm>>
      %dma_start3A_68 = tpu.memref_squeeze %dma_start3A_67 : memref<1x2x128xi32, #tpu.memory_space<hbm>> -> memref<2x128xi32, #tpu.memory_space<hbm>>
      tpu.enqueue_dma source(%dma_start3A_68 : memref<2x128xi32, #tpu.memory_space<hbm>>) target(%arg6 : memref<2x128xi32, #tpu.memory_space<vmem>>) target_semaphore(%run_scoped3A : memref<!tpu.dma_semaphore, #tpu.memory_space<semaphore_mem>>)
      %dma_wait3A_69 = arith.constant 0 : i32
      %dma_wait3A_70 = arith.constant 0 : i32
      %dma_wait3A_71 = tpu.memref_slice %arg3[%add3A_6, %dma_wait3A_69, %dma_wait3A_70] : memref<2592x2x128xi32, #tpu.memory_space<hbm>> -> memref<1x2x128xi32, #tpu.memory_space<hbm>>
      %dma_wait3A_72 = tpu.memref_squeeze %dma_wait3A_71 : memref<1x2x128xi32, #tpu.memory_space<hbm>> -> memref<2x128xi32, #tpu.memory_space<hbm>>
      %dma_wait3A_73 = arith.constant 0 : i32
      %dma_wait3A_74 = arith.constant 0 : i32
      %dma_wait3A_75 = tpu.memref_slice %arg3[%add3A_6, %dma_wait3A_73, %dma_wait3A_74] : memref<2592x2x128xi32, #tpu.memory_space<hbm>> -> memref<1x2x128xi32, #tpu.memory_space<hbm>>
      %dma_wait3A_76 = tpu.memref_squeeze %dma_wait3A_75 : memref<1x2x128xi32, #tpu.memory_space<hbm>> -> memref<2x128xi32, #tpu.memory_space<hbm>>
      tpu.wait_dma2 semaphore(%run_scoped3A : memref<!tpu.dma_semaphore, #tpu.memory_space<semaphore_mem>>) src(%dma_wait3A_76 : memref<2x128xi32, #tpu.memory_space<hbm>>) dst(%arg6 : memref<2x128xi32, #tpu.memory_space<vmem>>)
      tpu.yield
    }) : () -> ()
    %dma_start3A = arith.constant 0 : i32
    %dma_start3A_7 = arith.constant 0 : i32
    %dma_start3A_8 = tpu.memref_slice %arg6[%dma_start3A, %dma_start3A_7] : memref<2x128xi32, #tpu.memory_space<vmem>> -> memref<1x128xi32, #tpu.memory_space<vmem>>
    %dma_start3A_9 = tpu.memref_squeeze %dma_start3A_8 : memref<1x128xi32, #tpu.memory_space<vmem>> -> memref<128xi32, #tpu.memory_space<vmem>>
    %dma_start3A_10 = arith.constant 0 : i32
    %dma_start3A_11 = arith.constant 0 : i32
    %dma_start3A_12 = tpu.memref_slice %arg2[%dma_start3A_10, %dma_start3A_11] : memref<10000x128xf32, #tpu.memory_space<hbm>> -> memref<10000x128xf32, #tpu.memory_space<hbm>>
    tpu.enqueue_indirect_dma source(%dma_start3A_12 : memref<10000x128xf32, #tpu.memory_space<hbm>>) target(%arg9 : memref<128x128xf32, #tpu.memory_space<vmem>>) offsets(%dma_start3A_9 : memref<128xi32, #tpu.memory_space<vmem>>) semaphore(%arg12 : memref<!tpu.dma_semaphore, #tpu.memory_space<semaphore_mem>>)
    %add3A_13 = arith.constant 1 : i32
    %add3A_14 = arith.addi %mul3A_4, %add3A_13 : i32
    "tpu.region"() ({
      %run_scoped3A = tpu.sem_alloc : memref<!tpu.dma_semaphore, #tpu.memory_space<semaphore_mem>>
      %dma_start3A_61 = arith.constant 0 : i32
      %dma_start3A_62 = arith.constant 0 : i32
      %dma_start3A_63 = tpu.memref_slice %arg3[%add3A_14, %dma_start3A_61, %dma_start3A_62] : memref<2592x2x128xi32, #tpu.memory_space<hbm>> -> memref<1x2x128xi32, #tpu.memory_space<hbm>>
      %dma_start3A_64 = tpu.memref_squeeze %dma_start3A_63 : memref<1x2x128xi32, #tpu.memory_space<hbm>> -> memref<2x128xi32, #tpu.memory_space<hbm>>
      %dma_start3A_65 = arith.constant 0 : i32
      %dma_start3A_66 = arith.constant 0 : i32
      %dma_start3A_67 = tpu.memref_slice %arg3[%add3A_14, %dma_start3A_65, %dma_start3A_66] : memref<2592x2x128xi32, #tpu.memory_space<hbm>> -> memref<1x2x128xi32, #tpu.memory_space<hbm>>
      %dma_start3A_68 = tpu.memref_squeeze %dma_start3A_67 : memref<1x2x128xi32, #tpu.memory_space<hbm>> -> memref<2x128xi32, #tpu.memory_space<hbm>>
      tpu.enqueue_dma source(%dma_start3A_68 : memref<2x128xi32, #tpu.memory_space<hbm>>) target(%arg7 : memref<2x128xi32, #tpu.memory_space<vmem>>) target_semaphore(%run_scoped3A : memref<!tpu.dma_semaphore, #tpu.memory_space<semaphore_mem>>)
      %dma_wait3A_69 = arith.constant 0 : i32
      %dma_wait3A_70 = arith.constant 0 : i32
      %dma_wait3A_71 = tpu.memref_slice %arg3[%add3A_14, %dma_wait3A_69, %dma_wait3A_70] : memref<2592x2x128xi32, #tpu.memory_space<hbm>> -> memref<1x2x128xi32, #tpu.memory_space<hbm>>
      %dma_wait3A_72 = tpu.memref_squeeze %dma_wait3A_71 : memref<1x2x128xi32, #tpu.memory_space<hbm>> -> memref<2x128xi32, #tpu.memory_space<hbm>>
      %dma_wait3A_73 = arith.constant 0 : i32
      %dma_wait3A_74 = arith.constant 0 : i32
      %dma_wait3A_75 = tpu.memref_slice %arg3[%add3A_14, %dma_wait3A_73, %dma_wait3A_74] : memref<2592x2x128xi32, #tpu.memory_space<hbm>> -> memref<1x2x128xi32, #tpu.memory_space<hbm>>
      %dma_wait3A_76 = tpu.memref_squeeze %dma_wait3A_75 : memref<1x2x128xi32, #tpu.memory_space<hbm>> -> memref<2x128xi32, #tpu.memory_space<hbm>>
      tpu.wait_dma2 semaphore(%run_scoped3A : memref<!tpu.dma_semaphore, #tpu.memory_space<semaphore_mem>>) src(%dma_wait3A_76 : memref<2x128xi32, #tpu.memory_space<hbm>>) dst(%arg7 : memref<2x128xi32, #tpu.memory_space<vmem>>)
      tpu.yield
    }) : () -> ()
    %dma_start3A_15 = arith.constant 0 : i32
    %dma_start3A_16 = arith.constant 0 : i32
    %dma_start3A_17 = tpu.memref_slice %arg7[%dma_start3A_15, %dma_start3A_16] : memref<2x128xi32, #tpu.memory_space<vmem>> -> memref<1x128xi32, #tpu.memory_space<vmem>>
    %dma_start3A_18 = tpu.memref_squeeze %dma_start3A_17 : memref<1x128xi32, #tpu.memory_space<vmem>> -> memref<128xi32, #tpu.memory_space<vmem>>
    %dma_start3A_19 = arith.constant 0 : i32
    %dma_start3A_20 = arith.constant 0 : i32
    %dma_start3A_21 = tpu.memref_slice %arg2[%dma_start3A_19, %dma_start3A_20] : memref<10000x128xf32, #tpu.memory_space<hbm>> -> memref<10000x128xf32, #tpu.memory_space<hbm>>
    tpu.enqueue_indirect_dma source(%dma_start3A_21 : memref<10000x128xf32, #tpu.memory_space<hbm>>) target(%arg10 : memref<128x128xf32, #tpu.memory_space<vmem>>) offsets(%dma_start3A_18 : memref<128xi32, #tpu.memory_space<vmem>>) semaphore(%arg13 : memref<!tpu.dma_semaphore, #tpu.memory_space<semaphore_mem>>)
    %add3A_22 = arith.constant 2 : i32
    %add3A_23 = arith.addi %mul3A_4, %add3A_22 : i32
    "tpu.region"() ({
      %run_scoped3A = tpu.sem_alloc : memref<!tpu.dma_semaphore, #tpu.memory_space<semaphore_mem>>
      %dma_start3A_61 = arith.constant 0 : i32
      %dma_start3A_62 = arith.constant 0 : i32
      %dma_start3A_63 = tpu.memref_slice %arg3[%add3A_23, %dma_start3A_61, %dma_start3A_62] : memref<2592x2x128xi32, #tpu.memory_space<hbm>> -> memref<1x2x128xi32, #tpu.memory_space<hbm>>
      %dma_start3A_64 = tpu.memref_squeeze %dma_start3A_63 : memref<1x2x128xi32, #tpu.memory_space<hbm>> -> memref<2x128xi32, #tpu.memory_space<hbm>>
      %dma_start3A_65 = arith.constant 0 : i32
      %dma_start3A_66 = arith.constant 0 : i32
      %dma_start3A_67 = tpu.memref_slice %arg3[%add3A_23, %dma_start3A_65, %dma_start3A_66] : memref<2592x2x128xi32, #tpu.memory_space<hbm>> -> memref<1x2x128xi32, #tpu.memory_space<hbm>>
      %dma_start3A_68 = tpu.memref_squeeze %dma_start3A_67 : memref<1x2x128xi32, #tpu.memory_space<hbm>> -> memref<2x128xi32, #tpu.memory_space<hbm>>
      tpu.enqueue_dma source(%dma_start3A_68 : memref<2x128xi32, #tpu.memory_space<hbm>>) target(%arg8 : memref<2x128xi32, #tpu.memory_space<vmem>>) target_semaphore(%run_scoped3A : memref<!tpu.dma_semaphore, #tpu.memory_space<semaphore_mem>>)
      %dma_wait3A_69 = arith.constant 0 : i32
      %dma_wait3A_70 = arith.constant 0 : i32
      %dma_wait3A_71 = tpu.memref_slice %arg3[%add3A_23, %dma_wait3A_69, %dma_wait3A_70] : memref<2592x2x128xi32, #tpu.memory_space<hbm>> -> memref<1x2x128xi32, #tpu.memory_space<hbm>>
      %dma_wait3A_72 = tpu.memref_squeeze %dma_wait3A_71 : memref<1x2x128xi32, #tpu.memory_space<hbm>> -> memref<2x128xi32, #tpu.memory_space<hbm>>
      %dma_wait3A_73 = arith.constant 0 : i32
      %dma_wait3A_74 = arith.constant 0 : i32
      %dma_wait3A_75 = tpu.memref_slice %arg3[%add3A_23, %dma_wait3A_73, %dma_wait3A_74] : memref<2592x2x128xi32, #tpu.memory_space<hbm>> -> memref<1x2x128xi32, #tpu.memory_space<hbm>>
      %dma_wait3A_76 = tpu.memref_squeeze %dma_wait3A_75 : memref<1x2x128xi32, #tpu.memory_space<hbm>> -> memref<2x128xi32, #tpu.memory_space<hbm>>
      tpu.wait_dma2 semaphore(%run_scoped3A : memref<!tpu.dma_semaphore, #tpu.memory_space<semaphore_mem>>) src(%dma_wait3A_76 : memref<2x128xi32, #tpu.memory_space<hbm>>) dst(%arg8 : memref<2x128xi32, #tpu.memory_space<vmem>>)
      tpu.yield
    }) : () -> ()
    %dma_start3A_24 = arith.constant 0 : i32
    %dma_start3A_25 = arith.constant 0 : i32
    %dma_start3A_26 = tpu.memref_slice %arg8[%dma_start3A_24, %dma_start3A_25] : memref<2x128xi32, #tpu.memory_space<vmem>> -> memref<1x128xi32, #tpu.memory_space<vmem>>
    %dma_start3A_27 = tpu.memref_squeeze %dma_start3A_26 : memref<1x128xi32, #tpu.memory_space<vmem>> -> memref<128xi32, #tpu.memory_space<vmem>>
    %dma_start3A_28 = arith.constant 0 : i32
    %dma_start3A_29 = arith.constant 0 : i32
    %dma_start3A_30 = tpu.memref_slice %arg2[%dma_start3A_28, %dma_start3A_29] : memref<10000x128xf32, #tpu.memory_space<hbm>> -> memref<10000x128xf32, #tpu.memory_space<hbm>>
    tpu.enqueue_indirect_dma source(%dma_start3A_30 : memref<10000x128xf32, #tpu.memory_space<hbm>>) target(%arg11 : memref<128x128xf32, #tpu.memory_space<vmem>>) offsets(%dma_start3A_27 : memref<128xi32, #tpu.memory_space<vmem>>) semaphore(%arg14 : memref<!tpu.dma_semaphore, #tpu.memory_space<semaphore_mem>>)
    %scan3A = arith.constant 0 : i32
    %scan3A_31 = arith.constant 0 : i32
    %scan3A_32 = arith.constant 27 : i32
    %scan3A_33 = arith.addi %scan3A_31, %scan3A_32 : i32
    %scan3A_34 = arith.constant 1 : i32
    scf.for %scan3A_61 = %scan3A_31 to %scan3A_33 step %scan3A_34  : i32 {
      %mul3A_62 = arith.constant 3 : i32
      %mul3A_63 = arith.muli %scan3A_61, %mul3A_62 : i32
      %add3A_64 = arith.constant 0 : i32
      %add3A_65 = arith.addi %mul3A_63, %add3A_64 : i32
      %dma_wait3A_66 = arith.constant 0 : i32
      %dma_wait3A_67 = arith.constant 0 : i32
      %dma_wait3A_68 = tpu.memref_slice %arg6[%dma_wait3A_66, %dma_wait3A_67] : memref<2x128xi32, #tpu.memory_space<vmem>> -> memref<1x128xi32, #tpu.memory_space<vmem>>
      %dma_wait3A_69 = tpu.memref_squeeze %dma_wait3A_68 : memref<1x128xi32, #tpu.memory_space<vmem>> -> memref<128xi32, #tpu.memory_space<vmem>>
      %dma_wait3A_70 = arith.constant 0 : i32
      %dma_wait3A_71 = arith.constant 0 : i32
      %dma_wait3A_72 = tpu.memref_slice %arg2[%dma_wait3A_70, %dma_wait3A_71] : memref<10000x128xf32, #tpu.memory_space<hbm>> -> memref<10000x128xf32, #tpu.memory_space<hbm>>
      tpu.wait_indirect_dma semaphore(%arg12 : memref<!tpu.dma_semaphore, #tpu.memory_space<semaphore_mem>>) src(%dma_wait3A_72 : memref<10000x128xf32, #tpu.memory_space<hbm>>) dst(%arg9 : memref<128x128xf32, #tpu.memory_space<vmem>>)
      %dma_start3A_73 = arith.constant 1 : i32
      %dma_start3A_74 = arith.constant 0 : i32
      %dma_start3A_75 = tpu.memref_slice %arg6[%dma_start3A_73, %dma_start3A_74] : memref<2x128xi32, #tpu.memory_space<vmem>> -> memref<1x128xi32, #tpu.memory_space<vmem>>
      %dma_start3A_76 = tpu.memref_squeeze %dma_start3A_75 : memref<1x128xi32, #tpu.memory_space<vmem>> -> memref<128xi32, #tpu.memory_space<vmem>>
      %dma_start3A_77 = arith.constant 0 : i32
      %dma_start3A_78 = arith.constant 0 : i32
      %dma_start3A_79 = tpu.memref_slice %arg18[%dma_start3A_77, %dma_start3A_78] : memref<10112x128xf32, #tpu.memory_space<vmem_shared>> -> memref<10112x128xf32, #tpu.memory_space<vmem_shared>>
      tpu.enqueue_indirect_dma source(%arg9 : memref<128x128xf32, #tpu.memory_space<vmem>>) target(%dma_start3A_79 : memref<10112x128xf32, #tpu.memory_space<vmem_shared>>) offsets(%dma_start3A_76 : memref<128xi32, #tpu.memory_space<vmem>>) semaphore(%arg15 : memref<!tpu.dma_semaphore, #tpu.memory_space<semaphore_mem>>) {add = true}
      %lt3A = arith.constant 26 : i32
      %lt3A_80 = arith.cmpi slt, %scan3A_61, %lt3A : i32
      %convert_element_type3A = arith.extui %lt3A_80 : i1 to i32
      %cond3A = arith.constant 0 : i32
      %cond3A_81 = arith.cmpi ne, %convert_element_type3A, %cond3A : i32
      scf.if %cond3A_81 {
        %dma_wait3A_128 = arith.constant 1 : i32
        %dma_wait3A_129 = arith.constant 0 : i32
        %dma_wait3A_130 = tpu.memref_slice %arg6[%dma_wait3A_128, %dma_wait3A_129] : memref<2x128xi32, #tpu.memory_space<vmem>> -> memref<1x128xi32, #tpu.memory_space<vmem>>
        %dma_wait3A_131 = tpu.memref_squeeze %dma_wait3A_130 : memref<1x128xi32, #tpu.memory_space<vmem>> -> memref<128xi32, #tpu.memory_space<vmem>>
        %dma_wait3A_132 = arith.constant 0 : i32
        %dma_wait3A_133 = arith.constant 0 : i32
        %dma_wait3A_134 = tpu.memref_slice %arg18[%dma_wait3A_132, %dma_wait3A_133] : memref<10112x128xf32, #tpu.memory_space<vmem_shared>> -> memref<10112x128xf32, #tpu.memory_space<vmem_shared>>
        tpu.wait_indirect_dma semaphore(%arg15 : memref<!tpu.dma_semaphore, #tpu.memory_space<semaphore_mem>>) src(%arg9 : memref<128x128xf32, #tpu.memory_space<vmem>>) dst(%dma_wait3A_134 : memref<10112x128xf32, #tpu.memory_space<vmem_shared>>)
        %add3A_135 = arith.addi %mul3A_4, %add3A_65 : i32
        %add3A_136 = arith.constant 3 : i32
        %add3A_137 = arith.addi %add3A_135, %add3A_136 : i32
        "tpu.region"() ({
          %run_scoped3A = tpu.sem_alloc : memref<!tpu.dma_semaphore, #tpu.memory_space<semaphore_mem>>
          %dma_start3A_145 = arith.constant 0 : i32
          %dma_start3A_146 = arith.constant 0 : i32
          %dma_start3A_147 = tpu.memref_slice %arg3[%add3A_137, %dma_start3A_145, %dma_start3A_146] : memref<2592x2x128xi32, #tpu.memory_space<hbm>> -> memref<1x2x128xi32, #tpu.memory_space<hbm>>
          %dma_start3A_148 = tpu.memref_squeeze %dma_start3A_147 : memref<1x2x128xi32, #tpu.memory_space<hbm>> -> memref<2x128xi32, #tpu.memory_space<hbm>>
          %dma_start3A_149 = arith.constant 0 : i32
          %dma_start3A_150 = arith.constant 0 : i32
          %dma_start3A_151 = tpu.memref_slice %arg3[%add3A_137, %dma_start3A_149, %dma_start3A_150] : memref<2592x2x128xi32, #tpu.memory_space<hbm>> -> memref<1x2x128xi32, #tpu.memory_space<hbm>>
          %dma_start3A_152 = tpu.memref_squeeze %dma_start3A_151 : memref<1x2x128xi32, #tpu.memory_space<hbm>> -> memref<2x128xi32, #tpu.memory_space<hbm>>
          tpu.enqueue_dma source(%dma_start3A_152 : memref<2x128xi32, #tpu.memory_space<hbm>>) target(%arg6 : memref<2x128xi32, #tpu.memory_space<vmem>>) target_semaphore(%run_scoped3A : memref<!tpu.dma_semaphore, #tpu.memory_space<semaphore_mem>>)
          %dma_wait3A_153 = arith.constant 0 : i32
          %dma_wait3A_154 = arith.constant 0 : i32
          %dma_wait3A_155 = tpu.memref_slice %arg3[%add3A_137, %dma_wait3A_153, %dma_wait3A_154] : memref<2592x2x128xi32, #tpu.memory_space<hbm>> -> memref<1x2x128xi32, #tpu.memory_space<hbm>>
          %dma_wait3A_156 = tpu.memref_squeeze %dma_wait3A_155 : memref<1x2x128xi32, #tpu.memory_space<hbm>> -> memref<2x128xi32, #tpu.memory_space<hbm>>
          %dma_wait3A_157 = arith.constant 0 : i32
          %dma_wait3A_158 = arith.constant 0 : i32
          %dma_wait3A_159 = tpu.memref_slice %arg3[%add3A_137, %dma_wait3A_157, %dma_wait3A_158] : memref<2592x2x128xi32, #tpu.memory_space<hbm>> -> memref<1x2x128xi32, #tpu.memory_space<hbm>>
          %dma_wait3A_160 = tpu.memref_squeeze %dma_wait3A_159 : memref<1x2x128xi32, #tpu.memory_space<hbm>> -> memref<2x128xi32, #tpu.memory_space<hbm>>
          tpu.wait_dma2 semaphore(%run_scoped3A : memref<!tpu.dma_semaphore, #tpu.memory_space<semaphore_mem>>) src(%dma_wait3A_160 : memref<2x128xi32, #tpu.memory_space<hbm>>) dst(%arg6 : memref<2x128xi32, #tpu.memory_space<vmem>>)
          tpu.yield
        }) : () -> ()
        %dma_start3A_138 = arith.constant 0 : i32
        %dma_start3A_139 = arith.constant 0 : i32
        %dma_start3A_140 = tpu.memref_slice %arg6[%dma_start3A_138, %dma_start3A_139] : memref<2x128xi32, #tpu.memory_space<vmem>> -> memref<1x128xi32, #tpu.memory_space<vmem>>
        %dma_start3A_141 = tpu.memref_squeeze %dma_start3A_140 : memref<1x128xi32, #tpu.memory_space<vmem>> -> memref<128xi32, #tpu.memory_space<vmem>>
        %dma_start3A_142 = arith.constant 0 : i32
        %dma_start3A_143 = arith.constant 0 : i32
        %dma_start3A_144 = tpu.memref_slice %arg2[%dma_start3A_142, %dma_start3A_143] : memref<10000x128xf32, #tpu.memory_space<hbm>> -> memref<10000x128xf32, #tpu.memory_space<hbm>>
        tpu.enqueue_indirect_dma source(%dma_start3A_144 : memref<10000x128xf32, #tpu.memory_space<hbm>>) target(%arg9 : memref<128x128xf32, #tpu.memory_space<vmem>>) offsets(%dma_start3A_141 : memref<128xi32, #tpu.memory_space<vmem>>) semaphore(%arg12 : memref<!tpu.dma_semaphore, #tpu.memory_space<semaphore_mem>>)
      } else {
      }
      %mul3A_82 = arith.constant 3 : i32
      %mul3A_83 = arith.muli %scan3A_61, %mul3A_82 : i32
      %add3A_84 = arith.constant 1 : i32
      %add3A_85 = arith.addi %mul3A_83, %add3A_84 : i32
      %dma_wait3A_86 = arith.constant 0 : i32
      %dma_wait3A_87 = arith.constant 0 : i32
      %dma_wait3A_88 = tpu.memref_slice %arg7[%dma_wait3A_86, %dma_wait3A_87] : memref<2x128xi32, #tpu.memory_space<vmem>> -> memref<1x128xi32, #tpu.memory_space<vmem>>
      %dma_wait3A_89 = tpu.memref_squeeze %dma_wait3A_88 : memref<1x128xi32, #tpu.memory_space<vmem>> -> memref<128xi32, #tpu.memory_space<vmem>>
      %dma_wait3A_90 = arith.constant 0 : i32
      %dma_wait3A_91 = arith.constant 0 : i32
      %dma_wait3A_92 = tpu.memref_slice %arg2[%dma_wait3A_90, %dma_wait3A_91] : memref<10000x128xf32, #tpu.memory_space<hbm>> -> memref<10000x128xf32, #tpu.memory_space<hbm>>
      tpu.wait_indirect_dma semaphore(%arg13 : memref<!tpu.dma_semaphore, #tpu.memory_space<semaphore_mem>>) src(%dma_wait3A_92 : memref<10000x128xf32, #tpu.memory_space<hbm>>) dst(%arg10 : memref<128x128xf32, #tpu.memory_space<vmem>>)
      %dma_start3A_93 = arith.constant 1 : i32
      %dma_start3A_94 = arith.constant 0 : i32
      %dma_start3A_95 = tpu.memref_slice %arg7[%dma_start3A_93, %dma_start3A_94] : memref<2x128xi32, #tpu.memory_space<vmem>> -> memref<1x128xi32, #tpu.memory_space<vmem>>
      %dma_start3A_96 = tpu.memref_squeeze %dma_start3A_95 : memref<1x128xi32, #tpu.memory_space<vmem>> -> memref<128xi32, #tpu.memory_space<vmem>>
      %dma_start3A_97 = arith.constant 0 : i32
      %dma_start3A_98 = arith.constant 0 : i32
      %dma_start3A_99 = tpu.memref_slice %arg18[%dma_start3A_97, %dma_start3A_98] : memref<10112x128xf32, #tpu.memory_space<vmem_shared>> -> memref<10112x128xf32, #tpu.memory_space<vmem_shared>>
      tpu.enqueue_indirect_dma source(%arg10 : memref<128x128xf32, #tpu.memory_space<vmem>>) target(%dma_start3A_99 : memref<10112x128xf32, #tpu.memory_space<vmem_shared>>) offsets(%dma_start3A_96 : memref<128xi32, #tpu.memory_space<vmem>>) semaphore(%arg16 : memref<!tpu.dma_semaphore, #tpu.memory_space<semaphore_mem>>) {add = true}
      %lt3A_100 = arith.constant 26 : i32
      %lt3A_101 = arith.cmpi slt, %scan3A_61, %lt3A_100 : i32
      %convert_element_type3A_102 = arith.extui %lt3A_101 : i1 to i32
      %cond3A_103 = arith.constant 0 : i32
      %cond3A_104 = arith.cmpi ne, %convert_element_type3A_102, %cond3A_103 : i32
      scf.if %cond3A_104 {
        %dma_wait3A_128 = arith.constant 1 : i32
        %dma_wait3A_129 = arith.constant 0 : i32
        %dma_wait3A_130 = tpu.memref_slice %arg7[%dma_wait3A_128, %dma_wait3A_129] : memref<2x128xi32, #tpu.memory_space<vmem>> -> memref<1x128xi32, #tpu.memory_space<vmem>>
        %dma_wait3A_131 = tpu.memref_squeeze %dma_wait3A_130 : memref<1x128xi32, #tpu.memory_space<vmem>> -> memref<128xi32, #tpu.memory_space<vmem>>
        %dma_wait3A_132 = arith.constant 0 : i32
        %dma_wait3A_133 = arith.constant 0 : i32
        %dma_wait3A_134 = tpu.memref_slice %arg18[%dma_wait3A_132, %dma_wait3A_133] : memref<10112x128xf32, #tpu.memory_space<vmem_shared>> -> memref<10112x128xf32, #tpu.memory_space<vmem_shared>>
        tpu.wait_indirect_dma semaphore(%arg16 : memref<!tpu.dma_semaphore, #tpu.memory_space<semaphore_mem>>) src(%arg10 : memref<128x128xf32, #tpu.memory_space<vmem>>) dst(%dma_wait3A_134 : memref<10112x128xf32, #tpu.memory_space<vmem_shared>>)
        %add3A_135 = arith.addi %mul3A_4, %add3A_85 : i32
        %add3A_136 = arith.constant 3 : i32
        %add3A_137 = arith.addi %add3A_135, %add3A_136 : i32
        "tpu.region"() ({
          %run_scoped3A = tpu.sem_alloc : memref<!tpu.dma_semaphore, #tpu.memory_space<semaphore_mem>>
          %dma_start3A_145 = arith.constant 0 : i32
          %dma_start3A_146 = arith.constant 0 : i32
          %dma_start3A_147 = tpu.memref_slice %arg3[%add3A_137, %dma_start3A_145, %dma_start3A_146] : memref<2592x2x128xi32, #tpu.memory_space<hbm>> -> memref<1x2x128xi32, #tpu.memory_space<hbm>>
          %dma_start3A_148 = tpu.memref_squeeze %dma_start3A_147 : memref<1x2x128xi32, #tpu.memory_space<hbm>> -> memref<2x128xi32, #tpu.memory_space<hbm>>
          %dma_start3A_149 = arith.constant 0 : i32
          %dma_start3A_150 = arith.constant 0 : i32
          %dma_start3A_151 = tpu.memref_slice %arg3[%add3A_137, %dma_start3A_149, %dma_start3A_150] : memref<2592x2x128xi32, #tpu.memory_space<hbm>> -> memref<1x2x128xi32, #tpu.memory_space<hbm>>
          %dma_start3A_152 = tpu.memref_squeeze %dma_start3A_151 : memref<1x2x128xi32, #tpu.memory_space<hbm>> -> memref<2x128xi32, #tpu.memory_space<hbm>>
          tpu.enqueue_dma source(%dma_start3A_152 : memref<2x128xi32, #tpu.memory_space<hbm>>) target(%arg7 : memref<2x128xi32, #tpu.memory_space<vmem>>) target_semaphore(%run_scoped3A : memref<!tpu.dma_semaphore, #tpu.memory_space<semaphore_mem>>)
          %dma_wait3A_153 = arith.constant 0 : i32
          %dma_wait3A_154 = arith.constant 0 : i32
          %dma_wait3A_155 = tpu.memref_slice %arg3[%add3A_137, %dma_wait3A_153, %dma_wait3A_154] : memref<2592x2x128xi32, #tpu.memory_space<hbm>> -> memref<1x2x128xi32, #tpu.memory_space<hbm>>
          %dma_wait3A_156 = tpu.memref_squeeze %dma_wait3A_155 : memref<1x2x128xi32, #tpu.memory_space<hbm>> -> memref<2x128xi32, #tpu.memory_space<hbm>>
          %dma_wait3A_157 = arith.constant 0 : i32
          %dma_wait3A_158 = arith.constant 0 : i32
          %dma_wait3A_159 = tpu.memref_slice %arg3[%add3A_137, %dma_wait3A_157, %dma_wait3A_158] : memref<2592x2x128xi32, #tpu.memory_space<hbm>> -> memref<1x2x128xi32, #tpu.memory_space<hbm>>
          %dma_wait3A_160 = tpu.memref_squeeze %dma_wait3A_159 : memref<1x2x128xi32, #tpu.memory_space<hbm>> -> memref<2x128xi32, #tpu.memory_space<hbm>>
          tpu.wait_dma2 semaphore(%run_scoped3A : memref<!tpu.dma_semaphore, #tpu.memory_space<semaphore_mem>>) src(%dma_wait3A_160 : memref<2x128xi32, #tpu.memory_space<hbm>>) dst(%arg7 : memref<2x128xi32, #tpu.memory_space<vmem>>)
          tpu.yield
        }) : () -> ()
        %dma_start3A_138 = arith.constant 0 : i32
        %dma_start3A_139 = arith.constant 0 : i32
        %dma_start3A_140 = tpu.memref_slice %arg7[%dma_start3A_138, %dma_start3A_139] : memref<2x128xi32, #tpu.memory_space<vmem>> -> memref<1x128xi32, #tpu.memory_space<vmem>>
        %dma_start3A_141 = tpu.memref_squeeze %dma_start3A_140 : memref<1x128xi32, #tpu.memory_space<vmem>> -> memref<128xi32, #tpu.memory_space<vmem>>
        %dma_start3A_142 = arith.constant 0 : i32
        %dma_start3A_143 = arith.constant 0 : i32
        %dma_start3A_144 = tpu.memref_slice %arg2[%dma_start3A_142, %dma_start3A_143] : memref<10000x128xf32, #tpu.memory_space<hbm>> -> memref<10000x128xf32, #tpu.memory_space<hbm>>
        tpu.enqueue_indirect_dma source(%dma_start3A_144 : memref<10000x128xf32, #tpu.memory_space<hbm>>) target(%arg10 : memref<128x128xf32, #tpu.memory_space<vmem>>) offsets(%dma_start3A_141 : memref<128xi32, #tpu.memory_space<vmem>>) semaphore(%arg13 : memref<!tpu.dma_semaphore, #tpu.memory_space<semaphore_mem>>)
      } else {
      }
      %mul3A_105 = arith.constant 3 : i32
      %mul3A_106 = arith.muli %scan3A_61, %mul3A_105 : i32
      %add3A_107 = arith.constant 2 : i32
      %add3A_108 = arith.addi %mul3A_106, %add3A_107 : i32
      %dma_wait3A_109 = arith.constant 0 : i32
      %dma_wait3A_110 = arith.constant 0 : i32
      %dma_wait3A_111 = tpu.memref_slice %arg8[%dma_wait3A_109, %dma_wait3A_110] : memref<2x128xi32, #tpu.memory_space<vmem>> -> memref<1x128xi32, #tpu.memory_space<vmem>>
      %dma_wait3A_112 = tpu.memref_squeeze %dma_wait3A_111 : memref<1x128xi32, #tpu.memory_space<vmem>> -> memref<128xi32, #tpu.memory_space<vmem>>
      %dma_wait3A_113 = arith.constant 0 : i32
      %dma_wait3A_114 = arith.constant 0 : i32
      %dma_wait3A_115 = tpu.memref_slice %arg2[%dma_wait3A_113, %dma_wait3A_114] : memref<10000x128xf32, #tpu.memory_space<hbm>> -> memref<10000x128xf32, #tpu.memory_space<hbm>>
      tpu.wait_indirect_dma semaphore(%arg14 : memref<!tpu.dma_semaphore, #tpu.memory_space<semaphore_mem>>) src(%dma_wait3A_115 : memref<10000x128xf32, #tpu.memory_space<hbm>>) dst(%arg11 : memref<128x128xf32, #tpu.memory_space<vmem>>)
      %dma_start3A_116 = arith.constant 1 : i32
      %dma_start3A_117 = arith.constant 0 : i32
      %dma_start3A_118 = tpu.memref_slice %arg8[%dma_start3A_116, %dma_start3A_117] : memref<2x128xi32, #tpu.memory_space<vmem>> -> memref<1x128xi32, #tpu.memory_space<vmem>>
      %dma_start3A_119 = tpu.memref_squeeze %dma_start3A_118 : memref<1x128xi32, #tpu.memory_space<vmem>> -> memref<128xi32, #tpu.memory_space<vmem>>
      %dma_start3A_120 = arith.constant 0 : i32
      %dma_start3A_121 = arith.constant 0 : i32
      %dma_start3A_122 = tpu.memref_slice %arg18[%dma_start3A_120, %dma_start3A_121] : memref<10112x128xf32, #tpu.memory_space<vmem_shared>> -> memref<10112x128xf32, #tpu.memory_space<vmem_shared>>
      tpu.enqueue_indirect_dma source(%arg11 : memref<128x128xf32, #tpu.memory_space<vmem>>) target(%dma_start3A_122 : memref<10112x128xf32, #tpu.memory_space<vmem_shared>>) offsets(%dma_start3A_119 : memref<128xi32, #tpu.memory_space<vmem>>) semaphore(%arg17 : memref<!tpu.dma_semaphore, #tpu.memory_space<semaphore_mem>>) {add = true}
      %lt3A_123 = arith.constant 26 : i32
      %lt3A_124 = arith.cmpi slt, %scan3A_61, %lt3A_123 : i32
      %convert_element_type3A_125 = arith.extui %lt3A_124 : i1 to i32
      %cond3A_126 = arith.constant 0 : i32
      %cond3A_127 = arith.cmpi ne, %convert_element_type3A_125, %cond3A_126 : i32
      scf.if %cond3A_127 {
        %dma_wait3A_128 = arith.constant 1 : i32
        %dma_wait3A_129 = arith.constant 0 : i32
        %dma_wait3A_130 = tpu.memref_slice %arg8[%dma_wait3A_128, %dma_wait3A_129] : memref<2x128xi32, #tpu.memory_space<vmem>> -> memref<1x128xi32, #tpu.memory_space<vmem>>
        %dma_wait3A_131 = tpu.memref_squeeze %dma_wait3A_130 : memref<1x128xi32, #tpu.memory_space<vmem>> -> memref<128xi32, #tpu.memory_space<vmem>>
        %dma_wait3A_132 = arith.constant 0 : i32
        %dma_wait3A_133 = arith.constant 0 : i32
        %dma_wait3A_134 = tpu.memref_slice %arg18[%dma_wait3A_132, %dma_wait3A_133] : memref<10112x128xf32, #tpu.memory_space<vmem_shared>> -> memref<10112x128xf32, #tpu.memory_space<vmem_shared>>
        tpu.wait_indirect_dma semaphore(%arg17 : memref<!tpu.dma_semaphore, #tpu.memory_space<semaphore_mem>>) src(%arg11 : memref<128x128xf32, #tpu.memory_space<vmem>>) dst(%dma_wait3A_134 : memref<10112x128xf32, #tpu.memory_space<vmem_shared>>)
        %add3A_135 = arith.addi %mul3A_4, %add3A_108 : i32
        %add3A_136 = arith.constant 3 : i32
        %add3A_137 = arith.addi %add3A_135, %add3A_136 : i32
        "tpu.region"() ({
          %run_scoped3A = tpu.sem_alloc : memref<!tpu.dma_semaphore, #tpu.memory_space<semaphore_mem>>
          %dma_start3A_145 = arith.constant 0 : i32
          %dma_start3A_146 = arith.constant 0 : i32
          %dma_start3A_147 = tpu.memref_slice %arg3[%add3A_137, %dma_start3A_145, %dma_start3A_146] : memref<2592x2x128xi32, #tpu.memory_space<hbm>> -> memref<1x2x128xi32, #tpu.memory_space<hbm>>
          %dma_start3A_148 = tpu.memref_squeeze %dma_start3A_147 : memref<1x2x128xi32, #tpu.memory_space<hbm>> -> memref<2x128xi32, #tpu.memory_space<hbm>>
          %dma_start3A_149 = arith.constant 0 : i32
          %dma_start3A_150 = arith.constant 0 : i32
          %dma_start3A_151 = tpu.memref_slice %arg3[%add3A_137, %dma_start3A_149, %dma_start3A_150] : memref<2592x2x128xi32, #tpu.memory_space<hbm>> -> memref<1x2x128xi32, #tpu.memory_space<hbm>>
          %dma_start3A_152 = tpu.memref_squeeze %dma_start3A_151 : memref<1x2x128xi32, #tpu.memory_space<hbm>> -> memref<2x128xi32, #tpu.memory_space<hbm>>
          tpu.enqueue_dma source(%dma_start3A_152 : memref<2x128xi32, #tpu.memory_space<hbm>>) target(%arg8 : memref<2x128xi32, #tpu.memory_space<vmem>>) target_semaphore(%run_scoped3A : memref<!tpu.dma_semaphore, #tpu.memory_space<semaphore_mem>>)
          %dma_wait3A_153 = arith.constant 0 : i32
          %dma_wait3A_154 = arith.constant 0 : i32
          %dma_wait3A_155 = tpu.memref_slice %arg3[%add3A_137, %dma_wait3A_153, %dma_wait3A_154] : memref<2592x2x128xi32, #tpu.memory_space<hbm>> -> memref<1x2x128xi32, #tpu.memory_space<hbm>>
          %dma_wait3A_156 = tpu.memref_squeeze %dma_wait3A_155 : memref<1x2x128xi32, #tpu.memory_space<hbm>> -> memref<2x128xi32, #tpu.memory_space<hbm>>
          %dma_wait3A_157 = arith.constant 0 : i32
          %dma_wait3A_158 = arith.constant 0 : i32
          %dma_wait3A_159 = tpu.memref_slice %arg3[%add3A_137, %dma_wait3A_157, %dma_wait3A_158] : memref<2592x2x128xi32, #tpu.memory_space<hbm>> -> memref<1x2x128xi32, #tpu.memory_space<hbm>>
          %dma_wait3A_160 = tpu.memref_squeeze %dma_wait3A_159 : memref<1x2x128xi32, #tpu.memory_space<hbm>> -> memref<2x128xi32, #tpu.memory_space<hbm>>
          tpu.wait_dma2 semaphore(%run_scoped3A : memref<!tpu.dma_semaphore, #tpu.memory_space<semaphore_mem>>) src(%dma_wait3A_160 : memref<2x128xi32, #tpu.memory_space<hbm>>) dst(%arg8 : memref<2x128xi32, #tpu.memory_space<vmem>>)
          tpu.yield
        }) : () -> ()
        %dma_start3A_138 = arith.constant 0 : i32
        %dma_start3A_139 = arith.constant 0 : i32
        %dma_start3A_140 = tpu.memref_slice %arg8[%dma_start3A_138, %dma_start3A_139] : memref<2x128xi32, #tpu.memory_space<vmem>> -> memref<1x128xi32, #tpu.memory_space<vmem>>
        %dma_start3A_141 = tpu.memref_squeeze %dma_start3A_140 : memref<1x128xi32, #tpu.memory_space<vmem>> -> memref<128xi32, #tpu.memory_space<vmem>>
        %dma_start3A_142 = arith.constant 0 : i32
        %dma_start3A_143 = arith.constant 0 : i32
        %dma_start3A_144 = tpu.memref_slice %arg2[%dma_start3A_142, %dma_start3A_143] : memref<10000x128xf32, #tpu.memory_space<hbm>> -> memref<10000x128xf32, #tpu.memory_space<hbm>>
        tpu.enqueue_indirect_dma source(%dma_start3A_144 : memref<10000x128xf32, #tpu.memory_space<hbm>>) target(%arg11 : memref<128x128xf32, #tpu.memory_space<vmem>>) offsets(%dma_start3A_141 : memref<128xi32, #tpu.memory_space<vmem>>) semaphore(%arg14 : memref<!tpu.dma_semaphore, #tpu.memory_space<semaphore_mem>>)
      } else {
      }
    }
    %scan3A_35 = arith.constant 27 : i32
    %dma_wait3A = arith.constant 1 : i32
    %dma_wait3A_36 = arith.constant 0 : i32
    %dma_wait3A_37 = tpu.memref_slice %arg6[%dma_wait3A, %dma_wait3A_36] : memref<2x128xi32, #tpu.memory_space<vmem>> -> memref<1x128xi32, #tpu.memory_space<vmem>>
    %dma_wait3A_38 = tpu.memref_squeeze %dma_wait3A_37 : memref<1x128xi32, #tpu.memory_space<vmem>> -> memref<128xi32, #tpu.memory_space<vmem>>
    %dma_wait3A_39 = arith.constant 0 : i32
    %dma_wait3A_40 = arith.constant 0 : i32
    %dma_wait3A_41 = tpu.memref_slice %arg18[%dma_wait3A_39, %dma_wait3A_40] : memref<10112x128xf32, #tpu.memory_space<vmem_shared>> -> memref<10112x128xf32, #tpu.memory_space<vmem_shared>>
    tpu.wait_indirect_dma semaphore(%arg15 : memref<!tpu.dma_semaphore, #tpu.memory_space<semaphore_mem>>) src(%arg9 : memref<128x128xf32, #tpu.memory_space<vmem>>) dst(%dma_wait3A_41 : memref<10112x128xf32, #tpu.memory_space<vmem_shared>>)
    %dma_wait3A_42 = arith.constant 1 : i32
    %dma_wait3A_43 = arith.constant 0 : i32
    %dma_wait3A_44 = tpu.memref_slice %arg7[%dma_wait3A_42, %dma_wait3A_43] : memref<2x128xi32, #tpu.memory_space<vmem>> -> memref<1x128xi32, #tpu.memory_space<vmem>>
    %dma_wait3A_45 = tpu.memref_squeeze %dma_wait3A_44 : memref<1x128xi32, #tpu.memory_space<vmem>> -> memref<128xi32, #tpu.memory_space<vmem>>
    %dma_wait3A_46 = arith.constant 0 : i32
    %dma_wait3A_47 = arith.constant 0 : i32
    %dma_wait3A_48 = tpu.memref_slice %arg18[%dma_wait3A_46, %dma_wait3A_47] : memref<10112x128xf32, #tpu.memory_space<vmem_shared>> -> memref<10112x128xf32, #tpu.memory_space<vmem_shared>>
    tpu.wait_indirect_dma semaphore(%arg16 : memref<!tpu.dma_semaphore, #tpu.memory_space<semaphore_mem>>) src(%arg10 : memref<128x128xf32, #tpu.memory_space<vmem>>) dst(%dma_wait3A_48 : memref<10112x128xf32, #tpu.memory_space<vmem_shared>>)
    %dma_wait3A_49 = arith.constant 1 : i32
    %dma_wait3A_50 = arith.constant 0 : i32
    %dma_wait3A_51 = tpu.memref_slice %arg8[%dma_wait3A_49, %dma_wait3A_50] : memref<2x128xi32, #tpu.memory_space<vmem>> -> memref<1x128xi32, #tpu.memory_space<vmem>>
    %dma_wait3A_52 = tpu.memref_squeeze %dma_wait3A_51 : memref<1x128xi32, #tpu.memory_space<vmem>> -> memref<128xi32, #tpu.memory_space<vmem>>
    %dma_wait3A_53 = arith.constant 0 : i32
    %dma_wait3A_54 = arith.constant 0 : i32
    %dma_wait3A_55 = tpu.memref_slice %arg18[%dma_wait3A_53, %dma_wait3A_54] : memref<10112x128xf32, #tpu.memory_space<vmem_shared>> -> memref<10112x128xf32, #tpu.memory_space<vmem_shared>>
    tpu.wait_indirect_dma semaphore(%arg17 : memref<!tpu.dma_semaphore, #tpu.memory_space<semaphore_mem>>) src(%arg11 : memref<128x128xf32, #tpu.memory_space<vmem>>) dst(%dma_wait3A_55 : memref<10112x128xf32, #tpu.memory_space<vmem_shared>>)
    %barrier3A_56 = arith.constant 0 : index
    tpu.barrier barrier_id(%barrier3A_56)
    %mul3A_57 = arith.constant 632 : i32
    %mul3A_58 = arith.muli %arg1, %mul3A_57 : i32
    %mul3A_59 = arith.constant 632 : i32
    %mul3A_60 = arith.muli %arg1, %mul3A_59 : i32
    "tpu.region"() ({
      %run_scoped3A = tpu.sem_alloc : memref<!tpu.dma_semaphore, #tpu.memory_space<semaphore_mem>>
      %dma_start3A_61 = arith.constant 0 : i32
      %dma_start3A_62 = tpu.memref_slice %arg5[%arg0, %mul3A_60, %dma_start3A_61] : memref<2x10112x128xf32, #tpu.memory_space<hbm>> -> memref<1x632x128xf32, #tpu.memory_space<hbm>>
      %dma_start3A_63 = tpu.memref_squeeze %dma_start3A_62 : memref<1x632x128xf32, #tpu.memory_space<hbm>> -> memref<632x128xf32, #tpu.memory_space<hbm>>
      %dma_start3A_64 = arith.constant 0 : i32
      %dma_start3A_65 = tpu.memref_slice %arg18[%mul3A_58, %dma_start3A_64] : memref<10112x128xf32, #tpu.memory_space<vmem_shared>> -> memref<632x128xf32, #tpu.memory_space<vmem_shared>>
      tpu.enqueue_dma source(%dma_start3A_65 : memref<632x128xf32, #tpu.memory_space<vmem_shared>>) target(%dma_start3A_63 : memref<632x128xf32, #tpu.memory_space<hbm>>) target_semaphore(%run_scoped3A : memref<!tpu.dma_semaphore, #tpu.memory_space<semaphore_mem>>)
      %dma_wait3A_66 = arith.constant 0 : i32
      %dma_wait3A_67 = tpu.memref_slice %arg5[%arg0, %mul3A_60, %dma_wait3A_66] : memref<2x10112x128xf32, #tpu.memory_space<hbm>> -> memref<1x632x128xf32, #tpu.memory_space<hbm>>
      %dma_wait3A_68 = tpu.memref_squeeze %dma_wait3A_67 : memref<1x632x128xf32, #tpu.memory_space<hbm>> -> memref<632x128xf32, #tpu.memory_space<hbm>>
      %dma_wait3A_69 = arith.constant 0 : i32
      %dma_wait3A_70 = tpu.memref_slice %arg18[%mul3A_58, %dma_wait3A_69] : memref<10112x128xf32, #tpu.memory_space<vmem_shared>> -> memref<632x128xf32, #tpu.memory_space<vmem_shared>>
      tpu.wait_dma2 semaphore(%run_scoped3A : memref<!tpu.dma_semaphore, #tpu.memory_space<semaphore_mem>>) src(%dma_wait3A_70 : memref<632x128xf32, #tpu.memory_space<vmem_shared>>) dst(%dma_wait3A_68 : memref<632x128xf32, #tpu.memory_space<hbm>>)
      tpu.yield
    }) : () -> ()
    return
  }
}

#map = affine_map<(d0, d1) -> (0, 0)>
#map1 = affine_map<(d0, d1) -> (0, 0, 0)>
module attributes {stable_mosaic.version = 14 : i64} {
  func.func @acc_kernel(%arg0: i32, %arg1: i32, %arg2: memref<10000x128xf32, #tpu.memory_space<hbm>>, %arg3: memref<2592x2x128xi32, #tpu.memory_space<hbm>>, %arg4: memref<632x128xf32, #tpu.memory_space<hbm>>, %arg5: memref<2x10112x128xf32, #tpu.memory_space<hbm>>, %arg6: memref<2x128xi32, #tpu.memory_space<vmem>>, %arg7: memref<2x128xi32, #tpu.memory_space<vmem>>, %arg8: memref<2x128xi32, #tpu.memory_space<vmem>>, %arg9: memref<128x128xf32, #tpu.memory_space<vmem>>, %arg10: memref<128x128xf32, #tpu.memory_space<vmem>>, %arg11: memref<128x128xf32, #tpu.memory_space<vmem>>, %arg12: memref<!tpu.dma_semaphore, #tpu.memory_space<semaphore_mem>>, %arg13: memref<!tpu.dma_semaphore, #tpu.memory_space<semaphore_mem>>, %arg14: memref<!tpu.dma_semaphore, #tpu.memory_space<semaphore_mem>>, %arg15: memref<!tpu.dma_semaphore, #tpu.memory_space<semaphore_mem>>, %arg16: memref<!tpu.dma_semaphore, #tpu.memory_space<semaphore_mem>>, %arg17: memref<!tpu.dma_semaphore, #tpu.memory_space<semaphore_mem>>, %arg18: memref<10112x128xf32, #tpu.memory_space<vmem_shared>>) attributes {dimension_semantics = [#tpu.dimension_semantics<core_parallel>, #tpu.dimension_semantics<subcore_parallel>], iteration_bounds = array<i64: 2, 16>, scalar_prefetch = 0 : i64, scratch_operands = 13 : i64, tpu.core_type = #tpu.core_type<sc_vector_subcore>, window_params = [{transform_indices = #map}, {transform_indices = #map1}, {transform_indices = #map}, {transform_indices = #map1}]} {
    %mul3A = arith.constant 16 : i32
    %mul3A_0 = arith.muli %arg0, %mul3A : i32
    %add3A = arith.addi %mul3A_0, %arg1 : i32
    %mul3A_1 = arith.constant 632 : i32
    %mul3A_2 = arith.muli %arg1, %mul3A_1 : i32
    "tpu.region"() ({
      %run_scoped3A = tpu.sem_alloc : memref<!tpu.dma_semaphore, #tpu.memory_space<semaphore_mem>>
      %dma_start3A_61 = arith.constant 0 : i32
      %dma_start3A_62 = tpu.memref_slice %arg18[%mul3A_2, %dma_start3A_61] : memref<10112x128xf32, #tpu.memory_space<vmem_shared>> -> memref<632x128xf32, #tpu.memory_space<vmem_shared>>
      tpu.enqueue_dma source(%arg4 : memref<632x128xf32, #tpu.memory_space<hbm>>) target(%dma_start3A_62 : memref<632x128xf32, #tpu.memory_space<vmem_shared>>) target_semaphore(%run_scoped3A : memref<!tpu.dma_semaphore, #tpu.memory_space<semaphore_mem>>)
      %dma_wait3A_63 = arith.constant 0 : i32
      %dma_wait3A_64 = tpu.memref_slice %arg18[%mul3A_2, %dma_wait3A_63] : memref<10112x128xf32, #tpu.memory_space<vmem_shared>> -> memref<632x128xf32, #tpu.memory_space<vmem_shared>>
      tpu.wait_dma2 semaphore(%run_scoped3A : memref<!tpu.dma_semaphore, #tpu.memory_space<semaphore_mem>>) src(%arg4 : memref<632x128xf32, #tpu.memory_space<hbm>>) dst(%dma_wait3A_64 : memref<632x128xf32, #tpu.memory_space<vmem_shared>>)
      tpu.yield
    }) : () -> ()
    %barrier3A = arith.constant 0 : index
    tpu.barrier barrier_id(%barrier3A)
    %mul3A_3 = arith.constant 81 : i32
    %mul3A_4 = arith.muli %add3A, %mul3A_3 : i32
    %add3A_5 = arith.constant 0 : i32
    %add3A_6 = arith.addi %mul3A_4, %add3A_5 : i32
    "tpu.region"() ({
      %run_scoped3A = tpu.sem_alloc : memref<!tpu.dma_semaphore, #tpu.memory_space<semaphore_mem>>
      %dma_start3A_61 = arith.constant 0 : i32
      %dma_start3A_62 = arith.constant 0 : i32
      %dma_start3A_63 = tpu.memref_slice %arg3[%add3A_6, %dma_start3A_61, %dma_start3A_62] : memref<2592x2x128xi32, #tpu.memory_space<hbm>> -> memref<1x2x128xi32, #tpu.memory_space<hbm>>
      %dma_start3A_64 = tpu.memref_squeeze %dma_start3A_63 : memref<1x2x128xi32, #tpu.memory_space<hbm>> -> memref<2x128xi32, #tpu.memory_space<hbm>>
      %dma_start3A_65 = arith.constant 0 : i32
      %dma_start3A_66 = arith.constant 0 : i32
      %dma_start3A_67 = tpu.memref_slice %arg3[%add3A_6, %dma_start3A_65, %dma_start3A_66] : memref<2592x2x128xi32, #tpu.memory_space<hbm>> -> memref<1x2x128xi32, #tpu.memory_space<hbm>>
      %dma_start3A_68 = tpu.memref_squeeze %dma_start3A_67 : memref<1x2x128xi32, #tpu.memory_space<hbm>> -> memref<2x128xi32, #tpu.memory_space<hbm>>
      tpu.enqueue_dma source(%dma_start3A_68 : memref<2x128xi32, #tpu.memory_space<hbm>>) target(%arg6 : memref<2x128xi32, #tpu.memory_space<vmem>>) target_semaphore(%run_scoped3A : memref<!tpu.dma_semaphore, #tpu.memory_space<semaphore_mem>>)
      %dma_wait3A_69 = arith.constant 0 : i32
      %dma_wait3A_70 = arith.constant 0 : i32
      %dma_wait3A_71 = tpu.memref_slice %arg3[%add3A_6, %dma_wait3A_69, %dma_wait3A_70] : memref<2592x2x128xi32, #tpu.memory_space<hbm>> -> memref<1x2x128xi32, #tpu.memory_space<hbm>>
      %dma_wait3A_72 = tpu.memref_squeeze %dma_wait3A_71 : memref<1x2x128xi32, #tpu.memory_space<hbm>> -> memref<2x128xi32, #tpu.memory_space<hbm>>
      %dma_wait3A_73 = arith.constant 0 : i32
      %dma_wait3A_74 = arith.constant 0 : i32
      %dma_wait3A_75 = tpu.memref_slice %arg3[%add3A_6, %dma_wait3A_73, %dma_wait3A_74] : memref<2592x2x128xi32, #tpu.memory_space<hbm>> -> memref<1x2x128xi32, #tpu.memory_space<hbm>>
      %dma_wait3A_76 = tpu.memref_squeeze %dma_wait3A_75 : memref<1x2x128xi32, #tpu.memory_space<hbm>> -> memref<2x128xi32, #tpu.memory_space<hbm>>
      tpu.wait_dma2 semaphore(%run_scoped3A : memref<!tpu.dma_semaphore, #tpu.memory_space<semaphore_mem>>) src(%dma_wait3A_76 : memref<2x128xi32, #tpu.memory_space<hbm>>) dst(%arg6 : memref<2x128xi32, #tpu.memory_space<vmem>>)
      tpu.yield
    }) : () -> ()
    %dma_start3A = arith.constant 0 : i32
    %dma_start3A_7 = arith.constant 0 : i32
    %dma_start3A_8 = tpu.memref_slice %arg6[%dma_start3A, %dma_start3A_7] : memref<2x128xi32, #tpu.memory_space<vmem>> -> memref<1x128xi32, #tpu.memory_space<vmem>>
    %dma_start3A_9 = tpu.memref_squeeze %dma_start3A_8 : memref<1x128xi32, #tpu.memory_space<vmem>> -> memref<128xi32, #tpu.memory_space<vmem>>
    %dma_start3A_10 = arith.constant 0 : i32
    %dma_start3A_11 = arith.constant 0 : i32
    %dma_start3A_12 = tpu.memref_slice %arg2[%dma_start3A_10, %dma_start3A_11] : memref<10000x128xf32, #tpu.memory_space<hbm>> -> memref<10000x128xf32, #tpu.memory_space<hbm>>
    tpu.enqueue_indirect_dma source(%dma_start3A_12 : memref<10000x128xf32, #tpu.memory_space<hbm>>) target(%arg9 : memref<128x128xf32, #tpu.memory_space<vmem>>) offsets(%dma_start3A_9 : memref<128xi32, #tpu.memory_space<vmem>>) semaphore(%arg12 : memref<!tpu.dma_semaphore, #tpu.memory_space<semaphore_mem>>)
    %add3A_13 = arith.constant 1 : i32
    %add3A_14 = arith.addi %mul3A_4, %add3A_13 : i32
    "tpu.region"() ({
      %run_scoped3A = tpu.sem_alloc : memref<!tpu.dma_semaphore, #tpu.memory_space<semaphore_mem>>
      %dma_start3A_61 = arith.constant 0 : i32
      %dma_start3A_62 = arith.constant 0 : i32
      %dma_start3A_63 = tpu.memref_slice %arg3[%add3A_14, %dma_start3A_61, %dma_start3A_62] : memref<2592x2x128xi32, #tpu.memory_space<hbm>> -> memref<1x2x128xi32, #tpu.memory_space<hbm>>
      %dma_start3A_64 = tpu.memref_squeeze %dma_start3A_63 : memref<1x2x128xi32, #tpu.memory_space<hbm>> -> memref<2x128xi32, #tpu.memory_space<hbm>>
      %dma_start3A_65 = arith.constant 0 : i32
      %dma_start3A_66 = arith.constant 0 : i32
      %dma_start3A_67 = tpu.memref_slice %arg3[%add3A_14, %dma_start3A_65, %dma_start3A_66] : memref<2592x2x128xi32, #tpu.memory_space<hbm>> -> memref<1x2x128xi32, #tpu.memory_space<hbm>>
      %dma_start3A_68 = tpu.memref_squeeze %dma_start3A_67 : memref<1x2x128xi32, #tpu.memory_space<hbm>> -> memref<2x128xi32, #tpu.memory_space<hbm>>
      tpu.enqueue_dma source(%dma_start3A_68 : memref<2x128xi32, #tpu.memory_space<hbm>>) target(%arg7 : memref<2x128xi32, #tpu.memory_space<vmem>>) target_semaphore(%run_scoped3A : memref<!tpu.dma_semaphore, #tpu.memory_space<semaphore_mem>>)
      %dma_wait3A_69 = arith.constant 0 : i32
      %dma_wait3A_70 = arith.constant 0 : i32
      %dma_wait3A_71 = tpu.memref_slice %arg3[%add3A_14, %dma_wait3A_69, %dma_wait3A_70] : memref<2592x2x128xi32, #tpu.memory_space<hbm>> -> memref<1x2x128xi32, #tpu.memory_space<hbm>>
      %dma_wait3A_72 = tpu.memref_squeeze %dma_wait3A_71 : memref<1x2x128xi32, #tpu.memory_space<hbm>> -> memref<2x128xi32, #tpu.memory_space<hbm>>
      %dma_wait3A_73 = arith.constant 0 : i32
      %dma_wait3A_74 = arith.constant 0 : i32
      %dma_wait3A_75 = tpu.memref_slice %arg3[%add3A_14, %dma_wait3A_73, %dma_wait3A_74] : memref<2592x2x128xi32, #tpu.memory_space<hbm>> -> memref<1x2x128xi32, #tpu.memory_space<hbm>>
      %dma_wait3A_76 = tpu.memref_squeeze %dma_wait3A_75 : memref<1x2x128xi32, #tpu.memory_space<hbm>> -> memref<2x128xi32, #tpu.memory_space<hbm>>
      tpu.wait_dma2 semaphore(%run_scoped3A : memref<!tpu.dma_semaphore, #tpu.memory_space<semaphore_mem>>) src(%dma_wait3A_76 : memref<2x128xi32, #tpu.memory_space<hbm>>) dst(%arg7 : memref<2x128xi32, #tpu.memory_space<vmem>>)
      tpu.yield
    }) : () -> ()
    %dma_start3A_15 = arith.constant 0 : i32
    %dma_start3A_16 = arith.constant 0 : i32
    %dma_start3A_17 = tpu.memref_slice %arg7[%dma_start3A_15, %dma_start3A_16] : memref<2x128xi32, #tpu.memory_space<vmem>> -> memref<1x128xi32, #tpu.memory_space<vmem>>
    %dma_start3A_18 = tpu.memref_squeeze %dma_start3A_17 : memref<1x128xi32, #tpu.memory_space<vmem>> -> memref<128xi32, #tpu.memory_space<vmem>>
    %dma_start3A_19 = arith.constant 0 : i32
    %dma_start3A_20 = arith.constant 0 : i32
    %dma_start3A_21 = tpu.memref_slice %arg2[%dma_start3A_19, %dma_start3A_20] : memref<10000x128xf32, #tpu.memory_space<hbm>> -> memref<10000x128xf32, #tpu.memory_space<hbm>>
    tpu.enqueue_indirect_dma source(%dma_start3A_21 : memref<10000x128xf32, #tpu.memory_space<hbm>>) target(%arg10 : memref<128x128xf32, #tpu.memory_space<vmem>>) offsets(%dma_start3A_18 : memref<128xi32, #tpu.memory_space<vmem>>) semaphore(%arg13 : memref<!tpu.dma_semaphore, #tpu.memory_space<semaphore_mem>>)
    %add3A_22 = arith.constant 2 : i32
    %add3A_23 = arith.addi %mul3A_4, %add3A_22 : i32
    "tpu.region"() ({
      %run_scoped3A = tpu.sem_alloc : memref<!tpu.dma_semaphore, #tpu.memory_space<semaphore_mem>>
      %dma_start3A_61 = arith.constant 0 : i32
      %dma_start3A_62 = arith.constant 0 : i32
      %dma_start3A_63 = tpu.memref_slice %arg3[%add3A_23, %dma_start3A_61, %dma_start3A_62] : memref<2592x2x128xi32, #tpu.memory_space<hbm>> -> memref<1x2x128xi32, #tpu.memory_space<hbm>>
      %dma_start3A_64 = tpu.memref_squeeze %dma_start3A_63 : memref<1x2x128xi32, #tpu.memory_space<hbm>> -> memref<2x128xi32, #tpu.memory_space<hbm>>
      %dma_start3A_65 = arith.constant 0 : i32
      %dma_start3A_66 = arith.constant 0 : i32
      %dma_start3A_67 = tpu.memref_slice %arg3[%add3A_23, %dma_start3A_65, %dma_start3A_66] : memref<2592x2x128xi32, #tpu.memory_space<hbm>> -> memref<1x2x128xi32, #tpu.memory_space<hbm>>
      %dma_start3A_68 = tpu.memref_squeeze %dma_start3A_67 : memref<1x2x128xi32, #tpu.memory_space<hbm>> -> memref<2x128xi32, #tpu.memory_space<hbm>>
      tpu.enqueue_dma source(%dma_start3A_68 : memref<2x128xi32, #tpu.memory_space<hbm>>) target(%arg8 : memref<2x128xi32, #tpu.memory_space<vmem>>) target_semaphore(%run_scoped3A : memref<!tpu.dma_semaphore, #tpu.memory_space<semaphore_mem>>)
      %dma_wait3A_69 = arith.constant 0 : i32
      %dma_wait3A_70 = arith.constant 0 : i32
      %dma_wait3A_71 = tpu.memref_slice %arg3[%add3A_23, %dma_wait3A_69, %dma_wait3A_70] : memref<2592x2x128xi32, #tpu.memory_space<hbm>> -> memref<1x2x128xi32, #tpu.memory_space<hbm>>
      %dma_wait3A_72 = tpu.memref_squeeze %dma_wait3A_71 : memref<1x2x128xi32, #tpu.memory_space<hbm>> -> memref<2x128xi32, #tpu.memory_space<hbm>>
      %dma_wait3A_73 = arith.constant 0 : i32
      %dma_wait3A_74 = arith.constant 0 : i32
      %dma_wait3A_75 = tpu.memref_slice %arg3[%add3A_23, %dma_wait3A_73, %dma_wait3A_74] : memref<2592x2x128xi32, #tpu.memory_space<hbm>> -> memref<1x2x128xi32, #tpu.memory_space<hbm>>
      %dma_wait3A_76 = tpu.memref_squeeze %dma_wait3A_75 : memref<1x2x128xi32, #tpu.memory_space<hbm>> -> memref<2x128xi32, #tpu.memory_space<hbm>>
      tpu.wait_dma2 semaphore(%run_scoped3A : memref<!tpu.dma_semaphore, #tpu.memory_space<semaphore_mem>>) src(%dma_wait3A_76 : memref<2x128xi32, #tpu.memory_space<hbm>>) dst(%arg8 : memref<2x128xi32, #tpu.memory_space<vmem>>)
      tpu.yield
    }) : () -> ()
    %dma_start3A_24 = arith.constant 0 : i32
    %dma_start3A_25 = arith.constant 0 : i32
    %dma_start3A_26 = tpu.memref_slice %arg8[%dma_start3A_24, %dma_start3A_25] : memref<2x128xi32, #tpu.memory_space<vmem>> -> memref<1x128xi32, #tpu.memory_space<vmem>>
    %dma_start3A_27 = tpu.memref_squeeze %dma_start3A_26 : memref<1x128xi32, #tpu.memory_space<vmem>> -> memref<128xi32, #tpu.memory_space<vmem>>
    %dma_start3A_28 = arith.constant 0 : i32
    %dma_start3A_29 = arith.constant 0 : i32
    %dma_start3A_30 = tpu.memref_slice %arg2[%dma_start3A_28, %dma_start3A_29] : memref<10000x128xf32, #tpu.memory_space<hbm>> -> memref<10000x128xf32, #tpu.memory_space<hbm>>
    tpu.enqueue_indirect_dma source(%dma_start3A_30 : memref<10000x128xf32, #tpu.memory_space<hbm>>) target(%arg11 : memref<128x128xf32, #tpu.memory_space<vmem>>) offsets(%dma_start3A_27 : memref<128xi32, #tpu.memory_space<vmem>>) semaphore(%arg14 : memref<!tpu.dma_semaphore, #tpu.memory_space<semaphore_mem>>)
    %scan3A = arith.constant 0 : i32
    %scan3A_31 = arith.constant 0 : i32
    %scan3A_32 = arith.constant 27 : i32
    %scan3A_33 = arith.addi %scan3A_31, %scan3A_32 : i32
    %scan3A_34 = arith.constant 1 : i32
    scf.for %scan3A_61 = %scan3A_31 to %scan3A_33 step %scan3A_34  : i32 {
      %mul3A_62 = arith.constant 3 : i32
      %mul3A_63 = arith.muli %scan3A_61, %mul3A_62 : i32
      %add3A_64 = arith.constant 0 : i32
      %add3A_65 = arith.addi %mul3A_63, %add3A_64 : i32
      %dma_wait3A_66 = arith.constant 0 : i32
      %dma_wait3A_67 = arith.constant 0 : i32
      %dma_wait3A_68 = tpu.memref_slice %arg6[%dma_wait3A_66, %dma_wait3A_67] : memref<2x128xi32, #tpu.memory_space<vmem>> -> memref<1x128xi32, #tpu.memory_space<vmem>>
      %dma_wait3A_69 = tpu.memref_squeeze %dma_wait3A_68 : memref<1x128xi32, #tpu.memory_space<vmem>> -> memref<128xi32, #tpu.memory_space<vmem>>
      %dma_wait3A_70 = arith.constant 0 : i32
      %dma_wait3A_71 = arith.constant 0 : i32
      %dma_wait3A_72 = tpu.memref_slice %arg2[%dma_wait3A_70, %dma_wait3A_71] : memref<10000x128xf32, #tpu.memory_space<hbm>> -> memref<10000x128xf32, #tpu.memory_space<hbm>>
      tpu.wait_indirect_dma semaphore(%arg12 : memref<!tpu.dma_semaphore, #tpu.memory_space<semaphore_mem>>) src(%dma_wait3A_72 : memref<10000x128xf32, #tpu.memory_space<hbm>>) dst(%arg9 : memref<128x128xf32, #tpu.memory_space<vmem>>)
      %dma_start3A_73 = arith.constant 1 : i32
      %dma_start3A_74 = arith.constant 0 : i32
      %dma_start3A_75 = tpu.memref_slice %arg6[%dma_start3A_73, %dma_start3A_74] : memref<2x128xi32, #tpu.memory_space<vmem>> -> memref<1x128xi32, #tpu.memory_space<vmem>>
      %dma_start3A_76 = tpu.memref_squeeze %dma_start3A_75 : memref<1x128xi32, #tpu.memory_space<vmem>> -> memref<128xi32, #tpu.memory_space<vmem>>
      %dma_start3A_77 = arith.constant 0 : i32
      %dma_start3A_78 = arith.constant 0 : i32
      %dma_start3A_79 = tpu.memref_slice %arg18[%dma_start3A_77, %dma_start3A_78] : memref<10112x128xf32, #tpu.memory_space<vmem_shared>> -> memref<10112x128xf32, #tpu.memory_space<vmem_shared>>
      tpu.enqueue_indirect_dma source(%arg9 : memref<128x128xf32, #tpu.memory_space<vmem>>) target(%dma_start3A_79 : memref<10112x128xf32, #tpu.memory_space<vmem_shared>>) offsets(%dma_start3A_76 : memref<128xi32, #tpu.memory_space<vmem>>) semaphore(%arg15 : memref<!tpu.dma_semaphore, #tpu.memory_space<semaphore_mem>>) {add = true}
      %lt3A = arith.constant 26 : i32
      %lt3A_80 = arith.cmpi slt, %scan3A_61, %lt3A : i32
      %convert_element_type3A = arith.extui %lt3A_80 : i1 to i32
      %cond3A = arith.constant 0 : i32
      %cond3A_81 = arith.cmpi ne, %convert_element_type3A, %cond3A : i32
      scf.if %cond3A_81 {
        %dma_wait3A_128 = arith.constant 1 : i32
        %dma_wait3A_129 = arith.constant 0 : i32
        %dma_wait3A_130 = tpu.memref_slice %arg6[%dma_wait3A_128, %dma_wait3A_129] : memref<2x128xi32, #tpu.memory_space<vmem>> -> memref<1x128xi32, #tpu.memory_space<vmem>>
        %dma_wait3A_131 = tpu.memref_squeeze %dma_wait3A_130 : memref<1x128xi32, #tpu.memory_space<vmem>> -> memref<128xi32, #tpu.memory_space<vmem>>
        %dma_wait3A_132 = arith.constant 0 : i32
        %dma_wait3A_133 = arith.constant 0 : i32
        %dma_wait3A_134 = tpu.memref_slice %arg18[%dma_wait3A_132, %dma_wait3A_133] : memref<10112x128xf32, #tpu.memory_space<vmem_shared>> -> memref<10112x128xf32, #tpu.memory_space<vmem_shared>>
        tpu.wait_indirect_dma semaphore(%arg15 : memref<!tpu.dma_semaphore, #tpu.memory_space<semaphore_mem>>) src(%arg9 : memref<128x128xf32, #tpu.memory_space<vmem>>) dst(%dma_wait3A_134 : memref<10112x128xf32, #tpu.memory_space<vmem_shared>>)
        %add3A_135 = arith.addi %mul3A_4, %add3A_65 : i32
        %add3A_136 = arith.constant 3 : i32
        %add3A_137 = arith.addi %add3A_135, %add3A_136 : i32
        "tpu.region"() ({
          %run_scoped3A = tpu.sem_alloc : memref<!tpu.dma_semaphore, #tpu.memory_space<semaphore_mem>>
          %dma_start3A_145 = arith.constant 0 : i32
          %dma_start3A_146 = arith.constant 0 : i32
          %dma_start3A_147 = tpu.memref_slice %arg3[%add3A_137, %dma_start3A_145, %dma_start3A_146] : memref<2592x2x128xi32, #tpu.memory_space<hbm>> -> memref<1x2x128xi32, #tpu.memory_space<hbm>>
          %dma_start3A_148 = tpu.memref_squeeze %dma_start3A_147 : memref<1x2x128xi32, #tpu.memory_space<hbm>> -> memref<2x128xi32, #tpu.memory_space<hbm>>
          %dma_start3A_149 = arith.constant 0 : i32
          %dma_start3A_150 = arith.constant 0 : i32
          %dma_start3A_151 = tpu.memref_slice %arg3[%add3A_137, %dma_start3A_149, %dma_start3A_150] : memref<2592x2x128xi32, #tpu.memory_space<hbm>> -> memref<1x2x128xi32, #tpu.memory_space<hbm>>
          %dma_start3A_152 = tpu.memref_squeeze %dma_start3A_151 : memref<1x2x128xi32, #tpu.memory_space<hbm>> -> memref<2x128xi32, #tpu.memory_space<hbm>>
          tpu.enqueue_dma source(%dma_start3A_152 : memref<2x128xi32, #tpu.memory_space<hbm>>) target(%arg6 : memref<2x128xi32, #tpu.memory_space<vmem>>) target_semaphore(%run_scoped3A : memref<!tpu.dma_semaphore, #tpu.memory_space<semaphore_mem>>)
          %dma_wait3A_153 = arith.constant 0 : i32
          %dma_wait3A_154 = arith.constant 0 : i32
          %dma_wait3A_155 = tpu.memref_slice %arg3[%add3A_137, %dma_wait3A_153, %dma_wait3A_154] : memref<2592x2x128xi32, #tpu.memory_space<hbm>> -> memref<1x2x128xi32, #tpu.memory_space<hbm>>
          %dma_wait3A_156 = tpu.memref_squeeze %dma_wait3A_155 : memref<1x2x128xi32, #tpu.memory_space<hbm>> -> memref<2x128xi32, #tpu.memory_space<hbm>>
          %dma_wait3A_157 = arith.constant 0 : i32
          %dma_wait3A_158 = arith.constant 0 : i32
          %dma_wait3A_159 = tpu.memref_slice %arg3[%add3A_137, %dma_wait3A_157, %dma_wait3A_158] : memref<2592x2x128xi32, #tpu.memory_space<hbm>> -> memref<1x2x128xi32, #tpu.memory_space<hbm>>
          %dma_wait3A_160 = tpu.memref_squeeze %dma_wait3A_159 : memref<1x2x128xi32, #tpu.memory_space<hbm>> -> memref<2x128xi32, #tpu.memory_space<hbm>>
          tpu.wait_dma2 semaphore(%run_scoped3A : memref<!tpu.dma_semaphore, #tpu.memory_space<semaphore_mem>>) src(%dma_wait3A_160 : memref<2x128xi32, #tpu.memory_space<hbm>>) dst(%arg6 : memref<2x128xi32, #tpu.memory_space<vmem>>)
          tpu.yield
        }) : () -> ()
        %dma_start3A_138 = arith.constant 0 : i32
        %dma_start3A_139 = arith.constant 0 : i32
        %dma_start3A_140 = tpu.memref_slice %arg6[%dma_start3A_138, %dma_start3A_139] : memref<2x128xi32, #tpu.memory_space<vmem>> -> memref<1x128xi32, #tpu.memory_space<vmem>>
        %dma_start3A_141 = tpu.memref_squeeze %dma_start3A_140 : memref<1x128xi32, #tpu.memory_space<vmem>> -> memref<128xi32, #tpu.memory_space<vmem>>
        %dma_start3A_142 = arith.constant 0 : i32
        %dma_start3A_143 = arith.constant 0 : i32
        %dma_start3A_144 = tpu.memref_slice %arg2[%dma_start3A_142, %dma_start3A_143] : memref<10000x128xf32, #tpu.memory_space<hbm>> -> memref<10000x128xf32, #tpu.memory_space<hbm>>
        tpu.enqueue_indirect_dma source(%dma_start3A_144 : memref<10000x128xf32, #tpu.memory_space<hbm>>) target(%arg9 : memref<128x128xf32, #tpu.memory_space<vmem>>) offsets(%dma_start3A_141 : memref<128xi32, #tpu.memory_space<vmem>>) semaphore(%arg12 : memref<!tpu.dma_semaphore, #tpu.memory_space<semaphore_mem>>)
      } else {
      }
      %mul3A_82 = arith.constant 3 : i32
      %mul3A_83 = arith.muli %scan3A_61, %mul3A_82 : i32
      %add3A_84 = arith.constant 1 : i32
      %add3A_85 = arith.addi %mul3A_83, %add3A_84 : i32
      %dma_wait3A_86 = arith.constant 0 : i32
      %dma_wait3A_87 = arith.constant 0 : i32
      %dma_wait3A_88 = tpu.memref_slice %arg7[%dma_wait3A_86, %dma_wait3A_87] : memref<2x128xi32, #tpu.memory_space<vmem>> -> memref<1x128xi32, #tpu.memory_space<vmem>>
      %dma_wait3A_89 = tpu.memref_squeeze %dma_wait3A_88 : memref<1x128xi32, #tpu.memory_space<vmem>> -> memref<128xi32, #tpu.memory_space<vmem>>
      %dma_wait3A_90 = arith.constant 0 : i32
      %dma_wait3A_91 = arith.constant 0 : i32
      %dma_wait3A_92 = tpu.memref_slice %arg2[%dma_wait3A_90, %dma_wait3A_91] : memref<10000x128xf32, #tpu.memory_space<hbm>> -> memref<10000x128xf32, #tpu.memory_space<hbm>>
      tpu.wait_indirect_dma semaphore(%arg13 : memref<!tpu.dma_semaphore, #tpu.memory_space<semaphore_mem>>) src(%dma_wait3A_92 : memref<10000x128xf32, #tpu.memory_space<hbm>>) dst(%arg10 : memref<128x128xf32, #tpu.memory_space<vmem>>)
      %dma_start3A_93 = arith.constant 1 : i32
      %dma_start3A_94 = arith.constant 0 : i32
      %dma_start3A_95 = tpu.memref_slice %arg7[%dma_start3A_93, %dma_start3A_94] : memref<2x128xi32, #tpu.memory_space<vmem>> -> memref<1x128xi32, #tpu.memory_space<vmem>>
      %dma_start3A_96 = tpu.memref_squeeze %dma_start3A_95 : memref<1x128xi32, #tpu.memory_space<vmem>> -> memref<128xi32, #tpu.memory_space<vmem>>
      %dma_start3A_97 = arith.constant 0 : i32
      %dma_start3A_98 = arith.constant 0 : i32
      %dma_start3A_99 = tpu.memref_slice %arg18[%dma_start3A_97, %dma_start3A_98] : memref<10112x128xf32, #tpu.memory_space<vmem_shared>> -> memref<10112x128xf32, #tpu.memory_space<vmem_shared>>
      tpu.enqueue_indirect_dma source(%arg10 : memref<128x128xf32, #tpu.memory_space<vmem>>) target(%dma_start3A_99 : memref<10112x128xf32, #tpu.memory_space<vmem_shared>>) offsets(%dma_start3A_96 : memref<128xi32, #tpu.memory_space<vmem>>) semaphore(%arg16 : memref<!tpu.dma_semaphore, #tpu.memory_space<semaphore_mem>>) {add = true}
      %lt3A_100 = arith.constant 26 : i32
      %lt3A_101 = arith.cmpi slt, %scan3A_61, %lt3A_100 : i32
      %convert_element_type3A_102 = arith.extui %lt3A_101 : i1 to i32
      %cond3A_103 = arith.constant 0 : i32
      %cond3A_104 = arith.cmpi ne, %convert_element_type3A_102, %cond3A_103 : i32
      scf.if %cond3A_104 {
        %dma_wait3A_128 = arith.constant 1 : i32
        %dma_wait3A_129 = arith.constant 0 : i32
        %dma_wait3A_130 = tpu.memref_slice %arg7[%dma_wait3A_128, %dma_wait3A_129] : memref<2x128xi32, #tpu.memory_space<vmem>> -> memref<1x128xi32, #tpu.memory_space<vmem>>
        %dma_wait3A_131 = tpu.memref_squeeze %dma_wait3A_130 : memref<1x128xi32, #tpu.memory_space<vmem>> -> memref<128xi32, #tpu.memory_space<vmem>>
        %dma_wait3A_132 = arith.constant 0 : i32
        %dma_wait3A_133 = arith.constant 0 : i32
        %dma_wait3A_134 = tpu.memref_slice %arg18[%dma_wait3A_132, %dma_wait3A_133] : memref<10112x128xf32, #tpu.memory_space<vmem_shared>> -> memref<10112x128xf32, #tpu.memory_space<vmem_shared>>
        tpu.wait_indirect_dma semaphore(%arg16 : memref<!tpu.dma_semaphore, #tpu.memory_space<semaphore_mem>>) src(%arg10 : memref<128x128xf32, #tpu.memory_space<vmem>>) dst(%dma_wait3A_134 : memref<10112x128xf32, #tpu.memory_space<vmem_shared>>)
        %add3A_135 = arith.addi %mul3A_4, %add3A_85 : i32
        %add3A_136 = arith.constant 3 : i32
        %add3A_137 = arith.addi %add3A_135, %add3A_136 : i32
        "tpu.region"() ({
          %run_scoped3A = tpu.sem_alloc : memref<!tpu.dma_semaphore, #tpu.memory_space<semaphore_mem>>
          %dma_start3A_145 = arith.constant 0 : i32
          %dma_start3A_146 = arith.constant 0 : i32
          %dma_start3A_147 = tpu.memref_slice %arg3[%add3A_137, %dma_start3A_145, %dma_start3A_146] : memref<2592x2x128xi32, #tpu.memory_space<hbm>> -> memref<1x2x128xi32, #tpu.memory_space<hbm>>
          %dma_start3A_148 = tpu.memref_squeeze %dma_start3A_147 : memref<1x2x128xi32, #tpu.memory_space<hbm>> -> memref<2x128xi32, #tpu.memory_space<hbm>>
          %dma_start3A_149 = arith.constant 0 : i32
          %dma_start3A_150 = arith.constant 0 : i32
          %dma_start3A_151 = tpu.memref_slice %arg3[%add3A_137, %dma_start3A_149, %dma_start3A_150] : memref<2592x2x128xi32, #tpu.memory_space<hbm>> -> memref<1x2x128xi32, #tpu.memory_space<hbm>>
          %dma_start3A_152 = tpu.memref_squeeze %dma_start3A_151 : memref<1x2x128xi32, #tpu.memory_space<hbm>> -> memref<2x128xi32, #tpu.memory_space<hbm>>
          tpu.enqueue_dma source(%dma_start3A_152 : memref<2x128xi32, #tpu.memory_space<hbm>>) target(%arg7 : memref<2x128xi32, #tpu.memory_space<vmem>>) target_semaphore(%run_scoped3A : memref<!tpu.dma_semaphore, #tpu.memory_space<semaphore_mem>>)
          %dma_wait3A_153 = arith.constant 0 : i32
          %dma_wait3A_154 = arith.constant 0 : i32
          %dma_wait3A_155 = tpu.memref_slice %arg3[%add3A_137, %dma_wait3A_153, %dma_wait3A_154] : memref<2592x2x128xi32, #tpu.memory_space<hbm>> -> memref<1x2x128xi32, #tpu.memory_space<hbm>>
          %dma_wait3A_156 = tpu.memref_squeeze %dma_wait3A_155 : memref<1x2x128xi32, #tpu.memory_space<hbm>> -> memref<2x128xi32, #tpu.memory_space<hbm>>
          %dma_wait3A_157 = arith.constant 0 : i32
          %dma_wait3A_158 = arith.constant 0 : i32
          %dma_wait3A_159 = tpu.memref_slice %arg3[%add3A_137, %dma_wait3A_157, %dma_wait3A_158] : memref<2592x2x128xi32, #tpu.memory_space<hbm>> -> memref<1x2x128xi32, #tpu.memory_space<hbm>>
          %dma_wait3A_160 = tpu.memref_squeeze %dma_wait3A_159 : memref<1x2x128xi32, #tpu.memory_space<hbm>> -> memref<2x128xi32, #tpu.memory_space<hbm>>
          tpu.wait_dma2 semaphore(%run_scoped3A : memref<!tpu.dma_semaphore, #tpu.memory_space<semaphore_mem>>) src(%dma_wait3A_160 : memref<2x128xi32, #tpu.memory_space<hbm>>) dst(%arg7 : memref<2x128xi32, #tpu.memory_space<vmem>>)
          tpu.yield
        }) : () -> ()
        %dma_start3A_138 = arith.constant 0 : i32
        %dma_start3A_139 = arith.constant 0 : i32
        %dma_start3A_140 = tpu.memref_slice %arg7[%dma_start3A_138, %dma_start3A_139] : memref<2x128xi32, #tpu.memory_space<vmem>> -> memref<1x128xi32, #tpu.memory_space<vmem>>
        %dma_start3A_141 = tpu.memref_squeeze %dma_start3A_140 : memref<1x128xi32, #tpu.memory_space<vmem>> -> memref<128xi32, #tpu.memory_space<vmem>>
        %dma_start3A_142 = arith.constant 0 : i32
        %dma_start3A_143 = arith.constant 0 : i32
        %dma_start3A_144 = tpu.memref_slice %arg2[%dma_start3A_142, %dma_start3A_143] : memref<10000x128xf32, #tpu.memory_space<hbm>> -> memref<10000x128xf32, #tpu.memory_space<hbm>>
        tpu.enqueue_indirect_dma source(%dma_start3A_144 : memref<10000x128xf32, #tpu.memory_space<hbm>>) target(%arg10 : memref<128x128xf32, #tpu.memory_space<vmem>>) offsets(%dma_start3A_141 : memref<128xi32, #tpu.memory_space<vmem>>) semaphore(%arg13 : memref<!tpu.dma_semaphore, #tpu.memory_space<semaphore_mem>>)
      } else {
      }
      %mul3A_105 = arith.constant 3 : i32
      %mul3A_106 = arith.muli %scan3A_61, %mul3A_105 : i32
      %add3A_107 = arith.constant 2 : i32
      %add3A_108 = arith.addi %mul3A_106, %add3A_107 : i32
      %dma_wait3A_109 = arith.constant 0 : i32
      %dma_wait3A_110 = arith.constant 0 : i32
      %dma_wait3A_111 = tpu.memref_slice %arg8[%dma_wait3A_109, %dma_wait3A_110] : memref<2x128xi32, #tpu.memory_space<vmem>> -> memref<1x128xi32, #tpu.memory_space<vmem>>
      %dma_wait3A_112 = tpu.memref_squeeze %dma_wait3A_111 : memref<1x128xi32, #tpu.memory_space<vmem>> -> memref<128xi32, #tpu.memory_space<vmem>>
      %dma_wait3A_113 = arith.constant 0 : i32
      %dma_wait3A_114 = arith.constant 0 : i32
      %dma_wait3A_115 = tpu.memref_slice %arg2[%dma_wait3A_113, %dma_wait3A_114] : memref<10000x128xf32, #tpu.memory_space<hbm>> -> memref<10000x128xf32, #tpu.memory_space<hbm>>
      tpu.wait_indirect_dma semaphore(%arg14 : memref<!tpu.dma_semaphore, #tpu.memory_space<semaphore_mem>>) src(%dma_wait3A_115 : memref<10000x128xf32, #tpu.memory_space<hbm>>) dst(%arg11 : memref<128x128xf32, #tpu.memory_space<vmem>>)
      %dma_start3A_116 = arith.constant 1 : i32
      %dma_start3A_117 = arith.constant 0 : i32
      %dma_start3A_118 = tpu.memref_slice %arg8[%dma_start3A_116, %dma_start3A_117] : memref<2x128xi32, #tpu.memory_space<vmem>> -> memref<1x128xi32, #tpu.memory_space<vmem>>
      %dma_start3A_119 = tpu.memref_squeeze %dma_start3A_118 : memref<1x128xi32, #tpu.memory_space<vmem>> -> memref<128xi32, #tpu.memory_space<vmem>>
      %dma_start3A_120 = arith.constant 0 : i32
      %dma_start3A_121 = arith.constant 0 : i32
      %dma_start3A_122 = tpu.memref_slice %arg18[%dma_start3A_120, %dma_start3A_121] : memref<10112x128xf32, #tpu.memory_space<vmem_shared>> -> memref<10112x128xf32, #tpu.memory_space<vmem_shared>>
      tpu.enqueue_indirect_dma source(%arg11 : memref<128x128xf32, #tpu.memory_space<vmem>>) target(%dma_start3A_122 : memref<10112x128xf32, #tpu.memory_space<vmem_shared>>) offsets(%dma_start3A_119 : memref<128xi32, #tpu.memory_space<vmem>>) semaphore(%arg17 : memref<!tpu.dma_semaphore, #tpu.memory_space<semaphore_mem>>) {add = true}
      %lt3A_123 = arith.constant 26 : i32
      %lt3A_124 = arith.cmpi slt, %scan3A_61, %lt3A_123 : i32
      %convert_element_type3A_125 = arith.extui %lt3A_124 : i1 to i32
      %cond3A_126 = arith.constant 0 : i32
      %cond3A_127 = arith.cmpi ne, %convert_element_type3A_125, %cond3A_126 : i32
      scf.if %cond3A_127 {
        %dma_wait3A_128 = arith.constant 1 : i32
        %dma_wait3A_129 = arith.constant 0 : i32
        %dma_wait3A_130 = tpu.memref_slice %arg8[%dma_wait3A_128, %dma_wait3A_129] : memref<2x128xi32, #tpu.memory_space<vmem>> -> memref<1x128xi32, #tpu.memory_space<vmem>>
        %dma_wait3A_131 = tpu.memref_squeeze %dma_wait3A_130 : memref<1x128xi32, #tpu.memory_space<vmem>> -> memref<128xi32, #tpu.memory_space<vmem>>
        %dma_wait3A_132 = arith.constant 0 : i32
        %dma_wait3A_133 = arith.constant 0 : i32
        %dma_wait3A_134 = tpu.memref_slice %arg18[%dma_wait3A_132, %dma_wait3A_133] : memref<10112x128xf32, #tpu.memory_space<vmem_shared>> -> memref<10112x128xf32, #tpu.memory_space<vmem_shared>>
        tpu.wait_indirect_dma semaphore(%arg17 : memref<!tpu.dma_semaphore, #tpu.memory_space<semaphore_mem>>) src(%arg11 : memref<128x128xf32, #tpu.memory_space<vmem>>) dst(%dma_wait3A_134 : memref<10112x128xf32, #tpu.memory_space<vmem_shared>>)
        %add3A_135 = arith.addi %mul3A_4, %add3A_108 : i32
        %add3A_136 = arith.constant 3 : i32
        %add3A_137 = arith.addi %add3A_135, %add3A_136 : i32
        "tpu.region"() ({
          %run_scoped3A = tpu.sem_alloc : memref<!tpu.dma_semaphore, #tpu.memory_space<semaphore_mem>>
          %dma_start3A_145 = arith.constant 0 : i32
          %dma_start3A_146 = arith.constant 0 : i32
          %dma_start3A_147 = tpu.memref_slice %arg3[%add3A_137, %dma_start3A_145, %dma_start3A_146] : memref<2592x2x128xi32, #tpu.memory_space<hbm>> -> memref<1x2x128xi32, #tpu.memory_space<hbm>>
          %dma_start3A_148 = tpu.memref_squeeze %dma_start3A_147 : memref<1x2x128xi32, #tpu.memory_space<hbm>> -> memref<2x128xi32, #tpu.memory_space<hbm>>
          %dma_start3A_149 = arith.constant 0 : i32
          %dma_start3A_150 = arith.constant 0 : i32
          %dma_start3A_151 = tpu.memref_slice %arg3[%add3A_137, %dma_start3A_149, %dma_start3A_150] : memref<2592x2x128xi32, #tpu.memory_space<hbm>> -> memref<1x2x128xi32, #tpu.memory_space<hbm>>
          %dma_start3A_152 = tpu.memref_squeeze %dma_start3A_151 : memref<1x2x128xi32, #tpu.memory_space<hbm>> -> memref<2x128xi32, #tpu.memory_space<hbm>>
          tpu.enqueue_dma source(%dma_start3A_152 : memref<2x128xi32, #tpu.memory_space<hbm>>) target(%arg8 : memref<2x128xi32, #tpu.memory_space<vmem>>) target_semaphore(%run_scoped3A : memref<!tpu.dma_semaphore, #tpu.memory_space<semaphore_mem>>)
          %dma_wait3A_153 = arith.constant 0 : i32
          %dma_wait3A_154 = arith.constant 0 : i32
          %dma_wait3A_155 = tpu.memref_slice %arg3[%add3A_137, %dma_wait3A_153, %dma_wait3A_154] : memref<2592x2x128xi32, #tpu.memory_space<hbm>> -> memref<1x2x128xi32, #tpu.memory_space<hbm>>
          %dma_wait3A_156 = tpu.memref_squeeze %dma_wait3A_155 : memref<1x2x128xi32, #tpu.memory_space<hbm>> -> memref<2x128xi32, #tpu.memory_space<hbm>>
          %dma_wait3A_157 = arith.constant 0 : i32
          %dma_wait3A_158 = arith.constant 0 : i32
          %dma_wait3A_159 = tpu.memref_slice %arg3[%add3A_137, %dma_wait3A_157, %dma_wait3A_158] : memref<2592x2x128xi32, #tpu.memory_space<hbm>> -> memref<1x2x128xi32, #tpu.memory_space<hbm>>
          %dma_wait3A_160 = tpu.memref_squeeze %dma_wait3A_159 : memref<1x2x128xi32, #tpu.memory_space<hbm>> -> memref<2x128xi32, #tpu.memory_space<hbm>>
          tpu.wait_dma2 semaphore(%run_scoped3A : memref<!tpu.dma_semaphore, #tpu.memory_space<semaphore_mem>>) src(%dma_wait3A_160 : memref<2x128xi32, #tpu.memory_space<hbm>>) dst(%arg8 : memref<2x128xi32, #tpu.memory_space<vmem>>)
          tpu.yield
        }) : () -> ()
        %dma_start3A_138 = arith.constant 0 : i32
        %dma_start3A_139 = arith.constant 0 : i32
        %dma_start3A_140 = tpu.memref_slice %arg8[%dma_start3A_138, %dma_start3A_139] : memref<2x128xi32, #tpu.memory_space<vmem>> -> memref<1x128xi32, #tpu.memory_space<vmem>>
        %dma_start3A_141 = tpu.memref_squeeze %dma_start3A_140 : memref<1x128xi32, #tpu.memory_space<vmem>> -> memref<128xi32, #tpu.memory_space<vmem>>
        %dma_start3A_142 = arith.constant 0 : i32
        %dma_start3A_143 = arith.constant 0 : i32
        %dma_start3A_144 = tpu.memref_slice %arg2[%dma_start3A_142, %dma_start3A_143] : memref<10000x128xf32, #tpu.memory_space<hbm>> -> memref<10000x128xf32, #tpu.memory_space<hbm>>
        tpu.enqueue_indirect_dma source(%dma_start3A_144 : memref<10000x128xf32, #tpu.memory_space<hbm>>) target(%arg11 : memref<128x128xf32, #tpu.memory_space<vmem>>) offsets(%dma_start3A_141 : memref<128xi32, #tpu.memory_space<vmem>>) semaphore(%arg14 : memref<!tpu.dma_semaphore, #tpu.memory_space<semaphore_mem>>)
      } else {
      }
    }
    %scan3A_35 = arith.constant 27 : i32
    %dma_wait3A = arith.constant 1 : i32
    %dma_wait3A_36 = arith.constant 0 : i32
    %dma_wait3A_37 = tpu.memref_slice %arg6[%dma_wait3A, %dma_wait3A_36] : memref<2x128xi32, #tpu.memory_space<vmem>> -> memref<1x128xi32, #tpu.memory_space<vmem>>
    %dma_wait3A_38 = tpu.memref_squeeze %dma_wait3A_37 : memref<1x128xi32, #tpu.memory_space<vmem>> -> memref<128xi32, #tpu.memory_space<vmem>>
    %dma_wait3A_39 = arith.constant 0 : i32
    %dma_wait3A_40 = arith.constant 0 : i32
    %dma_wait3A_41 = tpu.memref_slice %arg18[%dma_wait3A_39, %dma_wait3A_40] : memref<10112x128xf32, #tpu.memory_space<vmem_shared>> -> memref<10112x128xf32, #tpu.memory_space<vmem_shared>>
    tpu.wait_indirect_dma semaphore(%arg15 : memref<!tpu.dma_semaphore, #tpu.memory_space<semaphore_mem>>) src(%arg9 : memref<128x128xf32, #tpu.memory_space<vmem>>) dst(%dma_wait3A_41 : memref<10112x128xf32, #tpu.memory_space<vmem_shared>>)
    %dma_wait3A_42 = arith.constant 1 : i32
    %dma_wait3A_43 = arith.constant 0 : i32
    %dma_wait3A_44 = tpu.memref_slice %arg7[%dma_wait3A_42, %dma_wait3A_43] : memref<2x128xi32, #tpu.memory_space<vmem>> -> memref<1x128xi32, #tpu.memory_space<vmem>>
    %dma_wait3A_45 = tpu.memref_squeeze %dma_wait3A_44 : memref<1x128xi32, #tpu.memory_space<vmem>> -> memref<128xi32, #tpu.memory_space<vmem>>
    %dma_wait3A_46 = arith.constant 0 : i32
    %dma_wait3A_47 = arith.constant 0 : i32
    %dma_wait3A_48 = tpu.memref_slice %arg18[%dma_wait3A_46, %dma_wait3A_47] : memref<10112x128xf32, #tpu.memory_space<vmem_shared>> -> memref<10112x128xf32, #tpu.memory_space<vmem_shared>>
    tpu.wait_indirect_dma semaphore(%arg16 : memref<!tpu.dma_semaphore, #tpu.memory_space<semaphore_mem>>) src(%arg10 : memref<128x128xf32, #tpu.memory_space<vmem>>) dst(%dma_wait3A_48 : memref<10112x128xf32, #tpu.memory_space<vmem_shared>>)
    %dma_wait3A_49 = arith.constant 1 : i32
    %dma_wait3A_50 = arith.constant 0 : i32
    %dma_wait3A_51 = tpu.memref_slice %arg8[%dma_wait3A_49, %dma_wait3A_50] : memref<2x128xi32, #tpu.memory_space<vmem>> -> memref<1x128xi32, #tpu.memory_space<vmem>>
    %dma_wait3A_52 = tpu.memref_squeeze %dma_wait3A_51 : memref<1x128xi32, #tpu.memory_space<vmem>> -> memref<128xi32, #tpu.memory_space<vmem>>
    %dma_wait3A_53 = arith.constant 0 : i32
    %dma_wait3A_54 = arith.constant 0 : i32
    %dma_wait3A_55 = tpu.memref_slice %arg18[%dma_wait3A_53, %dma_wait3A_54] : memref<10112x128xf32, #tpu.memory_space<vmem_shared>> -> memref<10112x128xf32, #tpu.memory_space<vmem_shared>>
    tpu.wait_indirect_dma semaphore(%arg17 : memref<!tpu.dma_semaphore, #tpu.memory_space<semaphore_mem>>) src(%arg11 : memref<128x128xf32, #tpu.memory_space<vmem>>) dst(%dma_wait3A_55 : memref<10112x128xf32, #tpu.memory_space<vmem_shared>>)
    %barrier3A_56 = arith.constant 0 : index
    tpu.barrier barrier_id(%barrier3A_56)
    %mul3A_57 = arith.constant 632 : i32
    %mul3A_58 = arith.muli %arg1, %mul3A_57 : i32
    %mul3A_59 = arith.constant 632 : i32
    %mul3A_60 = arith.muli %arg1, %mul3A_59 : i32
    "tpu.region"() ({
      %run_scoped3A = tpu.sem_alloc : memref<!tpu.dma_semaphore, #tpu.memory_space<semaphore_mem>>
      %dma_start3A_61 = arith.constant 0 : i32
      %dma_start3A_62 = tpu.memref_slice %arg5[%arg0, %mul3A_60, %dma_start3A_61] : memref<2x10112x128xf32, #tpu.memory_space<hbm>> -> memref<1x632x128xf32, #tpu.memory_space<hbm>>
      %dma_start3A_63 = tpu.memref_squeeze %dma_start3A_62 : memref<1x632x128xf32, #tpu.memory_space<hbm>> -> memref<632x128xf32, #tpu.memory_space<hbm>>
      %dma_start3A_64 = arith.constant 0 : i32
      %dma_start3A_65 = tpu.memref_slice %arg18[%mul3A_58, %dma_start3A_64] : memref<10112x128xf32, #tpu.memory_space<vmem_shared>> -> memref<632x128xf32, #tpu.memory_space<vmem_shared>>
      tpu.enqueue_dma source(%dma_start3A_65 : memref<632x128xf32, #tpu.memory_space<vmem_shared>>) target(%dma_start3A_63 : memref<632x128xf32, #tpu.memory_space<hbm>>) target_semaphore(%run_scoped3A : memref<!tpu.dma_semaphore, #tpu.memory_space<semaphore_mem>>)
      %dma_wait3A_66 = arith.constant 0 : i32
      %dma_wait3A_67 = tpu.memref_slice %arg5[%arg0, %mul3A_60, %dma_wait3A_66] : memref<2x10112x128xf32, #tpu.memory_space<hbm>> -> memref<1x632x128xf32, #tpu.memory_space<hbm>>
      %dma_wait3A_68 = tpu.memref_squeeze %dma_wait3A_67 : memref<1x632x128xf32, #tpu.memory_space<hbm>> -> memref<632x128xf32, #tpu.memory_space<hbm>>
      %dma_wait3A_69 = arith.constant 0 : i32
      %dma_wait3A_70 = tpu.memref_slice %arg18[%mul3A_58, %dma_wait3A_69] : memref<10112x128xf32, #tpu.memory_space<vmem_shared>> -> memref<632x128xf32, #tpu.memory_space<vmem_shared>>
      tpu.wait_dma2 semaphore(%run_scoped3A : memref<!tpu.dma_semaphore, #tpu.memory_space<semaphore_mem>>) src(%dma_wait3A_70 : memref<632x128xf32, #tpu.memory_space<vmem_shared>>) dst(%dma_wait3A_68 : memref<632x128xf32, #tpu.memory_space<hbm>>)
      tpu.yield
    }) : () -> ()
    return
  }
}

module attributes {stable_mosaic.version = 14 : i64} {
  func.func @_mm1_body(%arg0: i32, %arg1: memref<2000x128xf32, #tpu.memory_space<vmem>>, %arg2: memref<128x128xf32, #tpu.memory_space<vmem>>, %arg3: memref<2x2000x128xf32, #tpu.memory_space<vmem>>, %arg4: memref<2000x128xf32, #tpu.memory_space<vmem>>, %arg5: memref<2000x1xf32, #tpu.memory_space<vmem>>) attributes {dimension_semantics = [#tpu.dimension_semantics<arbitrary>], iteration_bounds = array<i64: 5>, scalar_prefetch = 0 : i64, scratch_operands = 0 : i64, tpu.core_type = #tpu.core_type<tc>, window_params = [{transform_indices = @transform_0, window_bounds = array<i64: 2000, 128>}, {pipeline_mode = #tpu.pipeline_mode<synchronous>, transform_indices = @transform_1, window_bounds = array<i64: 128, 128>}, {transform_indices = @transform_2, window_bounds = array<i64: 2, 2000, 128>}, {transform_indices = @transform_3, window_bounds = array<i64: 2000, 128>}, {transform_indices = @transform_4, window_bounds = array<i64: 2000, 1>}]} {
    %get3A = arith.constant 0 : index
    %get3A_0 = arith.constant 0 : index
    %get3A_1 = arith.constant 0 : index
    %get3A_2 = vector.load %arg3[%get3A, %get3A_0, %get3A_1] : memref<2x2000x128xf32, #tpu.memory_space<vmem>>, vector<2x2000x128xf32>
    %slice3A = vector.extract_strided_slice %get3A_2 {offsets = [0, 0, 0], sizes = [1, 2000, 1], strides = [1, 1, 1]} : vector<2x2000x128xf32> to vector<1x2000x1xf32>
    %squeeze3A = vector.shape_cast %slice3A : vector<1x2000x1xf32> to vector<2000x1xf32>
    %add3A = arith.constant 1.000000e+00 : f32
    %add3A_3 = vector.broadcast %add3A : f32 to vector<2000x1xf32>
    %add3A_4 = arith.addf %add3A_3, %squeeze3A : vector<2000x1xf32>
    %slice3A_5 = vector.extract_strided_slice %get3A_2 {offsets = [1, 0, 0], sizes = [1, 2000, 1], strides = [1, 1, 1]} : vector<2x2000x128xf32> to vector<1x2000x1xf32>
    %squeeze3A_6 = vector.shape_cast %slice3A_5 : vector<1x2000x1xf32> to vector<2000x1xf32>
    %add3A_7 = arith.addf %add3A_4, %squeeze3A_6 : vector<2000x1xf32>
    %rsqrt3A = math.rsqrt %add3A_7 : vector<2000x1xf32>
    %get3A_8 = arith.constant 0 : index
    %get3A_9 = arith.constant 0 : index
    %get3A_10 = vector.load %arg1[%get3A_8, %get3A_9] : memref<2000x128xf32, #tpu.memory_space<vmem>>, vector<2000x128xf32>
    %get3A_11 = arith.constant 0 : index
    %get3A_12 = arith.constant 0 : index
    %get3A_13 = vector.load %arg2[%get3A_11, %get3A_12] : memref<128x128xf32, #tpu.memory_space<vmem>>, vector<128x128xf32>
    %dot_general3A = arith.constant dense<0.000000e+00> : vector<2000x128xf32>
    %dot_general3A_14 = tpu.matmul %get3A_10, %get3A_13, %dot_general3A {dimension_numbers = #tpu.dot_dimension_numbers<[1], [0], [0], [1], [0, 0, 1, 1], [], []>, precision = #tpu.contract_precision<fp32>, transpose_lhs_hint = false} : vector<2000x128xf32>, vector<128x128xf32>, vector<2000x128xf32> -> vector<2000x128xf32>
    %mul3A = vector.broadcast %rsqrt3A : vector<2000x1xf32> to vector<2000x128xf32>
    %mul3A_15 = arith.mulf %dot_general3A_14, %mul3A : vector<2000x128xf32>
    %swap3A = arith.constant 0 : index
    %swap3A_16 = arith.constant 0 : index
    %swap3A_17 = vector.load %arg4[%swap3A, %swap3A_16] : memref<2000x128xf32, #tpu.memory_space<vmem>>, vector<2000x128xf32>
    tpu.vector_store %arg4[%swap3A, %swap3A_16], %mul3A_15 {strides = array<i32>} : memref<2000x128xf32, #tpu.memory_space<vmem>>, vector<2000x128xf32>,
    %swap3A_18 = arith.constant 0 : index
    %swap3A_19 = arith.constant 0 : index
    %swap3A_20 = vector.load %arg5[%swap3A_18, %swap3A_19] : memref<2000x1xf32, #tpu.memory_space<vmem>>, vector<2000x1xf32>
    tpu.vector_store %arg5[%swap3A_18, %swap3A_19], %rsqrt3A {strides = array<i32>} : memref<2000x1xf32, #tpu.memory_space<vmem>>, vector<2000x1xf32>,
    return
  }
  func.func @transform_0(%arg0: i32) -> (i32, i32) {
    %c0_i32 = arith.constant 0 : i32
    %c0_i32_0 = arith.constant 0 : i32
    return %arg0, %c0_i32 : i32, i32
  }
  func.func @transform_1(%arg0: i32) -> (i32, i32) {
    %c0_i32 = arith.constant 0 : i32
    %c0_i32_0 = arith.constant 0 : i32
    %c0_i32_1 = arith.constant 0 : i32
    return %c0_i32, %c0_i32_0 : i32, i32
  }
  func.func @transform_2(%arg0: i32) -> (i32, i32, i32) {
    %c0_i32 = arith.constant 0 : i32
    %c0_i32_0 = arith.constant 0 : i32
    %c0_i32_1 = arith.constant 0 : i32
    return %c0_i32, %arg0, %c0_i32_0 : i32, i32, i32
  }
  func.func @transform_3(%arg0: i32) -> (i32, i32) {
    %c0_i32 = arith.constant 0 : i32
    %c0_i32_0 = arith.constant 0 : i32
    return %arg0, %c0_i32 : i32, i32
  }
  func.func @transform_4(%arg0: i32) -> (i32, i32) {
    %c0_i32 = arith.constant 0 : i32
    %c0_i32_0 = arith.constant 0 : i32
    return %arg0, %c0_i32 : i32, i32
  }
}

module attributes {stable_mosaic.version = 14 : i64} {
  func.func @_stats_mm2_body(%arg0: i32, %arg1: memref<2x2000x128xf32, #tpu.memory_space<vmem>>, %arg2: memref<2000x128xf32, #tpu.memory_space<vmem>>, %arg3: memref<2000x1xf32, #tpu.memory_space<vmem>>, %arg4: memref<1x128xf32, #tpu.memory_space<vmem>>, %arg5: memref<1x128xf32, #tpu.memory_space<vmem>>, %arg6: memref<1x128xf32, #tpu.memory_space<vmem>>, %arg7: memref<128x128xf32, #tpu.memory_space<vmem>>, %arg8: memref<2000x128xf32, #tpu.memory_space<vmem>>, %arg9: memref<1x128xf32, #tpu.memory_space<vmem>>, %arg10: memref<1x128xf32, #tpu.memory_space<vmem>>) attributes {dimension_semantics = [#tpu.dimension_semantics<arbitrary>], iteration_bounds = array<i64: 10>, scalar_prefetch = 0 : i64, scratch_operands = 0 : i64, tpu.core_type = #tpu.core_type<tc>, window_params = [{transform_indices = @transform_0, window_bounds = array<i64: 2, 2000, 128>}, {transform_indices = @transform_1, window_bounds = array<i64: 2000, 128>}, {transform_indices = @transform_2, window_bounds = array<i64: 2000, 1>}, {pipeline_mode = #tpu.pipeline_mode<synchronous>, transform_indices = @transform_3, window_bounds = array<i64: 1, 128>}, {pipeline_mode = #tpu.pipeline_mode<synchronous>, transform_indices = @transform_4, window_bounds = array<i64: 1, 128>}, {pipeline_mode = #tpu.pipeline_mode<synchronous>, transform_indices = @transform_5, window_bounds = array<i64: 1, 128>}, {pipeline_mode = #tpu.pipeline_mode<synchronous>, transform_indices = @transform_6, window_bounds = array<i64: 128, 128>}, {transform_indices = @transform_7, window_bounds = array<i64: 2000, 128>}, {pipeline_mode = #tpu.pipeline_mode<synchronous>, transform_indices = @transform_8, window_bounds = array<i64: 1, 128>}, {pipeline_mode = #tpu.pipeline_mode<synchronous>, transform_indices = @transform_9, window_bounds = array<i64: 1, 128>}]} {
    %get3A = arith.constant 0 : index
    %get3A_0 = arith.constant 0 : index
    %get3A_1 = arith.constant 0 : index
    %get3A_2 = vector.load %arg1[%get3A, %get3A_0, %get3A_1] : memref<2x2000x128xf32, #tpu.memory_space<vmem>>, vector<2x2000x128xf32>
    %slice3A = vector.extract_strided_slice %get3A_2 {offsets = [0, 0, 0], sizes = [1, 2000, 128], strides = [1, 1, 1]} : vector<2x2000x128xf32> to vector<1x2000x128xf32>
    %squeeze3A = vector.shape_cast %slice3A : vector<1x2000x128xf32> to vector<2000x128xf32>
    %slice3A_3 = vector.extract_strided_slice %get3A_2 {offsets = [1, 0, 0], sizes = [1, 2000, 128], strides = [1, 1, 1]} : vector<2x2000x128xf32> to vector<1x2000x128xf32>
    %squeeze3A_4 = vector.shape_cast %slice3A_3 : vector<1x2000x128xf32> to vector<2000x128xf32>
    %add3A = arith.addf %squeeze3A, %squeeze3A_4 : vector<2000x128xf32>
    %get3A_5 = arith.constant 0 : index
    %get3A_6 = arith.constant 0 : index
    %get3A_7 = vector.load %arg2[%get3A_5, %get3A_6] : memref<2000x128xf32, #tpu.memory_space<vmem>>, vector<2000x128xf32>
    %add3A_8 = arith.addf %add3A, %get3A_7 : vector<2000x128xf32>
    %get3A_9 = arith.constant 0 : index
    %get3A_10 = arith.constant 0 : index
    %get3A_11 = vector.load %arg3[%get3A_9, %get3A_10] : memref<2000x1xf32, #tpu.memory_space<vmem>>, vector<2000x1xf32>
    %mul3A = vector.broadcast %get3A_11 : vector<2000x1xf32> to vector<2000x128xf32>
    %mul3A_12 = arith.mulf %add3A_8, %mul3A : vector<2000x128xf32>
    %get3A_13 = arith.constant 0 : index
    %get3A_14 = arith.constant 0 : index
    %get3A_15 = vector.load %arg4[%get3A_13, %get3A_14] : memref<1x128xf32, #tpu.memory_space<vmem>>, vector<1x128xf32>
    %add3A_16 = vector.broadcast %get3A_15 : vector<1x128xf32> to vector<2000x128xf32>
    %add3A_17 = arith.addf %mul3A_12, %add3A_16 : vector<2000x128xf32>
    %eq3A = arith.constant 0 : i32
    %eq3A_18 = arith.cmpi eq, %arg0, %eq3A : i32
    %convert_element_type3A = arith.extui %eq3A_18 : i1 to i32
    %cond3A = arith.constant 0 : i32
    %cond3A_19 = arith.cmpi ne, %convert_element_type3A, %cond3A : i32
    scf.if %cond3A_19 {
      %broadcast_in_dim3A = arith.constant 0.000000e+00 : f32
      %broadcast_in_dim3A_28 = vector.broadcast %broadcast_in_dim3A : f32 to vector<1x128xf32>
      %swap3A = arith.constant 0 : index
      %swap3A_29 = arith.constant 0 : index
      %swap3A_30 = vector.load %arg9[%swap3A, %swap3A_29] : memref<1x128xf32, #tpu.memory_space<vmem>>, vector<1x128xf32>
      tpu.vector_store %arg9[%swap3A, %swap3A_29], %broadcast_in_dim3A_28 {strides = array<i32>} : memref<1x128xf32, #tpu.memory_space<vmem>>, vector<1x128xf32>,
      %broadcast_in_dim3A_31 = arith.constant 0.000000e+00 : f32
      %broadcast_in_dim3A_32 = vector.broadcast %broadcast_in_dim3A_31 : f32 to vector<1x128xf32>
      %swap3A_33 = arith.constant 0 : index
      %swap3A_34 = arith.constant 0 : index
      %swap3A_35 = vector.load %arg10[%swap3A_33, %swap3A_34] : memref<1x128xf32, #tpu.memory_space<vmem>>, vector<1x128xf32>
      tpu.vector_store %arg10[%swap3A_33, %swap3A_34], %broadcast_in_dim3A_32 {strides = array<i32>} : memref<1x128xf32, #tpu.memory_space<vmem>>, vector<1x128xf32>,
    } else {
    }
    %lt3A = arith.constant 5 : i32
    %lt3A_20 = arith.cmpi slt, %arg0, %lt3A : i32
    %convert_element_type3A_21 = arith.extui %lt3A_20 : i1 to i32
    %cond3A_22 = arith.constant 0 : i32
    %cond3A_23 = arith.cmpi ne, %convert_element_type3A_21, %cond3A_22 : i32
    scf.if %cond3A_23 {
      %get3A_28 = arith.constant 0 : index
      %get3A_29 = arith.constant 0 : index
      %get3A_30 = vector.load %arg9[%get3A_28, %get3A_29] : memref<1x128xf32, #tpu.memory_space<vmem>>, vector<1x128xf32>
      %reduce_sum3A = arith.constant dense<0.000000e+00> : vector<128xf32>
      %reduce_sum3A_31 = vector.multi_reduction <add>, %add3A_17, %reduce_sum3A [0] : vector<2000x128xf32> to vector<128xf32>
      %broadcast_in_dim3A = vector.shape_cast %reduce_sum3A_31 : vector<128xf32> to vector<1x128xf32>
      %add3A_32 = arith.addf %get3A_30, %broadcast_in_dim3A : vector<1x128xf32>
      %swap3A = arith.constant 0 : index
      %swap3A_33 = arith.constant 0 : index
      %swap3A_34 = vector.load %arg9[%swap3A, %swap3A_33] : memref<1x128xf32, #tpu.memory_space<vmem>>, vector<1x128xf32>
      tpu.vector_store %arg9[%swap3A, %swap3A_33], %add3A_32 {strides = array<i32>} : memref<1x128xf32, #tpu.memory_space<vmem>>, vector<1x128xf32>,
      %get3A_35 = arith.constant 0 : index
      %get3A_36 = arith.constant 0 : index
      %get3A_37 = vector.load %arg10[%get3A_35, %get3A_36] : memref<1x128xf32, #tpu.memory_space<vmem>>, vector<1x128xf32>
      %mul3A_38 = arith.mulf %add3A_17, %add3A_17 : vector<2000x128xf32>
      %reduce_sum3A_39 = arith.constant dense<0.000000e+00> : vector<128xf32>
      %reduce_sum3A_40 = vector.multi_reduction <add>, %mul3A_38, %reduce_sum3A_39 [0] : vector<2000x128xf32> to vector<128xf32>
      %broadcast_in_dim3A_41 = vector.shape_cast %reduce_sum3A_40 : vector<128xf32> to vector<1x128xf32>
      %add3A_42 = arith.addf %get3A_37, %broadcast_in_dim3A_41 : vector<1x128xf32>
      %swap3A_43 = arith.constant 0 : index
      %swap3A_44 = arith.constant 0 : index
      %swap3A_45 = vector.load %arg10[%swap3A_43, %swap3A_44] : memref<1x128xf32, #tpu.memory_space<vmem>>, vector<1x128xf32>
      tpu.vector_store %arg10[%swap3A_43, %swap3A_44], %add3A_42 {strides = array<i32>} : memref<1x128xf32, #tpu.memory_space<vmem>>, vector<1x128xf32>,
    } else {
    }
    %ge3A = arith.constant 5 : i32
    %ge3A_24 = arith.cmpi sge, %arg0, %ge3A : i32
    %convert_element_type3A_25 = arith.extui %ge3A_24 : i1 to i32
    %cond3A_26 = arith.constant 0 : i32
    %cond3A_27 = arith.cmpi ne, %convert_element_type3A_25, %cond3A_26 : i32
    scf.if %cond3A_27 {
      %get3A_28 = arith.constant 0 : index
      %get3A_29 = arith.constant 0 : index
      %get3A_30 = vector.load %arg9[%get3A_28, %get3A_29] : memref<1x128xf32, #tpu.memory_space<vmem>>, vector<1x128xf32>
      %mul3A_31 = arith.constant 9.99999974E-5 : f32
      %mul3A_32 = vector.broadcast %mul3A_31 : f32 to vector<1x128xf32>
      %mul3A_33 = arith.mulf %get3A_30, %mul3A_32 : vector<1x128xf32>
      %get3A_34 = arith.constant 0 : index
      %get3A_35 = arith.constant 0 : index
      %get3A_36 = vector.load %arg10[%get3A_34, %get3A_35] : memref<1x128xf32, #tpu.memory_space<vmem>>, vector<1x128xf32>
      %mul3A_37 = arith.constant 9.99999974E-5 : f32
      %mul3A_38 = vector.broadcast %mul3A_37 : f32 to vector<1x128xf32>
      %mul3A_39 = arith.mulf %get3A_36, %mul3A_38 : vector<1x128xf32>
      %mul3A_40 = arith.mulf %mul3A_33, %mul3A_33 : vector<1x128xf32>
      %sub3A = arith.subf %mul3A_39, %mul3A_40 : vector<1x128xf32>
      %get3A_41 = arith.constant 0 : index
      %get3A_42 = arith.constant 0 : index
      %get3A_43 = vector.load %arg5[%get3A_41, %get3A_42] : memref<1x128xf32, #tpu.memory_space<vmem>>, vector<1x128xf32>
      %add3A_44 = arith.constant 9.99999974E-6 : f32
      %add3A_45 = vector.broadcast %add3A_44 : f32 to vector<1x128xf32>
      %add3A_46 = arith.addf %sub3A, %add3A_45 : vector<1x128xf32>
      %rsqrt3A = math.rsqrt %add3A_46 : vector<1x128xf32>
      %mul3A_47 = arith.mulf %get3A_43, %rsqrt3A : vector<1x128xf32>
      %sub3A_48 = vector.broadcast %mul3A_33 : vector<1x128xf32> to vector<2000x128xf32>
      %sub3A_49 = arith.subf %add3A_17, %sub3A_48 : vector<2000x128xf32>
      %mul3A_50 = vector.broadcast %mul3A_47 : vector<1x128xf32> to vector<2000x128xf32>
      %mul3A_51 = arith.mulf %sub3A_49, %mul3A_50 : vector<2000x128xf32>
      %get3A_52 = arith.constant 0 : index
      %get3A_53 = arith.constant 0 : index
      %get3A_54 = vector.load %arg6[%get3A_52, %get3A_53] : memref<1x128xf32, #tpu.memory_space<vmem>>, vector<1x128xf32>
      %add3A_55 = vector.broadcast %get3A_54 : vector<1x128xf32> to vector<2000x128xf32>
      %add3A_56 = arith.addf %mul3A_51, %add3A_55 : vector<2000x128xf32>
      %max3A = arith.constant 0.000000e+00 : f32
      %max3A_57 = vector.broadcast %max3A : f32 to vector<2000x128xf32>
      %max3A_58 = arith.maximumf %add3A_56, %max3A_57 : vector<2000x128xf32>
      %get3A_59 = arith.constant 0 : index
      %get3A_60 = arith.constant 0 : index
      %get3A_61 = vector.load %arg7[%get3A_59, %get3A_60] : memref<128x128xf32, #tpu.memory_space<vmem>>, vector<128x128xf32>
      %dot_general3A = arith.constant dense<0.000000e+00> : vector<2000x128xf32>
      %dot_general3A_62 = tpu.matmul %max3A_58, %get3A_61, %dot_general3A {dimension_numbers = #tpu.dot_dimension_numbers<[1], [0], [0], [1], [0, 0, 1, 1], [], []>, precision = #tpu.contract_precision<fp32>, transpose_lhs_hint = false} : vector<2000x128xf32>, vector<128x128xf32>, vector<2000x128xf32> -> vector<2000x128xf32>
      %get3A_63 = arith.constant 0 : index
      %get3A_64 = arith.constant 0 : index
      %get3A_65 = vector.load %arg3[%get3A_63, %get3A_64] : memref<2000x1xf32, #tpu.memory_space<vmem>>, vector<2000x1xf32>
      %mul3A_66 = vector.broadcast %get3A_65 : vector<2000x1xf32> to vector<2000x128xf32>
      %mul3A_67 = arith.mulf %dot_general3A_62, %mul3A_66 : vector<2000x128xf32>
      %swap3A = arith.constant 0 : index
      %swap3A_68 = arith.constant 0 : index
      %swap3A_69 = vector.load %arg8[%swap3A, %swap3A_68] : memref<2000x128xf32, #tpu.memory_space<vmem>>, vector<2000x128xf32>
      tpu.vector_store %arg8[%swap3A, %swap3A_68], %mul3A_67 {strides = array<i32>} : memref<2000x128xf32, #tpu.memory_space<vmem>>, vector<2000x128xf32>,
    } else {
    }
    return
  }
  func.func @transform_0(%arg0: i32) -> (i32, i32, i32) {
    %lt3A = arith.constant 5 : i32
    %lt3A_0 = arith.cmpi slt, %arg0, %lt3A : i32
    %sub3A = arith.constant 5 : i32
    %sub3A_1 = arith.subi %arg0, %sub3A : i32
    %min3A = arith.constant 4 : i32
    %min3A_2 = arith.minsi %sub3A_1, %min3A : i32
    %select_n3A = arith.select %lt3A_0, %arg0, %min3A_2 : i32
    %c0_i32 = arith.constant 0 : i32
    %c0_i32_3 = arith.constant 0 : i32
    %c0_i32_4 = arith.constant 0 : i32
    return %c0_i32, %select_n3A, %c0_i32_3 : i32, i32, i32
  }
  func.func @transform_1(%arg0: i32) -> (i32, i32) {
    %lt3A = arith.constant 5 : i32
    %lt3A_0 = arith.cmpi slt, %arg0, %lt3A : i32
    %sub3A = arith.constant 5 : i32
    %sub3A_1 = arith.subi %arg0, %sub3A : i32
    %min3A = arith.constant 4 : i32
    %min3A_2 = arith.minsi %sub3A_1, %min3A : i32
    %select_n3A = arith.select %lt3A_0, %arg0, %min3A_2 : i32
    %c0_i32 = arith.constant 0 : i32
    %c0_i32_3 = arith.constant 0 : i32
    return %select_n3A, %c0_i32 : i32, i32
  }
  func.func @transform_2(%arg0: i32) -> (i32, i32) {
    %lt3A = arith.constant 5 : i32
    %lt3A_0 = arith.cmpi slt, %arg0, %lt3A : i32
    %sub3A = arith.constant 5 : i32
    %sub3A_1 = arith.subi %arg0, %sub3A : i32
    %min3A = arith.constant 4 : i32
    %min3A_2 = arith.minsi %sub3A_1, %min3A : i32
    %select_n3A = arith.select %lt3A_0, %arg0, %min3A_2 : i32
    %c0_i32 = arith.constant 0 : i32
    %c0_i32_3 = arith.constant 0 : i32
    return %select_n3A, %c0_i32 : i32, i32
  }
  func.func @transform_3(%arg0: i32) -> (i32, i32) {
    %c0_i32 = arith.constant 0 : i32
    %c0_i32_0 = arith.constant 0 : i32
    %c0_i32_1 = arith.constant 0 : i32
    return %c0_i32, %c0_i32_0 : i32, i32
  }
  func.func @transform_4(%arg0: i32) -> (i32, i32) {
    %c0_i32 = arith.constant 0 : i32
    %c0_i32_0 = arith.constant 0 : i32
    %c0_i32_1 = arith.constant 0 : i32
    return %c0_i32, %c0_i32_0 : i32, i32
  }
  func.func @transform_5(%arg0: i32) -> (i32, i32) {
    %c0_i32 = arith.constant 0 : i32
    %c0_i32_0 = arith.constant 0 : i32
    %c0_i32_1 = arith.constant 0 : i32
    return %c0_i32, %c0_i32_0 : i32, i32
  }
  func.func @transform_6(%arg0: i32) -> (i32, i32) {
    %c0_i32 = arith.constant 0 : i32
    %c0_i32_0 = arith.constant 0 : i32
    %c0_i32_1 = arith.constant 0 : i32
    return %c0_i32, %c0_i32_0 : i32, i32
  }
  func.func @transform_7(%arg0: i32) -> (i32, i32) {
    %lt3A = arith.constant 5 : i32
    %lt3A_0 = arith.cmpi slt, %arg0, %lt3A : i32
    %sub3A = arith.constant 5 : i32
    %sub3A_1 = arith.subi %arg0, %sub3A : i32
    %min3A = arith.constant 4 : i32
    %min3A_2 = arith.minsi %sub3A_1, %min3A : i32
    %select_n3A = arith.select %lt3A_0, %arg0, %min3A_2 : i32
    %c0_i32 = arith.constant 0 : i32
    %c0_i32_3 = arith.constant 0 : i32
    return %select_n3A, %c0_i32 : i32, i32
  }
  func.func @transform_8(%arg0: i32) -> (i32, i32) {
    %c0_i32 = arith.constant 0 : i32
    %c0_i32_0 = arith.constant 0 : i32
    %c0_i32_1 = arith.constant 0 : i32
    return %c0_i32, %c0_i32_0 : i32, i32
  }
  func.func @transform_9(%arg0: i32) -> (i32, i32) {
    %c0_i32 = arith.constant 0 : i32
    %c0_i32_0 = arith.constant 0 : i32
    %c0_i32_1 = arith.constant 0 : i32
    return %c0_i32, %c0_i32_0 : i32, i32
  }
}

module attributes {stable_mosaic.version = 14 : i64} {
  func.func @_stats_pool_head_body(%arg0: i32, %arg1: memref<2x2000x128xf32, #tpu.memory_space<vmem>>, %arg2: memref<2000x128xf32, #tpu.memory_space<vmem>>, %arg3: memref<2000x1xf32, #tpu.memory_space<vmem>>, %arg4: memref<1x128xf32, #tpu.memory_space<vmem>>, %arg5: memref<1x128xf32, #tpu.memory_space<vmem>>, %arg6: memref<1x128xf32, #tpu.memory_space<vmem>>, %arg7: memref<2000x1xi32, #tpu.memory_space<vmem>>, %arg8: memref<128x32xf32, #tpu.memory_space<vmem>>, %arg9: memref<1x32xf32, #tpu.memory_space<vmem>>, %arg10: memref<32x2xf32, #tpu.memory_space<vmem>>, %arg11: memref<1x2xf32, #tpu.memory_space<vmem>>, %arg12: memref<128x128xf32, #tpu.memory_space<vmem>>, %arg13: memref<128x1xf32, #tpu.memory_space<vmem>>, %arg14: memref<128x2xf32, #tpu.memory_space<vmem>>, %arg15: memref<1x128xf32, #tpu.memory_space<vmem>>, %arg16: memref<1x128xf32, #tpu.memory_space<vmem>>) attributes {dimension_semantics = [#tpu.dimension_semantics<arbitrary>], iteration_bounds = array<i64: 11>, scalar_prefetch = 0 : i64, scratch_operands = 0 : i64, tpu.core_type = #tpu.core_type<tc>, window_params = [{transform_indices = @transform_0, window_bounds = array<i64: 2, 2000, 128>}, {transform_indices = @transform_1, window_bounds = array<i64: 2000, 128>}, {transform_indices = @transform_2, window_bounds = array<i64: 2000, 1>}, {pipeline_mode = #tpu.pipeline_mode<synchronous>, transform_indices = @transform_3, window_bounds = array<i64: 1, 128>}, {pipeline_mode = #tpu.pipeline_mode<synchronous>, transform_indices = @transform_4, window_bounds = array<i64: 1, 128>}, {pipeline_mode = #tpu.pipeline_mode<synchronous>, transform_indices = @transform_5, window_bounds = array<i64: 1, 128>}, {transform_indices = @transform_6, window_bounds = array<i64: 2000, 1>}, {pipeline_mode = #tpu.pipeline_mode<synchronous>, transform_indices = @transform_7, window_bounds = array<i64: 128, 32>}, {pipeline_mode = #tpu.pipeline_mode<synchronous>, transform_indices = @transform_8, window_bounds = array<i64: 1, 32>}, {pipeline_mode = #tpu.pipeline_mode<synchronous>, transform_indices = @transform_9, window_bounds = array<i64: 32, 2>}, {pipeline_mode = #tpu.pipeline_mode<synchronous>, transform_indices = @transform_10, window_bounds = array<i64: 1, 2>}, {pipeline_mode = #tpu.pipeline_mode<synchronous>, transform_indices = @transform_11, window_bounds = array<i64: 128, 128>}, {pipeline_mode = #tpu.pipeline_mode<synchronous>, transform_indices = @transform_12, window_bounds = array<i64: 128, 1>}, {pipeline_mode = #tpu.pipeline_mode<synchronous>, transform_indices = @transform_13, window_bounds = array<i64: 128, 2>}, {pipeline_mode = #tpu.pipeline_mode<synchronous>, transform_indices = @transform_14, window_bounds = array<i64: 1, 128>}, {pipeline_mode = #tpu.pipeline_mode<synchronous>, transform_indices = @transform_15, window_bounds = array<i64: 1, 128>}]} {
    %eq3A = arith.constant 0 : i32
    %eq3A_0 = arith.cmpi eq, %arg0, %eq3A : i32
    %convert_element_type3A = arith.extui %eq3A_0 : i1 to i32
    %cond3A = arith.constant 0 : i32
    %cond3A_1 = arith.cmpi ne, %convert_element_type3A, %cond3A : i32
    scf.if %cond3A_1 {
      %broadcast_in_dim3A = arith.constant 0.000000e+00 : f32
      %broadcast_in_dim3A_11 = vector.broadcast %broadcast_in_dim3A : f32 to vector<1x128xf32>
      %swap3A = arith.constant 0 : index
      %swap3A_12 = arith.constant 0 : index
      %swap3A_13 = vector.load %arg15[%swap3A, %swap3A_12] : memref<1x128xf32, #tpu.memory_space<vmem>>, vector<1x128xf32>
      tpu.vector_store %arg15[%swap3A, %swap3A_12], %broadcast_in_dim3A_11 {strides = array<i32>} : memref<1x128xf32, #tpu.memory_space<vmem>>, vector<1x128xf32>,
      %broadcast_in_dim3A_14 = arith.constant 0.000000e+00 : f32
      %broadcast_in_dim3A_15 = vector.broadcast %broadcast_in_dim3A_14 : f32 to vector<1x128xf32>
      %swap3A_16 = arith.constant 0 : index
      %swap3A_17 = arith.constant 0 : index
      %swap3A_18 = vector.load %arg16[%swap3A_16, %swap3A_17] : memref<1x128xf32, #tpu.memory_space<vmem>>, vector<1x128xf32>
      tpu.vector_store %arg16[%swap3A_16, %swap3A_17], %broadcast_in_dim3A_15 {strides = array<i32>} : memref<1x128xf32, #tpu.memory_space<vmem>>, vector<1x128xf32>,
    } else {
    }
    %lt3A = arith.constant 10 : i32
    %lt3A_2 = arith.cmpi slt, %arg0, %lt3A : i32
    %convert_element_type3A_3 = arith.extui %lt3A_2 : i1 to i32
    %cond3A_4 = arith.constant 0 : i32
    %cond3A_5 = arith.cmpi ne, %convert_element_type3A_3, %cond3A_4 : i32
    scf.if %cond3A_5 {
      %get3A = arith.constant 0 : index
      %get3A_11 = arith.constant 0 : index
      %get3A_12 = arith.constant 0 : index
      %get3A_13 = vector.load %arg1[%get3A, %get3A_11, %get3A_12] : memref<2x2000x128xf32, #tpu.memory_space<vmem>>, vector<2x2000x128xf32>
      %slice3A = vector.extract_strided_slice %get3A_13 {offsets = [0, 0, 0], sizes = [1, 2000, 128], strides = [1, 1, 1]} : vector<2x2000x128xf32> to vector<1x2000x128xf32>
      %squeeze3A = vector.shape_cast %slice3A : vector<1x2000x128xf32> to vector<2000x128xf32>
      %slice3A_14 = vector.extract_strided_slice %get3A_13 {offsets = [1, 0, 0], sizes = [1, 2000, 128], strides = [1, 1, 1]} : vector<2x2000x128xf32> to vector<1x2000x128xf32>
      %squeeze3A_15 = vector.shape_cast %slice3A_14 : vector<1x2000x128xf32> to vector<2000x128xf32>
      %add3A = arith.addf %squeeze3A, %squeeze3A_15 : vector<2000x128xf32>
      %get3A_16 = arith.constant 0 : index
      %get3A_17 = arith.constant 0 : index
      %get3A_18 = vector.load %arg2[%get3A_16, %get3A_17] : memref<2000x128xf32, #tpu.memory_space<vmem>>, vector<2000x128xf32>
      %add3A_19 = arith.addf %add3A, %get3A_18 : vector<2000x128xf32>
      %get3A_20 = arith.constant 0 : index
      %get3A_21 = arith.constant 0 : index
      %get3A_22 = vector.load %arg3[%get3A_20, %get3A_21] : memref<2000x1xf32, #tpu.memory_space<vmem>>, vector<2000x1xf32>
      %mul3A = vector.broadcast %get3A_22 : vector<2000x1xf32> to vector<2000x128xf32>
      %mul3A_23 = arith.mulf %add3A_19, %mul3A : vector<2000x128xf32>
      %get3A_24 = arith.constant 0 : index
      %get3A_25 = arith.constant 0 : index
      %get3A_26 = vector.load %arg4[%get3A_24, %get3A_25] : memref<1x128xf32, #tpu.memory_space<vmem>>, vector<1x128xf32>
      %add3A_27 = vector.broadcast %get3A_26 : vector<1x128xf32> to vector<2000x128xf32>
      %add3A_28 = arith.addf %mul3A_23, %add3A_27 : vector<2000x128xf32>
      %lt3A_29 = arith.constant 5 : i32
      %lt3A_30 = arith.cmpi slt, %arg0, %lt3A_29 : i32
      %convert_element_type3A_31 = arith.extui %lt3A_30 : i1 to i32
      %cond3A_32 = arith.constant 0 : i32
      %cond3A_33 = arith.cmpi ne, %convert_element_type3A_31, %cond3A_32 : i32
      scf.if %cond3A_33 {
        %get3A_38 = arith.constant 0 : index
        %get3A_39 = arith.constant 0 : index
        %get3A_40 = vector.load %arg15[%get3A_38, %get3A_39] : memref<1x128xf32, #tpu.memory_space<vmem>>, vector<1x128xf32>
        %reduce_sum3A = arith.constant dense<0.000000e+00> : vector<128xf32>
        %reduce_sum3A_41 = vector.multi_reduction <add>, %add3A_28, %reduce_sum3A [0] : vector<2000x128xf32> to vector<128xf32>
        %broadcast_in_dim3A = vector.shape_cast %reduce_sum3A_41 : vector<128xf32> to vector<1x128xf32>
        %add3A_42 = arith.addf %get3A_40, %broadcast_in_dim3A : vector<1x128xf32>
        %swap3A = arith.constant 0 : index
        %swap3A_43 = arith.constant 0 : index
        %swap3A_44 = vector.load %arg15[%swap3A, %swap3A_43] : memref<1x128xf32, #tpu.memory_space<vmem>>, vector<1x128xf32>
        tpu.vector_store %arg15[%swap3A, %swap3A_43], %add3A_42 {strides = array<i32>} : memref<1x128xf32, #tpu.memory_space<vmem>>, vector<1x128xf32>,
        %get3A_45 = arith.constant 0 : index
        %get3A_46 = arith.constant 0 : index
        %get3A_47 = vector.load %arg16[%get3A_45, %get3A_46] : memref<1x128xf32, #tpu.memory_space<vmem>>, vector<1x128xf32>
        %mul3A_48 = arith.mulf %add3A_28, %add3A_28 : vector<2000x128xf32>
        %reduce_sum3A_49 = arith.constant dense<0.000000e+00> : vector<128xf32>
        %reduce_sum3A_50 = vector.multi_reduction <add>, %mul3A_48, %reduce_sum3A_49 [0] : vector<2000x128xf32> to vector<128xf32>
        %broadcast_in_dim3A_51 = vector.shape_cast %reduce_sum3A_50 : vector<128xf32> to vector<1x128xf32>
        %add3A_52 = arith.addf %get3A_47, %broadcast_in_dim3A_51 : vector<1x128xf32>
        %swap3A_53 = arith.constant 0 : index
        %swap3A_54 = arith.constant 0 : index
        %swap3A_55 = vector.load %arg16[%swap3A_53, %swap3A_54] : memref<1x128xf32, #tpu.memory_space<vmem>>, vector<1x128xf32>
        tpu.vector_store %arg16[%swap3A_53, %swap3A_54], %add3A_52 {strides = array<i32>} : memref<1x128xf32, #tpu.memory_space<vmem>>, vector<1x128xf32>,
      } else {
      }
      %ge3A = arith.constant 5 : i32
      %ge3A_34 = arith.cmpi sge, %arg0, %ge3A : i32
      %convert_element_type3A_35 = arith.extui %ge3A_34 : i1 to i32
      %cond3A_36 = arith.constant 0 : i32
      %cond3A_37 = arith.cmpi ne, %convert_element_type3A_35, %cond3A_36 : i32
      scf.if %cond3A_37 {
        %get3A_38 = arith.constant 0 : index
        %get3A_39 = arith.constant 0 : index
        %get3A_40 = vector.load %arg15[%get3A_38, %get3A_39] : memref<1x128xf32, #tpu.memory_space<vmem>>, vector<1x128xf32>
        %mul3A_41 = arith.constant 9.99999974E-5 : f32
        %mul3A_42 = vector.broadcast %mul3A_41 : f32 to vector<1x128xf32>
        %mul3A_43 = arith.mulf %get3A_40, %mul3A_42 : vector<1x128xf32>
        %get3A_44 = arith.constant 0 : index
        %get3A_45 = arith.constant 0 : index
        %get3A_46 = vector.load %arg16[%get3A_44, %get3A_45] : memref<1x128xf32, #tpu.memory_space<vmem>>, vector<1x128xf32>
        %mul3A_47 = arith.constant 9.99999974E-5 : f32
        %mul3A_48 = vector.broadcast %mul3A_47 : f32 to vector<1x128xf32>
        %mul3A_49 = arith.mulf %get3A_46, %mul3A_48 : vector<1x128xf32>
        %mul3A_50 = arith.mulf %mul3A_43, %mul3A_43 : vector<1x128xf32>
        %sub3A = arith.subf %mul3A_49, %mul3A_50 : vector<1x128xf32>
        %get3A_51 = arith.constant 0 : index
        %get3A_52 = arith.constant 0 : index
        %get3A_53 = vector.load %arg5[%get3A_51, %get3A_52] : memref<1x128xf32, #tpu.memory_space<vmem>>, vector<1x128xf32>
        %add3A_54 = arith.constant 9.99999974E-6 : f32
        %add3A_55 = vector.broadcast %add3A_54 : f32 to vector<1x128xf32>
        %add3A_56 = arith.addf %sub3A, %add3A_55 : vector<1x128xf32>
        %rsqrt3A = math.rsqrt %add3A_56 : vector<1x128xf32>
        %mul3A_57 = arith.mulf %get3A_53, %rsqrt3A : vector<1x128xf32>
        %sub3A_58 = vector.broadcast %mul3A_43 : vector<1x128xf32> to vector<2000x128xf32>
        %sub3A_59 = arith.subf %add3A_28, %sub3A_58 : vector<2000x128xf32>
        %mul3A_60 = vector.broadcast %mul3A_57 : vector<1x128xf32> to vector<2000x128xf32>
        %mul3A_61 = arith.mulf %sub3A_59, %mul3A_60 : vector<2000x128xf32>
        %get3A_62 = arith.constant 0 : index
        %get3A_63 = arith.constant 0 : index
        %get3A_64 = vector.load %arg6[%get3A_62, %get3A_63] : memref<1x128xf32, #tpu.memory_space<vmem>>, vector<1x128xf32>
        %add3A_65 = vector.broadcast %get3A_64 : vector<1x128xf32> to vector<2000x128xf32>
        %add3A_66 = arith.addf %mul3A_61, %add3A_65 : vector<2000x128xf32>
        %max3A = arith.constant 0.000000e+00 : f32
        %max3A_67 = vector.broadcast %max3A : f32 to vector<2000x128xf32>
        %max3A_68 = arith.maximumf %add3A_66, %max3A_67 : vector<2000x128xf32>
        %get3A_69 = arith.constant 0 : index
        %get3A_70 = arith.constant 0 : index
        %get3A_71 = vector.load %arg7[%get3A_69, %get3A_70] : memref<2000x1xi32, #tpu.memory_space<vmem>>, vector<2000x1xi32>
        %iota3A = tpu.iota {dimensions = array<i32: 1>} : vector<2000x128xi32>
        %eq3A_72 = vector.broadcast %get3A_71 : vector<2000x1xi32> to vector<2000x128xi32>
        %eq3A_73 = arith.cmpi eq, %eq3A_72, %iota3A : vector<2000x128xi32>
        %convert_element_type3A_74 = arith.extui %eq3A_73 : vector<2000x128xi1> to vector<2000x128xi32>
        %convert_element_type3A_75 = arith.sitofp %convert_element_type3A_74 : vector<2000x128xi32> to vector<2000x128xf32>
        %dot_general3A = arith.constant dense<0.000000e+00> : vector<128x128xf32>
        %dot_general3A_76 = tpu.matmul %convert_element_type3A_75, %max3A_68, %dot_general3A {dimension_numbers = #tpu.dot_dimension_numbers<[0], [0], [1], [1], [0, 1, 1, 1], [], []>, precision = #tpu.contract_precision<fp32>, transpose_lhs_hint = false} : vector<2000x128xf32>, vector<2000x128xf32>, vector<128x128xf32> -> vector<128x128xf32>
        %broadcast_in_dim3A = arith.constant 1.000000e+00 : f32
        %broadcast_in_dim3A_77 = vector.broadcast %broadcast_in_dim3A : f32 to vector<2000x1xf32>
        %dot_general3A_78 = arith.constant dense<0.000000e+00> : vector<128x1xf32>
        %dot_general3A_79 = tpu.matmul %convert_element_type3A_75, %broadcast_in_dim3A_77, %dot_general3A_78 {dimension_numbers = #tpu.dot_dimension_numbers<[0], [0], [1], [1], [0, 1, 1, 1], [], []>, precision = #tpu.contract_precision<fp32>, transpose_lhs_hint = false} : vector<2000x128xf32>, vector<2000x1xf32>, vector<128x1xf32> -> vector<128x1xf32>
        %eq3A_80 = arith.constant 5 : i32
        %eq3A_81 = arith.cmpi eq, %arg0, %eq3A_80 : i32
        %convert_element_type3A_82 = arith.extui %eq3A_81 : i1 to i32
        %cond3A_83 = arith.constant 0 : i32
        %cond3A_84 = arith.cmpi ne, %convert_element_type3A_82, %cond3A_83 : i32
        scf.if %cond3A_84 {
          %swap3A = arith.constant 0 : index
          %swap3A_89 = arith.constant 0 : index
          %swap3A_90 = vector.load %arg12[%swap3A, %swap3A_89] : memref<128x128xf32, #tpu.memory_space<vmem>>, vector<128x128xf32>
          tpu.vector_store %arg12[%swap3A, %swap3A_89], %dot_general3A_76 {strides = array<i32>} : memref<128x128xf32, #tpu.memory_space<vmem>>, vector<128x128xf32>,
          %swap3A_91 = arith.constant 0 : index
          %swap3A_92 = arith.constant 0 : index
          %swap3A_93 = vector.load %arg13[%swap3A_91, %swap3A_92] : memref<128x1xf32, #tpu.memory_space<vmem>>, vector<128x1xf32>
          tpu.vector_store %arg13[%swap3A_91, %swap3A_92], %dot_general3A_79 {strides = array<i32>} : memref<128x1xf32, #tpu.memory_space<vmem>>, vector<128x1xf32>,
        } else {
        }
        %ne3A = arith.constant 5 : i32
        %ne3A_85 = arith.cmpi ne, %arg0, %ne3A : i32
        %convert_element_type3A_86 = arith.extui %ne3A_85 : i1 to i32
        %cond3A_87 = arith.constant 0 : i32
        %cond3A_88 = arith.cmpi ne, %convert_element_type3A_86, %cond3A_87 : i32
        scf.if %cond3A_88 {
          %get3A_89 = arith.constant 0 : index
          %get3A_90 = arith.constant 0 : index
          %get3A_91 = vector.load %arg12[%get3A_89, %get3A_90] : memref<128x128xf32, #tpu.memory_space<vmem>>, vector<128x128xf32>
          %add3A_92 = arith.addf %get3A_91, %dot_general3A_76 : vector<128x128xf32>
          %swap3A = arith.constant 0 : index
          %swap3A_93 = arith.constant 0 : index
          %swap3A_94 = vector.load %arg12[%swap3A, %swap3A_93] : memref<128x128xf32, #tpu.memory_space<vmem>>, vector<128x128xf32>
          tpu.vector_store %arg12[%swap3A, %swap3A_93], %add3A_92 {strides = array<i32>} : memref<128x128xf32, #tpu.memory_space<vmem>>, vector<128x128xf32>,
          %get3A_95 = arith.constant 0 : index
          %get3A_96 = arith.constant 0 : index
          %get3A_97 = vector.load %arg13[%get3A_95, %get3A_96] : memref<128x1xf32, #tpu.memory_space<vmem>>, vector<128x1xf32>
          %add3A_98 = arith.addf %get3A_97, %dot_general3A_79 : vector<128x1xf32>
          %swap3A_99 = arith.constant 0 : index
          %swap3A_100 = arith.constant 0 : index
          %swap3A_101 = vector.load %arg13[%swap3A_99, %swap3A_100] : memref<128x1xf32, #tpu.memory_space<vmem>>, vector<128x1xf32>
          tpu.vector_store %arg13[%swap3A_99, %swap3A_100], %add3A_98 {strides = array<i32>} : memref<128x1xf32, #tpu.memory_space<vmem>>, vector<128x1xf32>,
        } else {
        }
      } else {
      }
    } else {
    }
    %eq3A_6 = arith.constant 10 : i32
    %eq3A_7 = arith.cmpi eq, %arg0, %eq3A_6 : i32
    %convert_element_type3A_8 = arith.extui %eq3A_7 : i1 to i32
    %cond3A_9 = arith.constant 0 : i32
    %cond3A_10 = arith.cmpi ne, %convert_element_type3A_8, %cond3A_9 : i32
    scf.if %cond3A_10 {
      %get3A = arith.constant 0 : index
      %get3A_11 = arith.constant 0 : index
      %get3A_12 = vector.load %arg12[%get3A, %get3A_11] : memref<128x128xf32, #tpu.memory_space<vmem>>, vector<128x128xf32>
      %get3A_13 = arith.constant 0 : index
      %get3A_14 = arith.constant 0 : index
      %get3A_15 = vector.load %arg13[%get3A_13, %get3A_14] : memref<128x1xf32, #tpu.memory_space<vmem>>, vector<128x1xf32>
      %max3A = arith.constant 1.000000e+00 : f32
      %max3A_16 = vector.broadcast %max3A : f32 to vector<128x1xf32>
      %max3A_17 = arith.maximumf %get3A_15, %max3A_16 : vector<128x1xf32>
      %div3A = vector.broadcast %max3A_17 : vector<128x1xf32> to vector<128x128xf32>
      %div3A_18 = arith.divf %get3A_12, %div3A : vector<128x128xf32>
      %get3A_19 = arith.constant 0 : index
      %get3A_20 = arith.constant 0 : index
      %get3A_21 = vector.load %arg8[%get3A_19, %get3A_20] : memref<128x32xf32, #tpu.memory_space<vmem>>, vector<128x32xf32>
      %dot_general3A = arith.constant dense<0.000000e+00> : vector<128x32xf32>
      %dot_general3A_22 = tpu.matmul %div3A_18, %get3A_21, %dot_general3A {dimension_numbers = #tpu.dot_dimension_numbers<[1], [0], [0], [1], [0, 0, 1, 1], [], []>, precision = #tpu.contract_precision<fp32>, transpose_lhs_hint = false} : vector<128x128xf32>, vector<128x32xf32>, vector<128x32xf32> -> vector<128x32xf32>
      %get3A_23 = arith.constant 0 : index
      %get3A_24 = arith.constant 0 : index
      %get3A_25 = vector.load %arg9[%get3A_23, %get3A_24] : memref<1x32xf32, #tpu.memory_space<vmem>>, vector<1x32xf32>
      %add3A = vector.broadcast %get3A_25 : vector<1x32xf32> to vector<128x32xf32>
      %add3A_26 = arith.addf %dot_general3A_22, %add3A : vector<128x32xf32>
      %max3A_27 = arith.constant 0.000000e+00 : f32
      %max3A_28 = vector.broadcast %max3A_27 : f32 to vector<128x32xf32>
      %max3A_29 = arith.maximumf %add3A_26, %max3A_28 : vector<128x32xf32>
      %get3A_30 = arith.constant 0 : index
      %get3A_31 = arith.constant 0 : index
      %get3A_32 = vector.load %arg10[%get3A_30, %get3A_31] : memref<32x2xf32, #tpu.memory_space<vmem>>, vector<32x2xf32>
      %dot_general3A_33 = arith.constant dense<0.000000e+00> : vector<128x2xf32>
      %dot_general3A_34 = tpu.matmul %max3A_29, %get3A_32, %dot_general3A_33 {dimension_numbers = #tpu.dot_dimension_numbers<[1], [0], [0], [1], [0, 0, 1, 1], [], []>, precision = #tpu.contract_precision<fp32>, transpose_lhs_hint = false} : vector<128x32xf32>, vector<32x2xf32>, vector<128x2xf32> -> vector<128x2xf32>
      %get3A_35 = arith.constant 0 : index
      %get3A_36 = arith.constant 0 : index
      %get3A_37 = vector.load %arg11[%get3A_35, %get3A_36] : memref<1x2xf32, #tpu.memory_space<vmem>>, vector<1x2xf32>
      %add3A_38 = vector.broadcast %get3A_37 : vector<1x2xf32> to vector<128x2xf32>
      %add3A_39 = arith.addf %dot_general3A_34, %add3A_38 : vector<128x2xf32>
      %swap3A = arith.constant 0 : index
      %swap3A_40 = arith.constant 0 : index
      %swap3A_41 = vector.load %arg14[%swap3A, %swap3A_40] : memref<128x2xf32, #tpu.memory_space<vmem>>, vector<128x2xf32>
      tpu.vector_store %arg14[%swap3A, %swap3A_40], %add3A_39 {strides = array<i32>} : memref<128x2xf32, #tpu.memory_space<vmem>>, vector<128x2xf32>,
    } else {
    }
    return
  }
  func.func @transform_0(%arg0: i32) -> (i32, i32, i32) {
    %lt3A = arith.constant 5 : i32
    %lt3A_0 = arith.cmpi slt, %arg0, %lt3A : i32
    %sub3A = arith.constant 5 : i32
    %sub3A_1 = arith.subi %arg0, %sub3A : i32
    %min3A = arith.constant 4 : i32
    %min3A_2 = arith.minsi %sub3A_1, %min3A : i32
    %select_n3A = arith.select %lt3A_0, %arg0, %min3A_2 : i32
    %c0_i32 = arith.constant 0 : i32
    %c0_i32_3 = arith.constant 0 : i32
    %c0_i32_4 = arith.constant 0 : i32
    return %c0_i32, %select_n3A, %c0_i32_3 : i32, i32, i32
  }
  func.func @transform_1(%arg0: i32) -> (i32, i32) {
    %lt3A = arith.constant 5 : i32
    %lt3A_0 = arith.cmpi slt, %arg0, %lt3A : i32
    %sub3A = arith.constant 5 : i32
    %sub3A_1 = arith.subi %arg0, %sub3A : i32
    %min3A = arith.constant 4 : i32
    %min3A_2 = arith.minsi %sub3A_1, %min3A : i32
    %select_n3A = arith.select %lt3A_0, %arg0, %min3A_2 : i32
    %c0_i32 = arith.constant 0 : i32
    %c0_i32_3 = arith.constant 0 : i32
    return %select_n3A, %c0_i32 : i32, i32
  }
  func.func @transform_2(%arg0: i32) -> (i32, i32) {
    %lt3A = arith.constant 5 : i32
    %lt3A_0 = arith.cmpi slt, %arg0, %lt3A : i32
    %sub3A = arith.constant 5 : i32
    %sub3A_1 = arith.subi %arg0, %sub3A : i32
    %min3A = arith.constant 4 : i32
    %min3A_2 = arith.minsi %sub3A_1, %min3A : i32
    %select_n3A = arith.select %lt3A_0, %arg0, %min3A_2 : i32
    %c0_i32 = arith.constant 0 : i32
    %c0_i32_3 = arith.constant 0 : i32
    return %select_n3A, %c0_i32 : i32, i32
  }
  func.func @transform_3(%arg0: i32) -> (i32, i32) {
    %c0_i32 = arith.constant 0 : i32
    %c0_i32_0 = arith.constant 0 : i32
    %c0_i32_1 = arith.constant 0 : i32
    return %c0_i32, %c0_i32_0 : i32, i32
  }
  func.func @transform_4(%arg0: i32) -> (i32, i32) {
    %c0_i32 = arith.constant 0 : i32
    %c0_i32_0 = arith.constant 0 : i32
    %c0_i32_1 = arith.constant 0 : i32
    return %c0_i32, %c0_i32_0 : i32, i32
  }
  func.func @transform_5(%arg0: i32) -> (i32, i32) {
    %c0_i32 = arith.constant 0 : i32
    %c0_i32_0 = arith.constant 0 : i32
    %c0_i32_1 = arith.constant 0 : i32
    return %c0_i32, %c0_i32_0 : i32, i32
  }
  func.func @transform_6(%arg0: i32) -> (i32, i32) {
    %lt3A = arith.constant 5 : i32
    %lt3A_0 = arith.cmpi slt, %arg0, %lt3A : i32
    %sub3A = arith.constant 5 : i32
    %sub3A_1 = arith.subi %arg0, %sub3A : i32
    %min3A = arith.constant 4 : i32
    %min3A_2 = arith.minsi %sub3A_1, %min3A : i32
    %select_n3A = arith.select %lt3A_0, %arg0, %min3A_2 : i32
    %c0_i32 = arith.constant 0 : i32
    %c0_i32_3 = arith.constant 0 : i32
    return %select_n3A, %c0_i32 : i32, i32
  }
  func.func @transform_7(%arg0: i32) -> (i32, i32) {
    %c0_i32 = arith.constant 0 : i32
    %c0_i32_0 = arith.constant 0 : i32
    %c0_i32_1 = arith.constant 0 : i32
    return %c0_i32, %c0_i32_0 : i32, i32
  }
  func.func @transform_8(%arg0: i32) -> (i32, i32) {
    %c0_i32 = arith.constant 0 : i32
    %c0_i32_0 = arith.constant 0 : i32
    %c0_i32_1 = arith.constant 0 : i32
    return %c0_i32, %c0_i32_0 : i32, i32
  }
  func.func @transform_9(%arg0: i32) -> (i32, i32) {
    %c0_i32 = arith.constant 0 : i32
    %c0_i32_0 = arith.constant 0 : i32
    %c0_i32_1 = arith.constant 0 : i32
    return %c0_i32, %c0_i32_0 : i32, i32
  }
  func.func @transform_10(%arg0: i32) -> (i32, i32) {
    %c0_i32 = arith.constant 0 : i32
    %c0_i32_0 = arith.constant 0 : i32
    %c0_i32_1 = arith.constant 0 : i32
    return %c0_i32, %c0_i32_0 : i32, i32
  }
  func.func @transform_11(%arg0: i32) -> (i32, i32) {
    %c0_i32 = arith.constant 0 : i32
    %c0_i32_0 = arith.constant 0 : i32
    %c0_i32_1 = arith.constant 0 : i32
    return %c0_i32, %c0_i32_0 : i32, i32
  }
  func.func @transform_12(%arg0: i32) -> (i32, i32) {
    %c0_i32 = arith.constant 0 : i32
    %c0_i32_0 = arith.constant 0 : i32
    %c0_i32_1 = arith.constant 0 : i32
    return %c0_i32, %c0_i32_0 : i32, i32
  }
  func.func @transform_13(%arg0: i32) -> (i32, i32) {
    %c0_i32 = arith.constant 0 : i32
    %c0_i32_0 = arith.constant 0 : i32
    %c0_i32_1 = arith.constant 0 : i32
    return %c0_i32, %c0_i32_0 : i32, i32
  }
  func.func @transform_14(%arg0: i32) -> (i32, i32) {
    %c0_i32 = arith.constant 0 : i32
    %c0_i32_0 = arith.constant 0 : i32
    %c0_i32_1 = arith.constant 0 : i32
    return %c0_i32, %c0_i32_0 : i32, i32
  }
  func.func @transform_15(%arg0: i32) -> (i32, i32) {
    %c0_i32 = arith.constant 0 : i32
    %c0_i32_0 = arith.constant 0 : i32
    %c0_i32_1 = arith.constant 0 : i32
    return %c0_i32, %c0_i32_0 : i32, i32
  }
}

</mosaic_0001>

<sc_bundles>
// kernel: kernel.11.cloned.1.call-start
scs
__scs_entry_jumppad:
0x0: {  	(pc) =	sbr.rel $0x88, $3  }
0x1: {  	(tag) =	ssettag $0x0;
	lr =	simm.s32 $0x1  }
0x2: {  	[smem:$0x3F92] =	sst lr;
	_ =	strace $0xD0000000  }
0x3: {  	_ = 	snop  }
0x4: {  	_ = 	snop  }
0x5: {  	_ = 	snop  }
0x6: {  	_ = 	snop  }
0x7: {  	_ = 	snop  }
__scs_overlays_trampoline_lowered:
0x8: {  	[smem:$0x3FA1] =	sst s0  }
0x9: {  	[smem:$0x3FA2] =	sst s1  }
0xa: {  	[smem:$0x3FA3] =	sst s2  }
0xb: {  	[smem:$0x3FA4] =	sst s3  }
0xc: {  	[smem:$0x3FA5] =	sst s4  }
0xd: {  	[smem:$0x3FA6] =	sst s5  }
0xe: {  	[smem:$0x3FA7] =	sst s6  }
0xf: {  	[smem:$0x3FA8] =	sst s7  }
0x10: {  	[smem:$0x3FA9] =	sst s8  }
0x11: {  	[smem:$0x3FAA] =	sst s9;
	s0 =	simm.s32 @!p0 $0x0  }
0x12: {  	s1 =	sld [smem:$0x3F90];
	s0 =	simm.s32 @p0 $0x1  }
0x13: {  	[smem:$0x3FAB] =	sst s0;
	s0 =	simm.s32 @!p1 $0x0  }
0x14: {  	s2 =	sld [smem:$0x3F8F];
	s0 =	simm.s32 @p1 $0x1  }
0x15: {  	[smem:$0x3FAC] =	sst s0;
	s0 =	simm.s32 @!p2 $0x0  }
0x16: {  	s3 =	sld [smem:$0x3FDB];
	s0 =	simm.s32 @p2 $0x1  }
0x17: {  	s4 =	simm.s32 $0x1BF5;
	[smem:$0x3FAE] =	sst s0  }
0x18: {  	s0 =	sld [smem:$0x3F91];
	_ =	swait.ge [sflag:s4], $0x0  }
0x19: {  	s7 =	sld [smem:$0x3F92]  }
0x1a: {  	s8 =	sadd.s32 $0xFFFFE003, lr  }
0x1b: {  	s9 =	sadd.s32 $0xFFFFFEF7, lr;
	s5 =	simm.s32 $0xFFFFFFFF;
	p2 =	slt.u32 s8, $0xFFFFF086  }
0x1c: {  	p1 =	slt.u32 s9, $0xF7A;
	s5 =	simm.s32 @!p2 $0x0  }
0x1d: {  	s5 =	simm.s32 @p1 $0x1;
	p0 =	seq.s32 s7, s2  }
0x1e: {  	s7 =	smul.u32 @!p0 $0xF7A, s2;
	p2 =	seq.s32 @!p0 s5, $0x0  }
0x1f: {  	s9 =	smul.u32 $0xF7A, s1;
	s8 =	simm.s32 @!p0 $0x1BF5;
	p2 =	por !p2, p0  }
0x20: {  	[sflag:s8] =	ssyncset.s32 @!p0 $0xFFFFF086;
	s6 =	sadd.s32 @!p0 s3, s7;
	s7 =	simm.s32 @!p0 $0x108  }
0x21: {  	s3 =	sadd.s32 s3, s9;
	s6 =	sadd.s32 @!p0 $0x88, s6;
	s7 =	simm.s32 @p2 $0x1082  }
0x22: {  	[simem:s7], [sflag:s8] =	dma.local @!p0 [hbm:s6], $0xF7A  }
0x23: {  	s9 =	sor.u32 $0xD0000000, s2;
	s6 =	simm.s32 $0x108;
	_ =	swait.ge @!p0 [sflag:s8], $0x0  }
0x24: {  	s3 =	sadd.s32 $0x88, s3;
	s6 =	simm.s32 @!p1 $0x1082;
	[sflag:s4] =	ssyncset.s32 $0xFFFFF086  }
0x25: {  	[simem:s6], [sflag:s4] =	dma.local [hbm:s3], $0xF7A  }
0x26: {  	[smem:$0x3F92] =	sst s1;
	(tag) =	ssettag s2;
	_ =	strace s9  }
0x27: {  	s1 =	sld [smem:$0x3FA2]  }
0x28: {  	s2 =	sld [smem:$0x3FA3]  }
0x29: {  	s4 =	sld [smem:$0x3FA5]  }
0x2a: {  	p0 =	seq.s32 s5, $0x0;
	s5 =	sld [smem:$0x3FA6]  }
0x2b: {  	s6 =	sld [smem:$0x3FA7]  }
0x2c: {  	s7 =	sld [smem:$0x3FA8]  }
0x2d: {  	s3 =	simm.s32 $0x108;
	s8 =	sld [smem:$0x3FA9]  }
0x2e: {  	s3 =	simm.s32 @!p0 $0x1082;
	s9 =	sld [smem:$0x3FAA]  }
0x2f: {  	lr =	sadd.s32 s0, s3;
	s0 =	sld [smem:$0x3FA1]  }
0x30: {  	s3 =	sld [smem:$0x3FA4]  }
0x31: {  	[smem:$0x3FAD] =	sst s10  }
0x32: {  	s10 =	sld [smem:$0x3FAB];
	_ =	sdelay $0x3  }
0x33: {  	p0 =	seq.s32 s10, $0x1;
	s10 =	sld [smem:$0x3FAD];
	_ =	sdelay $0x3  }
0x34: {  	[smem:$0x3FAD] =	sst s10  }
0x35: {  	s10 =	sld [smem:$0x3FAC];
	_ =	sdelay $0x3  }
0x36: {  	p1 =	seq.s32 s10, $0x1;
	s10 =	sld [smem:$0x3FAD];
	_ =	sdelay $0x3  }
0x37: {  	[smem:$0x3FAD] =	sst s10  }
0x38: {  	s10 =	sld [smem:$0x3FAE]  }
0x39: {  	_ = 	snop;
	(pc) =	sbr.ind lr, $3  }
0x3a: {  	_ = 	snop  }
0x3b: {  	_ = 	snop  }
0x3c: {  	p2 =	seq.s32 s10, $0x1;
	s10 =	sld [smem:$0x3FAD]  }
0x3d: {  	_ =	shalt  }
0x3e: {  	_ =	shalt  }
0x3f: {  	_ =	shalt  }
0x40: {  	_ =	shalt  }
0x41: {  	_ =	shalt  }
0x42: {  	_ =	shalt  }
0x43: {  	_ =	shalt  }
0x44: {  	_ =	shalt  }
0x45: {  	_ =	shalt  }
0x46: {  	_ =	shalt  }
0x47: {  	_ =	shalt  }
0x48: {  	_ =	shalt  }
0x49: {  	_ =	shalt  }
0x4a: {  	_ =	shalt  }
0x4b: {  	_ =	shalt  }
0x4c: {  	_ =	shalt  }
0x4d: {  	_ =	shalt  }
0x4e: {  	_ =	shalt  }
0x4f: {  	_ =	shalt  }
0x50: {  	_ =	shalt  }
0x51: {  	_ =	shalt  }
0x52: {  	_ =	shalt  }
0x53: {  	_ =	shalt  }
0x54: {  	_ =	shalt  }
0x55: {  	_ =	shalt  }
0x56: {  	_ =	shalt  }
0x57: {  	_ =	shalt  }
0x58: {  	_ =	shalt  }
0x59: {  	_ =	shalt  }
0x5a: {  	_ =	shalt  }
0x5b: {  	_ =	shalt  }
0x5c: {  	_ =	shalt  }
0x5d: {  	_ =	shalt  }
0x5e: {  	_ =	shalt  }
0x5f: {  	_ =	shalt  }
0x60: {  	_ =	shalt  }
0x61: {  	_ =	shalt  }
0x62: {  	_ =	shalt  }
0x63: {  	_ =	shalt  }
0x64: {  	_ =	shalt  }
0x65: {  	_ =	shalt  }
0x66: {  	_ =	shalt  }
0x67: {  	_ =	shalt  }
0x68: {  	_ =	shalt  }
0x69: {  	_ =	shalt  }
0x6a: {  	_ =	shalt  }
0x6b: {  	_ =	shalt  }
0x6c: {  	_ =	shalt  }
0x6d: {  	_ =	shalt  }
0x6e: {  	_ =	shalt  }
0x6f: {  	_ =	shalt  }
0x70: {  	_ =	shalt  }
0x71: {  	_ =	shalt  }
0x72: {  	_ =	shalt  }
0x73: {  	_ =	shalt  }
0x74: {  	_ =	shalt  }
0x75: {  	_ =	shalt  }
0x76: {  	_ =	shalt  }
0x77: {  	_ =	shalt  }
0x78: {  	_ =	shalt  }
0x79: {  	_ =	shalt  }
0x7a: {  	_ =	shalt  }
0x7b: {  	_ =	shalt  }
0x7c: {  	_ =	shalt  }
0x7d: {  	_ =	shalt  }
0x7e: {  	_ =	shalt  }
0x7f: {  	_ =	shalt  }
0x80: {  	_ =	shalt  }
0x81: {  	_ =	shalt  }
0x82: {  	_ =	shalt  }
0x83: {  	_ =	shalt  }
0x84: {  	_ =	shalt  }
0x85: {  	_ =	shalt  }
0x86: {  	_ =	shalt  }
0x87: {  	_ =	shalt  }
.Lfunc_end0:
.L_simem_size_0:
called_computation.1_lowered:
.L_overlay_start_0:
0x88: {  	s2 =	sld [smem:$0x3FD9]  }
0x89: {  	s3 =	sld [smem:$0x3FFE];
	_ =	sdelay $0x1  }
0x8a: {  	s1 =	srdreg.scid  }
0x8b: {  	s0 =	sand.u32 $0x1, s1  }
0x8c: {  	s16 =	sshll.u32 s0, $0xA;
	s2 =	sadd.s32 s3, s2  }
0x8d: {  	s2 =	sadd.s32 s2, s16  }
0x8e: {  	[smem:$0x3FB9] =	sst s2  }
0x8f: {  	_ = 	snop  }
0x90: {  	(tm) =	ssettm $0x1  }
0x91: {  	s17 =	sld [smem:$0x3FFB];
	_ =	sdelay $0x3  }
0x92: {  	_ =	strace s17  }
0x93: {  	s2 =	sld [smem:$0x3FFC];
	_ =	sdelay $0x3  }
0x94: {  	_ =	strace s2  }
0x95: {  	s2 =	sld [smem:$0x3FFD];
	_ =	sdelay $0x3  }
0x96: {  	_ =	strace s2  }
0x97: {  	_ =	strace $0x8FFFFFFF  }
0x98: {  	s18 =	sld [smem:$0x3FDB];
	_ =	sdelay $0x1  }
0x99: {  	s19 =	simm.s32 $_scs_section_size  }
0x9a: {  	s4 =	simm.s32 $_size__tile_overlayer_lowered;
	s5 =	simm.s32 $_tile_overlayer_lowered  }
0x9b: {  	s22 =	simm.s32 $0x1BFF;
	s21 =	sshll.u32 s5, $0x1;
	s2 =	sadd.s32 s19, s18  }
0x9c: {  	s6 =	simm.s32 $0x0;
	s20 =	sshll.u32 s4, $0x1;
	s4 =	sadd.s32 s21, s2  }
0x9d: {  	[timem:s6], [sflag:s22] =	dma.local [hbm:s4], s20  }
0x9e: {  	_ =	swait.ge [sflag:s22], s20  }
0x9f: {  	s3 =	ssub.s32 $0x0, s20;
	[sflag:s22] =	ssyncset.done $0x0  }
0xa0: {  	[sflag:s22] =	ssyncadd.s32 s3;
	_ =	sdelay $0x1  }
0xa1: {  	s23 =	simm.s32 $0x1B8B  }
0xa2: {  	_ =	swait.ge [sflag:s23], $0x1  }
0xa3: {  	[sflag:s23] =	ssyncset.done $0x0  }
0xa4: {  	s25 =	simm.s32 $0x1B8E;
	s24 =	sld [smem:$0x3FFE];
	[sflag:s23] =	ssyncadd.s32 $0xFFFFFFFF  }
0xa5: {  	s26 =	simm.s32 $execute0_lowered;
	[smem:$0x3FD2] =	sst s25  }
0xa6: {  	s4 =	sshll.u32 s26, $0x1;
	_ =	strace $0x80000049;
	[dreg:$0x1] =	wrdreg $0xFFFFFFFF  }
0xa7: {  	s28 =	simm.s32 $_size_execute0_lowered;
	s2 =	sadd.s32 s2, s4;
	[dreg:$0x0] =	wrdreg $0x0  }
0xa8: {  	s4 =	sshll.u32 s28, $0x1;
	[dreg:$0x2] =	wrdreg s2  }
0xa9: {  	[dreg:$0x3] =	wrdreg s4  }
0xaa: {  	[dreg:$0x4] =	wrdreg $0xC0  }
0xab: {  	_ =	task [dreg:s6], $0x5FFFF  }
0xac: {  	[dreg:$0x1] =	wrdreg $0xFFFFFFFF  }
0xad: {  	[dreg:$0x0] =	wrdreg $0x60  }
0xae: {  	[dreg:$0x2] =	wrdreg s24  }
0xaf: {  	[dreg:$0x3] =	wrdreg $0xC3000  }
0xb0: {  	[dreg:$0x4] =	wrdreg $0x9  }
0xb1: {  	_ =	task.clear_ibuf [dreg:s6], $0x5FFFF;
	_ =	strace $0x90000049  }
0xb2: {  	s29 =	simm.s32 $0x9;
	_ =	strace $0x8000004B  }
0xb3: {  	_ =	swait.ge [sflag:s29], $0x1  }
0xb4: {  	[sflag:s29] =	ssyncadd.s32 $0xFFFFFFFF  }
0xb5: {  	_ =	strace $0x9000004B  }
0xb6: {  	_ =	sfence  }
0xb7: {  	s30 =	sld [smem:$0x0];
	_ =	sdelay $0x2  }
0xb8: {  	s31 =	sshll.u32 s1, $0xD;
	s1 =	sshrl.u32 s1, $0x2  }
0xb9: {  	s3 =	sand.u32 $0x4000, s31;
	s1 =	sadd.s32 s1, s30  }
0xba: {  	s0 =	sor.u32 s3, s0;
	s1 =	sshll.u32 s1, $0x11  }
0xbb: {  	s0 =	sor.u32 s1, s0  }
0xbc: {  	s0 =	sadd.s32 $0x8F2B, s0  }
0xbd: {  	[sflag:s0] =	ssyncadd.remote.s32 $0x1  }
0xbe: {  	_ =	sfence.sel $0xFFFF  }
0xbf: {  	[dreg:$0x0] =	wrdreg $0xFFFFFFFF;
	(pc) =	sbr.abs _section_cstart, $3  }
0xc0: {  	[dreg:$0x1] =	wrdreg $0xFFFFFFFF  }
0xc1: {  	_ =	task.clear_ibuf [dreg:s6], $0x2FFFF;
	_ =	strace $0x9FFFFFFF  }
0xc2: {  	(tm) =	ssettm $0x7FFFFFFF  }
0xc3: {  	_ =	shalt  }
tec
execute0_lowered:
.L_overlay_start_1:
0x0: {  	(tag) =	ssettag $0x1  }
0x1: {  	s6 =	rddreg [dreg:$0x0]  }
0x2: {  	s1 =	rddreg [dreg:$0x1]  }
0x3: {  	s2 =	srdreg.scid;
	s3 =	simm.s32 $0x0;
	s0 =	stileid.u32  }
0x4: {  	s17 =	simm.s32 $0x100;
	s18 =	simm.s32 $0x4300;
	s19 =	simm.s32 $0x200  }
0x5: {  	s20 =	simm.s32 $0x8300;
	s21 =	simm.s32 $0x1;
	s22 =	simm.s32 $0x4  }
0x6: {  	s28 =	simm.s32 $0x280;
	s29 =	simm.s32 $0x6;
	s30 =	simm.s32 $0x0  }
0x7: {  	s8 =	sand.u32 $0x1, s2;
	[smem:$0x7FF] =	sst s3;
	s9 =	smul.u32 $0x13C00, s0  }
0x8: {  	s4 =	sadd.s32 $0x10C00, s6;
	s12 =	sadd.s32 $0x60400, s6;
	s13 =	smul.u32 $0x4F000, s0  }
0x9: {  	s5 =	sadd.s32 $0xE400, s6;
	s26 =	sshll.u32 s0, $0x6;
	s16 =	smul.u32 $0xA20, s0  }
0xa: {  	s7 =	smul.u32 $0x13C000, s8;
	_ =	strace $0x8000004A;
	s10 =	sshll.u32 s8, $0x4  }
0xb: {  	s23 =	ssub.s32 $0x2, s8;
	s15 =	smul.u32 $0xA200, s8;
	s10 =	sor.u32 s0, s10  }
0xc: {  	s11 =	sshrl.u32 s23, $0x1;
	s25 =	sshrl.u32 s13, $0x2;
	s24 =	smul.u32 $0x5100, s10  }
0xd: {  	s7 =	sadd.s32 s9, s7;
	s11 =	ssub.s32 s23, s11;
	s10 =	smul.u32 $0xA20, s10  }
0xe: {  	s13 =	sadd.s32 s25, s1;
	s23 =	simm.s32 $0x2;
	s25 =	simm.s32 $0x5  }
0xf: {  	s7 =	sshrl.u32 s7, $0x3;
	s11 =	smax.u32 s11, $0x1;
	s13 =	sshrl.u32 s13, $0x3  }
0x10: {  	s14 =	sadd.s32 s7, s6;
	s6 =	sor.u32 $0x1C07, s26;
	s31 =	sshrl.u32 s24, $0x3  }
0x11: {  	s7 =	sadd.s32 s12, s10;
	s24 =	simm.s32 $0x180;
	s26 =	simm.s32 $0x3  }
0x12: {  	s9 =	sadd.s32 s12, s31;
	s10 =	sadd.s32 $0x74800, s14;
	s12 =	sadd.s32 s15, s12  }
0x13: {  	s14 =	simm.s32 $0x7;
	s15 =	simm.s32 $0x80;
	s8 =	sadd.s32 $0x20, s9  }
0x14: {  	s9 =	sadd.s32 $0x40, s9;
	s12 =	sadd.s32 s16, s12;
	s16 =	simm.s32 $0x300  }
.LBB2_1:
0x15: {  	[spmem:s13], [sflag:s6] =	dma.local [hbm:s5], $0x2780  }
0x16: {  	_ =	swait.ge [sflag:s14], $0x2780  }
0x17: {  	[sflag:s14] =	ssyncset.done $0x0  }
0x18: {  	[sflag:s14] =	ssyncadd.s32 $0xFFFFD880  }
0x19: {  	[bflag:$0x0] =	sbarrier.arrive $0xFFFF  }
0x1a: {  	[tilespmem:s3], [sflag:$0x7] =	stream.linear.gather [hbm4b:s7+s3], $0x100, $0x38;
	[tilespmem:$0x1FF00] =	vst v63  }
0x1b: {  	_ =	swait.ge [sflag:s14], $0x100  }
0x1c: {  	[sflag:s14] =	ssyncset.done $0x0  }
0x1d: {  	[sflag:s14] =	ssyncadd.s32 $0xFFFFFF00  }
0x1e: {  	[tilespmem:s16], [sflag:$0x1] =	stream.indirect.gather [hbm4b:s4+s15], $0x80, s3, s15, $0xb8;
	[tilespmem:$0x1FF00] =	vst v63  }
0x1f: {  	_ = 	snop  }
0x20: {  	[tilespmem:s17], [sflag:$0x7] =	stream.linear.gather [hbm4b:s8+s3], $0x100, $0x38;
	[tilespmem:$0x1FF00] =	vst v63  }
0x21: {  	_ =	swait.ge [sflag:s14], $0x100  }
0x22: {  	[sflag:s14] =	ssyncset.done $0x0  }
0x23: {  	[sflag:s14] =	ssyncadd.s32 $0xFFFFFF00  }
0x24: {  	[tilespmem:s18], [sflag:$0x2] =	stream.indirect.gather [hbm4b:s4+s15], $0x80, s17, s15, $0xb8;
	[tilespmem:$0x1FF00] =	vst v63  }
0x25: {  	_ = 	snop  }
0x26: {  	[tilespmem:s19], [sflag:$0x7] =	stream.linear.gather [hbm4b:s9+s3], $0x100, $0x38;
	[tilespmem:$0x1FF00] =	vst v63  }
0x27: {  	_ =	swait.ge [sflag:s14], $0x100  }
0x28: {  	[sflag:s14] =	ssyncset.done $0x0  }
0x29: {  	[sflag:s14] =	ssyncadd.s32 $0xFFFFFF00  }
0x2a: {  	[tilespmem:s20], [sflag:$0x3] =	stream.indirect.gather [hbm4b:s4+s15], $0x80, s19, s15, $0xb8;
	[tilespmem:$0x1FF00] =	vst v63  }
0x2b: {  	_ =	swait.ge [sflag:s21], $0x4000  }
0x2c: {  	[sflag:s21] =	ssyncset.done $0x0  }
0x2d: {  	[sflag:s21] =	ssyncadd.s32 $0xFFFFC000  }
0x2e: {  	[spmem:s1] =	stream.indirect.scatter.add.f32 [tilespmem:s16], [sflag:$0x4], $0x80, s15, s15, $0xb8;
	[tilespmem:$0x1FF00] =	vst v63  }
0x2f: {  	_ =	swait.ge [sflag:s22], $0x4000  }
0x30: {  	s31 =	sadd.s32 $0xFFFFF640, s12;
	[sflag:s22] =	ssyncset.done $0x0  }
0x31: {  	s0 =	sadd.s32 $0xA20, s31;
	[sflag:s22] =	ssyncadd.s32 $0xFFFFC000  }
0x32: {  	[tilespmem:s3], [sflag:$0x7] =	stream.linear.gather [hbm4b:s0+s3], $0x100, $0x38;
	[tilespmem:$0x1FF00] =	vst v63  }
0x33: {  	_ =	swait.ge [sflag:s14], $0x100  }
0x34: {  	[sflag:s14] =	ssyncset.done $0x0  }
0x35: {  	[sflag:s14] =	ssyncadd.s32 $0xFFFFFF00  }
0x36: {  	[tilespmem:s16], [sflag:$0x1] =	stream.indirect.gather [hbm4b:s4+s15], $0x80, s3, s15, $0xb8;
	[tilespmem:$0x1FF00] =	vst v63  }
0x37: {  	_ =	swait.ge [sflag:s23], $0x4000  }
0x38: {  	[sflag:s23] =	ssyncset.done $0x0  }
0x39: {  	[sflag:s23] =	ssyncadd.s32 $0xFFFFC000  }
0x3a: {  	[spmem:s1] =	stream.indirect.scatter.add.f32 [tilespmem:s18], [sflag:$0x5], $0x80, s24, s15, $0xb8;
	[tilespmem:$0x1FF00] =	vst v63  }
0x3b: {  	_ =	swait.ge [sflag:s25], $0x4000  }
0x3c: {  	[sflag:s25] =	ssyncset.done $0x0  }
0x3d: {  	s2 =	sadd.s32 $0xA40, s31;
	[sflag:s25] =	ssyncadd.s32 $0xFFFFC000  }
0x3e: {  	[tilespmem:s17], [sflag:$0x7] =	stream.linear.gather [hbm4b:s2+s3], $0x100, $0x38;
	[tilespmem:$0x1FF00] =	vst v63  }
0x3f: {  	_ =	swait.ge [sflag:s14], $0x100  }
0x40: {  	[sflag:s14] =	ssyncset.done $0x0  }
0x41: {  	[sflag:s14] =	ssyncadd.s32 $0xFFFFFF00  }
0x42: {  	[tilespmem:s18], [sflag:$0x2] =	stream.indirect.gather [hbm4b:s4+s15], $0x80, s17, s15, $0xb8;
	[tilespmem:$0x1FF00] =	vst v63  }
0x43: {  	_ =	swait.ge [sflag:s26], $0x4000  }
0x44: {  	[sflag:s26] =	ssyncset.done $0x0  }
0x45: {  	[sflag:s26] =	ssyncadd.s32 $0xFFFFC000  }
0x46: {  	[spmem:s1] =	stream.indirect.scatter.add.f32 [tilespmem:s20], [sflag:$0x6], $0x80, s28, s15, $0xb8;
	[tilespmem:$0x1FF00] =	vst v63  }
0x47: {  	_ =	swait.ge [sflag:s29], $0x4000  }
0x48: {  	[sflag:s29] =	ssyncset.done $0x0  }
0x49: {  	s2 =	sadd.s32 $0xA60, s31;
	[sflag:s29] =	ssyncadd.s32 $0xFFFFC000  }
0x4a: {  	[tilespmem:s19], [sflag:$0x7] =	stream.linear.gather [hbm4b:s2+s3], $0x100, $0x38;
	[tilespmem:$0x1FF00] =	vst v63  }
0x4b: {  	_ =	swait.ge [sflag:s14], $0x100  }
0x4c: {  	[sflag:s14] =	ssyncset.done $0x0  }
0x4d: {  	s31 =	simm.s32 $0xFFFFF6A0;
	[sflag:s14] =	ssyncadd.s32 $0xFFFFFF00  }
.LBB2_2:
0x4e: {  	[tilespmem:s20], [sflag:$0x3] =	stream.indirect.gather [hbm4b:s4+s15], $0x80, s19, s15, $0xb8;
	[tilespmem:$0x1FF00] =	vst v63  }
0x4f: {  	s0 =	smov.u32 s31  }
0x50: {  	p0 =	sne.s32 s31, $0xFFFFFFA0;
	s31 =	sadd.s32 $0x60, s31;
	_ =	swait.ge [sflag:s21], $0x4000  }
0x51: {  	[sflag:s21] =	ssyncset.done $0x0  }
0x52: {  	[sflag:s21] =	ssyncadd.s32 $0xFFFFC000  }
0x53: {  	[spmem:s1] =	stream.indirect.scatter.add.f32 [tilespmem:s16], [sflag:$0x4], $0x80, s15, s15, $0xb8;
	[tilespmem:$0x1FF00] =	vst v63  }
0x54: {  	_ =	swait.ge [sflag:s22], $0x4000  }
0x55: {  	s0 =	sadd.s32 s0, s12;
	[sflag:s22] =	ssyncset.done $0x0  }
0x56: {  	s2 =	sadd.s32 $0xA20, s0;
	[sflag:s22] =	ssyncadd.s32 $0xFFFFC000  }
0x57: {  	[tilespmem:s3], [sflag:$0x7] =	stream.linear.gather [hbm4b:s2+s3], $0x100, $0x38;
	[tilespmem:$0x1FF00] =	vst v63  }
0x58: {  	_ =	swait.ge [sflag:s14], $0x100  }
0x59: {  	[sflag:s14] =	ssyncset.done $0x0  }
0x5a: {  	[sflag:s14] =	ssyncadd.s32 $0xFFFFFF00  }
0x5b: {  	[tilespmem:s16], [sflag:$0x1] =	stream.indirect.gather [hbm4b:s4+s15], $0x80, s3, s15, $0xb8;
	[tilespmem:$0x1FF00] =	vst v63  }
0x5c: {  	_ =	swait.ge [sflag:s23], $0x4000  }
0x5d: {  	[sflag:s23] =	ssyncset.done $0x0  }
0x5e: {  	[sflag:s23] =	ssyncadd.s32 $0xFFFFC000  }
0x5f: {  	[spmem:s1] =	stream.indirect.scatter.add.f32 [tilespmem:s18], [sflag:$0x5], $0x80, s24, s15, $0xb8;
	[tilespmem:$0x1FF00] =	vst v63  }
0x60: {  	_ =	swait.ge [sflag:s25], $0x4000  }
0x61: {  	[sflag:s25] =	ssyncset.done $0x0  }
0x62: {  	s2 =	sadd.s32 $0xA40, s0;
	[sflag:s25] =	ssyncadd.s32 $0xFFFFC000  }
0x63: {  	[tilespmem:s17], [sflag:$0x7] =	stream.linear.gather [hbm4b:s2+s3], $0x100, $0x38;
	[tilespmem:$0x1FF00] =	vst v63  }
0x64: {  	_ =	swait.ge [sflag:s14], $0x100  }
0x65: {  	[sflag:s14] =	ssyncset.done $0x0  }
0x66: {  	[sflag:s14] =	ssyncadd.s32 $0xFFFFFF00  }
0x67: {  	[tilespmem:s18], [sflag:$0x2] =	stream.indirect.gather [hbm4b:s4+s15], $0x80, s17, s15, $0xb8;
	[tilespmem:$0x1FF00] =	vst v63  }
0x68: {  	_ =	swait.ge [sflag:s26], $0x4000  }
0x69: {  	[sflag:s26] =	ssyncset.done $0x0  }
0x6a: {  	[sflag:s26] =	ssyncadd.s32 $0xFFFFC000  }
0x6b: {  	[spmem:s1] =	stream.indirect.scatter.add.f32 [tilespmem:s20], [sflag:$0x6], $0x80, s28, s15, $0xb8;
	[tilespmem:$0x1FF00] =	vst v63  }
0x6c: {  	_ =	swait.ge [sflag:s29], $0x4000  }
0x6d: {  	[sflag:s29] =	ssyncset.done $0x0  }
.Ltmp0:
0x6e: {  	s0 =	sadd.s32 $0xA60, s0;
	[sflag:s29] =	ssyncadd.s32 $0xFFFFC000;
	(pc) =	sbr.rel @p0 .LBB2_2-.Ltmp0, $4  }
0x6f: {  	[tilespmem:s19], [sflag:$0x7] =	stream.linear.gather [hbm4b:s0+s3], $0x100, $0x38;
	[tilespmem:$0x1FF00] =	vst v63  }
0x70: {  	_ =	swait.ge [sflag:s14], $0x100  }
0x71: {  	[sflag:s14] =	ssyncset.done $0x0  }
0x72: {  	[sflag:s14] =	ssyncadd.s32 $0xFFFFFF00  }
0x73: {  	[tilespmem:s20], [sflag:$0x3] =	stream.indirect.gather [hbm4b:s4+s15], $0x80, s19, s15, $0xb8;
	[tilespmem:$0x1FF00] =	vst v63  }
0x74: {  	_ =	swait.ge [sflag:s21], $0x4000  }
0x75: {  	[sflag:s21] =	ssyncset.done $0x0  }
0x76: {  	[sflag:s21] =	ssyncadd.s32 $0xFFFFC000  }
0x77: {  	[spmem:s1] =	stream.indirect.scatter.add.f32 [tilespmem:s16], [sflag:$0x4], $0x80, s15, s15, $0xb8;
	[tilespmem:$0x1FF00] =	vst v63  }
0x78: {  	_ =	swait.ge [sflag:s23], $0x4000  }
0x79: {  	[sflag:s23] =	ssyncset.done $0x0  }
0x7a: {  	[sflag:s23] =	ssyncadd.s32 $0xFFFFC000  }
0x7b: {  	[spmem:s1] =	stream.indirect.scatter.add.f32 [tilespmem:s18], [sflag:$0x5], $0x80, s24, s15, $0xb8;
	[tilespmem:$0x1FF00] =	vst v63  }
0x7c: {  	_ =	swait.ge [sflag:s26], $0x4000  }
0x7d: {  	[sflag:s26] =	ssyncset.done $0x0  }
0x7e: {  	[sflag:s26] =	ssyncadd.s32 $0xFFFFC000  }
0x7f: {  	[spmem:s1] =	stream.indirect.scatter.add.f32 [tilespmem:s20], [sflag:$0x6], $0x80, s28, s15, $0xb8;
	[tilespmem:$0x1FF00] =	vst v63  }
0x80: {  	_ =	swait.ge [sflag:s22], $0x4000  }
0x81: {  	[sflag:s22] =	ssyncset.done $0x0  }
0x82: {  	[sflag:s22] =	ssyncadd.s32 $0xFFFFC000  }
0x83: {  	_ =	swait.ge [sflag:s25], $0x4000  }
0x84: {  	[sflag:s25] =	ssyncset.done $0x0  }
0x85: {  	[sflag:s25] =	ssyncadd.s32 $0xFFFFC000  }
0x86: {  	_ =	swait.ge [sflag:s29], $0x4000  }
0x87: {  	s30 =	sadd.s32 $0x1, s30;
	[sflag:s29] =	ssyncset.done $0x0  }
0x88: {  	p0 =	sne.s32 s30, s11;
	[sflag:s29] =	ssyncadd.s32 $0xFFFFC000  }
.Ltmp1:
0x89: {  	[bflag:$0x0] =	sbarrier.arrive $0xFFFF;
	(pc) =	sbr.rel @p0 .LBB2_1-.Ltmp1, $4  }
0x8a: {  	[hbm:s10], [sflag:s6] =	dma.local [spmem:s13], $0x2780  }
0x8b: {  	_ =	swait.ge [sflag:s14], $0x2780  }
0x8c: {  	[sflag:s14] =	ssyncset.done $0x0  }
0x8d: {  	[sflag:s14] =	ssyncadd.s32 $0xFFFFD880  }
0x8e: {  	_ =	sfence.sel $0x180000  }
0x8f: {  	[bflag:$0x0] =	sbarrier.arrive $0xFFFF  }
0x90: {  	_ =	strace $0x9000004A  }
0x91: {  	s0 =	stileid.u32;
	[bflag:$0x2] =	sbarrier.arrive $0xFFFF  }
0x92: {  	p0 =	sne.s32 s0, $0x0;
	s0 =	rddreg [dreg:$0x2]  }
0x93: {  	s0 =	sadd.s32 @!p0 $0x100000, s0  }
0x94: {  	[sflag:s0] =	ssyncadd.tile.s32 @!p0 $0x1;
	_ =	shalt  }
.Lfunc_end2:
_tile_overlayer_lowered:
.L_overlay_start_2:
0x95: {  	(tag) =	ssettag $0x2  }
0x96: {  	s0 =	rddreg [dreg:$0x0];
	s2 =	stileid.u32  }
0x97: {  	s1 =	rddreg [dreg:$0x1];
	p0 =	sne.s32 s2, $0x0  }
0x98: {  	s3 =	rddreg [dreg:$0x2];
	[bflag:$0x3] =	sbarrier.arrive $0xFFFF;
	s2 =	simm.s32 @!p0 $0x1C07  }
0x99: {  	[timem:s3], [sflag:s2] =	dma.local @!p0 [hbm:s0], s1  }
0x9a: {  	s0 =	simm.s32 @!p0 $0x7  }
0x9b: {  	_ =	swait.ge @!p0 [sflag:s0], s1  }
0x9c: {  	s1 =	ssub.s32 @!p0 $0x0, s1;
	[sflag:s0] =	ssyncset.done @!p0 $0x0  }
0x9d: {  	[sflag:s0] =	ssyncadd.s32 @!p0 s1  }
0x9e: {  	[bflag:$0x3] =	sbarrier.arrive $0xFFFF  }
0x9f: {  	_ =	shalt  }

// kernel: kernel.14.cloned.1.call-start
scs
__scs_entry_jumppad:
0x0: {  	(pc) =	sbr.rel $0x88, $3  }
0x1: {  	(tag) =	ssettag $0x0;
	lr =	simm.s32 $0x1  }
0x2: {  	[smem:$0x3F92] =	sst lr;
	_ =	strace $0xD0000000  }
0x3: {  	_ = 	snop  }
0x4: {  	_ = 	snop  }
0x5: {  	_ = 	snop  }
0x6: {  	_ = 	snop  }
0x7: {  	_ = 	snop  }
__scs_overlays_trampoline_lowered:
0x8: {  	[smem:$0x3FA1] =	sst s0  }
0x9: {  	[smem:$0x3FA2] =	sst s1  }
0xa: {  	[smem:$0x3FA3] =	sst s2  }
0xb: {  	[smem:$0x3FA4] =	sst s3  }
0xc: {  	[smem:$0x3FA5] =	sst s4  }
0xd: {  	[smem:$0x3FA6] =	sst s5  }
0xe: {  	[smem:$0x3FA7] =	sst s6  }
0xf: {  	[smem:$0x3FA8] =	sst s7  }
0x10: {  	[smem:$0x3FA9] =	sst s8  }
0x11: {  	[smem:$0x3FAA] =	sst s9;
	s0 =	simm.s32 @!p0 $0x0  }
0x12: {  	s1 =	sld [smem:$0x3F90];
	s0 =	simm.s32 @p0 $0x1  }
0x13: {  	[smem:$0x3FAB] =	sst s0;
	s0 =	simm.s32 @!p1 $0x0  }
0x14: {  	s2 =	sld [smem:$0x3F8F];
	s0 =	simm.s32 @p1 $0x1  }
0x15: {  	[smem:$0x3FAC] =	sst s0;
	s0 =	simm.s32 @!p2 $0x0  }
0x16: {  	s3 =	sld [smem:$0x3FDB];
	s0 =	simm.s32 @p2 $0x1  }
0x17: {  	s4 =	simm.s32 $0x1BF5;
	[smem:$0x3FAE] =	sst s0  }
0x18: {  	s0 =	sld [smem:$0x3F91];
	_ =	swait.ge [sflag:s4], $0x0  }
0x19: {  	s7 =	sld [smem:$0x3F92]  }
0x1a: {  	s8 =	sadd.s32 $0xFFFFE003, lr  }
0x1b: {  	s9 =	sadd.s32 $0xFFFFFEF7, lr;
	s5 =	simm.s32 $0xFFFFFFFF;
	p2 =	slt.u32 s8, $0xFFFFF086  }
0x1c: {  	p1 =	slt.u32 s9, $0xF7A;
	s5 =	simm.s32 @!p2 $0x0  }
0x1d: {  	s5 =	simm.s32 @p1 $0x1;
	p0 =	seq.s32 s7, s2  }
0x1e: {  	s7 =	smul.u32 @!p0 $0xF7A, s2;
	p2 =	seq.s32 @!p0 s5, $0x0  }
0x1f: {  	s9 =	smul.u32 $0xF7A, s1;
	s8 =	simm.s32 @!p0 $0x1BF5;
	p2 =	por !p2, p0  }
0x20: {  	[sflag:s8] =	ssyncset.s32 @!p0 $0xFFFFF086;
	s6 =	sadd.s32 @!p0 s3, s7;
	s7 =	simm.s32 @!p0 $0x108  }
0x21: {  	s3 =	sadd.s32 s3, s9;
	s6 =	sadd.s32 @!p0 $0x88, s6;
	s7 =	simm.s32 @p2 $0x1082  }
0x22: {  	[simem:s7], [sflag:s8] =	dma.local @!p0 [hbm:s6], $0xF7A  }
0x23: {  	s9 =	sor.u32 $0xD0000000, s2;
	s6 =	simm.s32 $0x108;
	_ =	swait.ge @!p0 [sflag:s8], $0x0  }
0x24: {  	s3 =	sadd.s32 $0x88, s3;
	s6 =	simm.s32 @!p1 $0x1082;
	[sflag:s4] =	ssyncset.s32 $0xFFFFF086  }
0x25: {  	[simem:s6], [sflag:s4] =	dma.local [hbm:s3], $0xF7A  }
0x26: {  	[smem:$0x3F92] =	sst s1;
	(tag) =	ssettag s2;
	_ =	strace s9  }
0x27: {  	s1 =	sld [smem:$0x3FA2]  }
0x28: {  	s2 =	sld [smem:$0x3FA3]  }
0x29: {  	s4 =	sld [smem:$0x3FA5]  }
0x2a: {  	p0 =	seq.s32 s5, $0x0;
	s5 =	sld [smem:$0x3FA6]  }
0x2b: {  	s6 =	sld [smem:$0x3FA7]  }
0x2c: {  	s7 =	sld [smem:$0x3FA8]  }
0x2d: {  	s3 =	simm.s32 $0x108;
	s8 =	sld [smem:$0x3FA9]  }
0x2e: {  	s3 =	simm.s32 @!p0 $0x1082;
	s9 =	sld [smem:$0x3FAA]  }
0x2f: {  	lr =	sadd.s32 s0, s3;
	s0 =	sld [smem:$0x3FA1]  }
0x30: {  	s3 =	sld [smem:$0x3FA4]  }
0x31: {  	[smem:$0x3FAD] =	sst s10  }
0x32: {  	s10 =	sld [smem:$0x3FAB];
	_ =	sdelay $0x3  }
0x33: {  	p0 =	seq.s32 s10, $0x1;
	s10 =	sld [smem:$0x3FAD];
	_ =	sdelay $0x3  }
0x34: {  	[smem:$0x3FAD] =	sst s10  }
0x35: {  	s10 =	sld [smem:$0x3FAC];
	_ =	sdelay $0x3  }
0x36: {  	p1 =	seq.s32 s10, $0x1;
	s10 =	sld [smem:$0x3FAD];
	_ =	sdelay $0x3  }
0x37: {  	[smem:$0x3FAD] =	sst s10  }
0x38: {  	s10 =	sld [smem:$0x3FAE]  }
0x39: {  	_ = 	snop;
	(pc) =	sbr.ind lr, $3  }
0x3a: {  	_ = 	snop  }
0x3b: {  	_ = 	snop  }
0x3c: {  	p2 =	seq.s32 s10, $0x1;
	s10 =	sld [smem:$0x3FAD]  }
0x3d: {  	_ =	shalt  }
0x3e: {  	_ =	shalt  }
0x3f: {  	_ =	shalt  }
0x40: {  	_ =	shalt  }
0x41: {  	_ =	shalt  }
0x42: {  	_ =	shalt  }
0x43: {  	_ =	shalt  }
0x44: {  	_ =	shalt  }
0x45: {  	_ =	shalt  }
0x46: {  	_ =	shalt  }
0x47: {  	_ =	shalt  }
0x48: {  	_ =	shalt  }
0x49: {  	_ =	shalt  }
0x4a: {  	_ =	shalt  }
0x4b: {  	_ =	shalt  }
0x4c: {  	_ =	shalt  }
0x4d: {  	_ =	shalt  }
0x4e: {  	_ =	shalt  }
0x4f: {  	_ =	shalt  }
0x50: {  	_ =	shalt  }
0x51: {  	_ =	shalt  }
0x52: {  	_ =	shalt  }
0x53: {  	_ =	shalt  }
0x54: {  	_ =	shalt  }
0x55: {  	_ =	shalt  }
0x56: {  	_ =	shalt  }
0x57: {  	_ =	shalt  }
0x58: {  	_ =	shalt  }
0x59: {  	_ =	shalt  }
0x5a: {  	_ =	shalt  }
0x5b: {  	_ =	shalt  }
0x5c: {  	_ =	shalt  }
0x5d: {  	_ =	shalt  }
0x5e: {  	_ =	shalt  }
0x5f: {  	_ =	shalt  }
0x60: {  	_ =	shalt  }
0x61: {  	_ =	shalt  }
0x62: {  	_ =	shalt  }
0x63: {  	_ =	shalt  }
0x64: {  	_ =	shalt  }
0x65: {  	_ =	shalt  }
0x66: {  	_ =	shalt  }
0x67: {  	_ =	shalt  }
0x68: {  	_ =	shalt  }
0x69: {  	_ =	shalt  }
0x6a: {  	_ =	shalt  }
0x6b: {  	_ =	shalt  }
0x6c: {  	_ =	shalt  }
0x6d: {  	_ =	shalt  }
0x6e: {  	_ =	shalt  }
0x6f: {  	_ =	shalt  }
0x70: {  	_ =	shalt  }
0x71: {  	_ =	shalt  }
0x72: {  	_ =	shalt  }
0x73: {  	_ =	shalt  }
0x74: {  	_ =	shalt  }
0x75: {  	_ =	shalt  }
0x76: {  	_ =	shalt  }
0x77: {  	_ =	shalt  }
0x78: {  	_ =	shalt  }
0x79: {  	_ =	shalt  }
0x7a: {  	_ =	shalt  }
0x7b: {  	_ =	shalt  }
0x7c: {  	_ =	shalt  }
0x7d: {  	_ =	shalt  }
0x7e: {  	_ =	shalt  }
0x7f: {  	_ =	shalt  }
0x80: {  	_ =	shalt  }
0x81: {  	_ =	shalt  }
0x82: {  	_ =	shalt  }
0x83: {  	_ =	shalt  }
0x84: {  	_ =	shalt  }
0x85: {  	_ =	shalt  }
0x86: {  	_ =	shalt  }
0x87: {  	_ =	shalt  }
.Lfunc_end0:
.L_simem_size_0:
called_computation.2_lowered:
.L_overlay_start_0:
0x88: {  	s2 =	sld [smem:$0x3FD9]  }
0x89: {  	s3 =	sld [smem:$0x3FFE];
	_ =	sdelay $0x1  }
0x8a: {  	s1 =	srdreg.scid  }
0x8b: {  	s0 =	sand.u32 $0x1, s1  }
0x8c: {  	s16 =	sshll.u32 s0, $0xA;
	s2 =	sadd.s32 s3, s2  }
0x8d: {  	s2 =	sadd.s32 s2, s16  }
0x8e: {  	[smem:$0x3FB9] =	sst s2  }
0x8f: {  	_ = 	snop  }
0x90: {  	(tm) =	ssettm $0x1  }
0x91: {  	s17 =	sld [smem:$0x3FFB];
	_ =	sdelay $0x3  }
0x92: {  	_ =	strace s17  }
0x93: {  	s2 =	sld [smem:$0x3FFC];
	_ =	sdelay $0x3  }
0x94: {  	_ =	strace s2  }
0x95: {  	s2 =	sld [smem:$0x3FFD];
	_ =	sdelay $0x3  }
0x96: {  	_ =	strace s2  }
0x97: {  	_ =	strace $0x8FFFFFFF  }
0x98: {  	s18 =	sld [smem:$0x3FDB];
	_ =	sdelay $0x1  }
0x99: {  	s19 =	simm.s32 $_scs_section_size  }
0x9a: {  	s4 =	simm.s32 $_size__tile_overlayer_lowered;
	s5 =	simm.s32 $_tile_overlayer_lowered  }
0x9b: {  	s22 =	simm.s32 $0x1BFF;
	s21 =	sshll.u32 s5, $0x1;
	s2 =	sadd.s32 s19, s18  }
0x9c: {  	s6 =	simm.s32 $0x0;
	s20 =	sshll.u32 s4, $0x1;
	s4 =	sadd.s32 s21, s2  }
0x9d: {  	[timem:s6], [sflag:s22] =	dma.local [hbm:s4], s20  }
0x9e: {  	_ =	swait.ge [sflag:s22], s20  }
0x9f: {  	s3 =	ssub.s32 $0x0, s20;
	[sflag:s22] =	ssyncset.done $0x0  }
0xa0: {  	[sflag:s22] =	ssyncadd.s32 s3;
	_ =	sdelay $0x1  }
0xa1: {  	s23 =	simm.s32 $0x1B8B  }
0xa2: {  	_ =	swait.ge [sflag:s23], $0x1  }
0xa3: {  	[sflag:s23] =	ssyncset.done $0x0  }
0xa4: {  	s25 =	simm.s32 $0x1B8E;
	s24 =	sld [smem:$0x3FFE];
	[sflag:s23] =	ssyncadd.s32 $0xFFFFFFFF  }
0xa5: {  	s26 =	simm.s32 $execute0_lowered;
	[smem:$0x3FD2] =	sst s25  }
0xa6: {  	s4 =	sshll.u32 s26, $0x1;
	_ =	strace $0x8000004C;
	[dreg:$0x1] =	wrdreg $0xFFFFFFFF  }
0xa7: {  	s28 =	simm.s32 $_size_execute0_lowered;
	s2 =	sadd.s32 s2, s4;
	[dreg:$0x0] =	wrdreg $0x0  }
0xa8: {  	s4 =	sshll.u32 s28, $0x1;
	[dreg:$0x2] =	wrdreg s2  }
0xa9: {  	[dreg:$0x3] =	wrdreg s4  }
0xaa: {  	[dreg:$0x4] =	wrdreg $0xC0  }
0xab: {  	_ =	task [dreg:s6], $0x5FFFF  }
0xac: {  	[dreg:$0x1] =	wrdreg $0xFFFFFFFF  }
0xad: {  	[dreg:$0x0] =	wrdreg $0x60  }
0xae: {  	[dreg:$0x2] =	wrdreg s24  }
0xaf: {  	[dreg:$0x3] =	wrdreg $0xC3000  }
0xb0: {  	[dreg:$0x4] =	wrdreg $0x9  }
0xb1: {  	_ =	task.clear_ibuf [dreg:s6], $0x5FFFF;
	_ =	strace $0x9000004C  }
0xb2: {  	s29 =	simm.s32 $0x9;
	_ =	strace $0x8000004E  }
0xb3: {  	_ =	swait.ge [sflag:s29], $0x1  }
0xb4: {  	[sflag:s29] =	ssyncadd.s32 $0xFFFFFFFF  }
0xb5: {  	_ =	strace $0x9000004E  }
0xb6: {  	_ =	sfence  }
0xb7: {  	s30 =	sld [smem:$0x0];
	_ =	sdelay $0x2  }
0xb8: {  	s31 =	sshll.u32 s1, $0xD;
	s1 =	sshrl.u32 s1, $0x2  }
0xb9: {  	s3 =	sand.u32 $0x4000, s31;
	s1 =	sadd.s32 s1, s30  }
0xba: {  	s0 =	sor.u32 s3, s0;
	s1 =	sshll.u32 s1, $0x11  }
0xbb: {  	s0 =	sor.u32 s1, s0  }
0xbc: {  	s0 =	sadd.s32 $0x8F2B, s0  }
0xbd: {  	[sflag:s0] =	ssyncadd.remote.s32 $0x1  }
0xbe: {  	_ =	sfence.sel $0xFFFF  }
0xbf: {  	[dreg:$0x0] =	wrdreg $0xFFFFFFFF;
	(pc) =	sbr.abs _section_cstart, $3  }
0xc0: {  	[dreg:$0x1] =	wrdreg $0xFFFFFFFF  }
0xc1: {  	_ =	task.clear_ibuf [dreg:s6], $0x2FFFF;
	_ =	strace $0x9FFFFFFF  }
0xc2: {  	(tm) =	ssettm $0x7FFFFFFF  }
0xc3: {  	_ =	shalt  }
tec
execute0_lowered:
.L_overlay_start_1:
0x0: {  	(tag) =	ssettag $0x1  }
0x1: {  	s6 =	rddreg [dreg:$0x0]  }
0x2: {  	s1 =	rddreg [dreg:$0x1]  }
0x3: {  	s2 =	srdreg.scid;
	s3 =	simm.s32 $0x0;
	s0 =	stileid.u32  }
0x4: {  	s17 =	simm.s32 $0x100;
	s18 =	simm.s32 $0x4300;
	s19 =	simm.s32 $0x200  }
0x5: {  	s20 =	simm.s32 $0x8300;
	s21 =	simm.s32 $0x1;
	s22 =	simm.s32 $0x4  }
0x6: {  	s28 =	simm.s32 $0x280;
	s29 =	simm.s32 $0x6;
	s30 =	simm.s32 $0x0  }
0x7: {  	s8 =	sand.u32 $0x1, s2;
	[smem:$0x7FF] =	sst s3;
	s9 =	smul.u32 $0x13C00, s0  }
0x8: {  	s4 =	sadd.s32 $0x10C00, s6;
	s12 =	sadd.s32 $0x60400, s6;
	s13 =	smul.u32 $0x4F000, s0  }
0x9: {  	s5 =	sadd.s32 $0xE400, s6;
	s26 =	sshll.u32 s0, $0x6;
	s16 =	smul.u32 $0xA20, s0  }
0xa: {  	s7 =	smul.u32 $0x13C000, s8;
	_ =	strace $0x8000004D;
	s10 =	sshll.u32 s8, $0x4  }
0xb: {  	s23 =	ssub.s32 $0x2, s8;
	s15 =	smul.u32 $0xA200, s8;
	s10 =	sor.u32 s0, s10  }
0xc: {  	s11 =	sshrl.u32 s23, $0x1;
	s25 =	sshrl.u32 s13, $0x2;
	s24 =	smul.u32 $0x5100, s10  }
0xd: {  	s7 =	sadd.s32 s9, s7;
	s11 =	ssub.s32 s23, s11;
	s10 =	smul.u32 $0xA20, s10  }
0xe: {  	s13 =	sadd.s32 s25, s1;
	s23 =	simm.s32 $0x2;
	s25 =	simm.s32 $0x5  }
0xf: {  	s7 =	sshrl.u32 s7, $0x3;
	s11 =	smax.u32 s11, $0x1;
	s13 =	sshrl.u32 s13, $0x3  }
0x10: {  	s14 =	sadd.s32 s7, s6;
	s6 =	sor.u32 $0x1C07, s26;
	s31 =	sshrl.u32 s24, $0x3  }
0x11: {  	s7 =	sadd.s32 s12, s10;
	s24 =	simm.s32 $0x180;
	s26 =	simm.s32 $0x3  }
0x12: {  	s9 =	sadd.s32 s12, s31;
	s10 =	sadd.s32 $0x74800, s14;
	s12 =	sadd.s32 s15, s12  }
0x13: {  	s14 =	simm.s32 $0x7;
	s15 =	simm.s32 $0x80;
	s8 =	sadd.s32 $0x20, s9  }
0x14: {  	s9 =	sadd.s32 $0x40, s9;
	s12 =	sadd.s32 s16, s12;
	s16 =	simm.s32 $0x300  }
.LBB2_1:
0x15: {  	[spmem:s13], [sflag:s6] =	dma.local [hbm:s5], $0x2780  }
0x16: {  	_ =	swait.ge [sflag:s14], $0x2780  }
0x17: {  	[sflag:s14] =	ssyncset.done $0x0  }
0x18: {  	[sflag:s14] =	ssyncadd.s32 $0xFFFFD880  }
0x19: {  	[bflag:$0x0] =	sbarrier.arrive $0xFFFF  }
0x1a: {  	[tilespmem:s3], [sflag:$0x7] =	stream.linear.gather [hbm4b:s7+s3], $0x100, $0x38;
	[tilespmem:$0x1FF00] =	vst v63  }
0x1b: {  	_ =	swait.ge [sflag:s14], $0x100  }
0x1c: {  	[sflag:s14] =	ssyncset.done $0x0  }
0x1d: {  	[sflag:s14] =	ssyncadd.s32 $0xFFFFFF00  }
0x1e: {  	[tilespmem:s16], [sflag:$0x1] =	stream.indirect.gather [hbm4b:s4+s15], $0x80, s3, s15, $0xb8;
	[tilespmem:$0x1FF00] =	vst v63  }
0x1f: {  	_ = 	snop  }
0x20: {  	[tilespmem:s17], [sflag:$0x7] =	stream.linear.gather [hbm4b:s8+s3], $0x100, $0x38;
	[tilespmem:$0x1FF00] =	vst v63  }
0x21: {  	_ =	swait.ge [sflag:s14], $0x100  }
0x22: {  	[sflag:s14] =	ssyncset.done $0x0  }
0x23: {  	[sflag:s14] =	ssyncadd.s32 $0xFFFFFF00  }
0x24: {  	[tilespmem:s18], [sflag:$0x2] =	stream.indirect.gather [hbm4b:s4+s15], $0x80, s17, s15, $0xb8;
	[tilespmem:$0x1FF00] =	vst v63  }
0x25: {  	_ = 	snop  }
0x26: {  	[tilespmem:s19], [sflag:$0x7] =	stream.linear.gather [hbm4b:s9+s3], $0x100, $0x38;
	[tilespmem:$0x1FF00] =	vst v63  }
0x27: {  	_ =	swait.ge [sflag:s14], $0x100  }
0x28: {  	[sflag:s14] =	ssyncset.done $0x0  }
0x29: {  	[sflag:s14] =	ssyncadd.s32 $0xFFFFFF00  }
0x2a: {  	[tilespmem:s20], [sflag:$0x3] =	stream.indirect.gather [hbm4b:s4+s15], $0x80, s19, s15, $0xb8;
	[tilespmem:$0x1FF00] =	vst v63  }
0x2b: {  	_ =	swait.ge [sflag:s21], $0x4000  }
0x2c: {  	[sflag:s21] =	ssyncset.done $0x0  }
0x2d: {  	[sflag:s21] =	ssyncadd.s32 $0xFFFFC000  }
0x2e: {  	[spmem:s1] =	stream.indirect.scatter.add.f32 [tilespmem:s16], [sflag:$0x4], $0x80, s15, s15, $0xb8;
	[tilespmem:$0x1FF00] =	vst v63  }
0x2f: {  	_ =	swait.ge [sflag:s22], $0x4000  }
0x30: {  	s31 =	sadd.s32 $0xFFFFF640, s12;
	[sflag:s22] =	ssyncset.done $0x0  }
0x31: {  	s0 =	sadd.s32 $0xA20, s31;
	[sflag:s22] =	ssyncadd.s32 $0xFFFFC000  }
0x32: {  	[tilespmem:s3], [sflag:$0x7] =	stream.linear.gather [hbm4b:s0+s3], $0x100, $0x38;
	[tilespmem:$0x1FF00] =	vst v63  }
0x33: {  	_ =	swait.ge [sflag:s14], $0x100  }
0x34: {  	[sflag:s14] =	ssyncset.done $0x0  }
0x35: {  	[sflag:s14] =	ssyncadd.s32 $0xFFFFFF00  }
0x36: {  	[tilespmem:s16], [sflag:$0x1] =	stream.indirect.gather [hbm4b:s4+s15], $0x80, s3, s15, $0xb8;
	[tilespmem:$0x1FF00] =	vst v63  }
0x37: {  	_ =	swait.ge [sflag:s23], $0x4000  }
0x38: {  	[sflag:s23] =	ssyncset.done $0x0  }
0x39: {  	[sflag:s23] =	ssyncadd.s32 $0xFFFFC000  }
0x3a: {  	[spmem:s1] =	stream.indirect.scatter.add.f32 [tilespmem:s18], [sflag:$0x5], $0x80, s24, s15, $0xb8;
	[tilespmem:$0x1FF00] =	vst v63  }
0x3b: {  	_ =	swait.ge [sflag:s25], $0x4000  }
0x3c: {  	[sflag:s25] =	ssyncset.done $0x0  }
0x3d: {  	s2 =	sadd.s32 $0xA40, s31;
	[sflag:s25] =	ssyncadd.s32 $0xFFFFC000  }
0x3e: {  	[tilespmem:s17], [sflag:$0x7] =	stream.linear.gather [hbm4b:s2+s3], $0x100, $0x38;
	[tilespmem:$0x1FF00] =	vst v63  }
0x3f: {  	_ =	swait.ge [sflag:s14], $0x100  }
0x40: {  	[sflag:s14] =	ssyncset.done $0x0  }
0x41: {  	[sflag:s14] =	ssyncadd.s32 $0xFFFFFF00  }
0x42: {  	[tilespmem:s18], [sflag:$0x2] =	stream.indirect.gather [hbm4b:s4+s15], $0x80, s17, s15, $0xb8;
	[tilespmem:$0x1FF00] =	vst v63  }
0x43: {  	_ =	swait.ge [sflag:s26], $0x4000  }
0x44: {  	[sflag:s26] =	ssyncset.done $0x0  }
0x45: {  	[sflag:s26] =	ssyncadd.s32 $0xFFFFC000  }
0x46: {  	[spmem:s1] =	stream.indirect.scatter.add.f32 [tilespmem:s20], [sflag:$0x6], $0x80, s28, s15, $0xb8;
	[tilespmem:$0x1FF00] =	vst v63  }
0x47: {  	_ =	swait.ge [sflag:s29], $0x4000  }
0x48: {  	[sflag:s29] =	ssyncset.done $0x0  }
0x49: {  	s2 =	sadd.s32 $0xA60, s31;
	[sflag:s29] =	ssyncadd.s32 $0xFFFFC000  }
0x4a: {  	[tilespmem:s19], [sflag:$0x7] =	stream.linear.gather [hbm4b:s2+s3], $0x100, $0x38;
	[tilespmem:$0x1FF00] =	vst v63  }
0x4b: {  	_ =	swait.ge [sflag:s14], $0x100  }
0x4c: {  	[sflag:s14] =	ssyncset.done $0x0  }
0x4d: {  	s31 =	simm.s32 $0xFFFFF6A0;
	[sflag:s14] =	ssyncadd.s32 $0xFFFFFF00  }
.LBB2_2:
0x4e: {  	[tilespmem:s20], [sflag:$0x3] =	stream.indirect.gather [hbm4b:s4+s15], $0x80, s19, s15, $0xb8;
	[tilespmem:$0x1FF00] =	vst v63  }
0x4f: {  	s0 =	smov.u32 s31  }
0x50: {  	p0 =	sne.s32 s31, $0xFFFFFFA0;
	s31 =	sadd.s32 $0x60, s31;
	_ =	swait.ge [sflag:s21], $0x4000  }
0x51: {  	[sflag:s21] =	ssyncset.done $0x0  }
0x52: {  	[sflag:s21] =	ssyncadd.s32 $0xFFFFC000  }
0x53: {  	[spmem:s1] =	stream.indirect.scatter.add.f32 [tilespmem:s16], [sflag:$0x4], $0x80, s15, s15, $0xb8;
	[tilespmem:$0x1FF00] =	vst v63  }
0x54: {  	_ =	swait.ge [sflag:s22], $0x4000  }
0x55: {  	s0 =	sadd.s32 s0, s12;
	[sflag:s22] =	ssyncset.done $0x0  }
0x56: {  	s2 =	sadd.s32 $0xA20, s0;
	[sflag:s22] =	ssyncadd.s32 $0xFFFFC000  }
0x57: {  	[tilespmem:s3], [sflag:$0x7] =	stream.linear.gather [hbm4b:s2+s3], $0x100, $0x38;
	[tilespmem:$0x1FF00] =	vst v63  }
0x58: {  	_ =	swait.ge [sflag:s14], $0x100  }
0x59: {  	[sflag:s14] =	ssyncset.done $0x0  }
0x5a: {  	[sflag:s14] =	ssyncadd.s32 $0xFFFFFF00  }
0x5b: {  	[tilespmem:s16], [sflag:$0x1] =	stream.indirect.gather [hbm4b:s4+s15], $0x80, s3, s15, $0xb8;
	[tilespmem:$0x1FF00] =	vst v63  }
0x5c: {  	_ =	swait.ge [sflag:s23], $0x4000  }
0x5d: {  	[sflag:s23] =	ssyncset.done $0x0  }
0x5e: {  	[sflag:s23] =	ssyncadd.s32 $0xFFFFC000  }
0x5f: {  	[spmem:s1] =	stream.indirect.scatter.add.f32 [tilespmem:s18], [sflag:$0x5], $0x80, s24, s15, $0xb8;
	[tilespmem:$0x1FF00] =	vst v63  }
0x60: {  	_ =	swait.ge [sflag:s25], $0x4000  }
0x61: {  	[sflag:s25] =	ssyncset.done $0x0  }
0x62: {  	s2 =	sadd.s32 $0xA40, s0;
	[sflag:s25] =	ssyncadd.s32 $0xFFFFC000  }
0x63: {  	[tilespmem:s17], [sflag:$0x7] =	stream.linear.gather [hbm4b:s2+s3], $0x100, $0x38;
	[tilespmem:$0x1FF00] =	vst v63  }
0x64: {  	_ =	swait.ge [sflag:s14], $0x100  }
0x65: {  	[sflag:s14] =	ssyncset.done $0x0  }
0x66: {  	[sflag:s14] =	ssyncadd.s32 $0xFFFFFF00  }
0x67: {  	[tilespmem:s18], [sflag:$0x2] =	stream.indirect.gather [hbm4b:s4+s15], $0x80, s17, s15, $0xb8;
	[tilespmem:$0x1FF00] =	vst v63  }
0x68: {  	_ =	swait.ge [sflag:s26], $0x4000  }
0x69: {  	[sflag:s26] =	ssyncset.done $0x0  }
0x6a: {  	[sflag:s26] =	ssyncadd.s32 $0xFFFFC000  }
0x6b: {  	[spmem:s1] =	stream.indirect.scatter.add.f32 [tilespmem:s20], [sflag:$0x6], $0x80, s28, s15, $0xb8;
	[tilespmem:$0x1FF00] =	vst v63  }
0x6c: {  	_ =	swait.ge [sflag:s29], $0x4000  }
0x6d: {  	[sflag:s29] =	ssyncset.done $0x0  }
.Ltmp0:
0x6e: {  	s0 =	sadd.s32 $0xA60, s0;
	[sflag:s29] =	ssyncadd.s32 $0xFFFFC000;
	(pc) =	sbr.rel @p0 .LBB2_2-.Ltmp0, $4  }
0x6f: {  	[tilespmem:s19], [sflag:$0x7] =	stream.linear.gather [hbm4b:s0+s3], $0x100, $0x38;
	[tilespmem:$0x1FF00] =	vst v63  }
0x70: {  	_ =	swait.ge [sflag:s14], $0x100  }
0x71: {  	[sflag:s14] =	ssyncset.done $0x0  }
0x72: {  	[sflag:s14] =	ssyncadd.s32 $0xFFFFFF00  }
0x73: {  	[tilespmem:s20], [sflag:$0x3] =	stream.indirect.gather [hbm4b:s4+s15], $0x80, s19, s15, $0xb8;
	[tilespmem:$0x1FF00] =	vst v63  }
0x74: {  	_ =	swait.ge [sflag:s21], $0x4000  }
0x75: {  	[sflag:s21] =	ssyncset.done $0x0  }
0x76: {  	[sflag:s21] =	ssyncadd.s32 $0xFFFFC000  }
0x77: {  	[spmem:s1] =	stream.indirect.scatter.add.f32 [tilespmem:s16], [sflag:$0x4], $0x80, s15, s15, $0xb8;
	[tilespmem:$0x1FF00] =	vst v63  }
0x78: {  	_ =	swait.ge [sflag:s23], $0x4000  }
0x79: {  	[sflag:s23] =	ssyncset.done $0x0  }
0x7a: {  	[sflag:s23] =	ssyncadd.s32 $0xFFFFC000  }
0x7b: {  	[spmem:s1] =	stream.indirect.scatter.add.f32 [tilespmem:s18], [sflag:$0x5], $0x80, s24, s15, $0xb8;
	[tilespmem:$0x1FF00] =	vst v63  }
0x7c: {  	_ =	swait.ge [sflag:s26], $0x4000  }
0x7d: {  	[sflag:s26] =	ssyncset.done $0x0  }
0x7e: {  	[sflag:s26] =	ssyncadd.s32 $0xFFFFC000  }
0x7f: {  	[spmem:s1] =	stream.indirect.scatter.add.f32 [tilespmem:s20], [sflag:$0x6], $0x80, s28, s15, $0xb8;
	[tilespmem:$0x1FF00] =	vst v63  }
0x80: {  	_ =	swait.ge [sflag:s22], $0x4000  }
0x81: {  	[sflag:s22] =	ssyncset.done $0x0  }
0x82: {  	[sflag:s22] =	ssyncadd.s32 $0xFFFFC000  }
0x83: {  	_ =	swait.ge [sflag:s25], $0x4000  }
0x84: {  	[sflag:s25] =	ssyncset.done $0x0  }
0x85: {  	[sflag:s25] =	ssyncadd.s32 $0xFFFFC000  }
0x86: {  	_ =	swait.ge [sflag:s29], $0x4000  }
0x87: {  	s30 =	sadd.s32 $0x1, s30;
	[sflag:s29] =	ssyncset.done $0x0  }
0x88: {  	p0 =	sne.s32 s30, s11;
	[sflag:s29] =	ssyncadd.s32 $0xFFFFC000  }
.Ltmp1:
0x89: {  	[bflag:$0x0] =	sbarrier.arrive $0xFFFF;
	(pc) =	sbr.rel @p0 .LBB2_1-.Ltmp1, $4  }
0x8a: {  	[hbm:s10], [sflag:s6] =	dma.local [spmem:s13], $0x2780  }
0x8b: {  	_ =	swait.ge [sflag:s14], $0x2780  }
0x8c: {  	[sflag:s14] =	ssyncset.done $0x0  }
0x8d: {  	[sflag:s14] =	ssyncadd.s32 $0xFFFFD880  }
0x8e: {  	_ =	sfence.sel $0x180000  }
0x8f: {  	[bflag:$0x0] =	sbarrier.arrive $0xFFFF  }
0x90: {  	_ =	strace $0x9000004D  }
0x91: {  	s0 =	stileid.u32;
	[bflag:$0x2] =	sbarrier.arrive $0xFFFF  }
0x92: {  	p0 =	sne.s32 s0, $0x0;
	s0 =	rddreg [dreg:$0x2]  }
0x93: {  	s0 =	sadd.s32 @!p0 $0x100000, s0  }
0x94: {  	[sflag:s0] =	ssyncadd.tile.s32 @!p0 $0x1;
	_ =	shalt  }
.Lfunc_end2:
_tile_overlayer_lowered:
.L_overlay_start_2:
0x95: {  	(tag) =	ssettag $0x2  }
0x96: {  	s0 =	rddreg [dreg:$0x0];
	s2 =	stileid.u32  }
0x97: {  	s1 =	rddreg [dreg:$0x1];
	p0 =	sne.s32 s2, $0x0  }
0x98: {  	s3 =	rddreg [dreg:$0x2];
	[bflag:$0x3] =	sbarrier.arrive $0xFFFF;
	s2 =	simm.s32 @!p0 $0x1C07  }
0x99: {  	[timem:s3], [sflag:s2] =	dma.local @!p0 [hbm:s0], s1  }
0x9a: {  	s0 =	simm.s32 @!p0 $0x7  }
0x9b: {  	_ =	swait.ge @!p0 [sflag:s0], s1  }
0x9c: {  	s1 =	ssub.s32 @!p0 $0x0, s1;
	[sflag:s0] =	ssyncset.done @!p0 $0x0  }
0x9d: {  	[sflag:s0] =	ssyncadd.s32 @!p0 s1  }
0x9e: {  	[bflag:$0x3] =	sbarrier.arrive $0xFFFF  }
0x9f: {  	_ =	shalt  }

// kernel: kernel.8.cloned.1.call-start
scs
__scs_entry_jumppad:
0x0: {  	(pc) =	sbr.rel $0x88, $3  }
0x1: {  	(tag) =	ssettag $0x0;
	lr =	simm.s32 $0x1  }
0x2: {  	[smem:$0x3F92] =	sst lr;
	_ =	strace $0xD0000000  }
0x3: {  	_ = 	snop  }
0x4: {  	_ = 	snop  }
0x5: {  	_ = 	snop  }
0x6: {  	_ = 	snop  }
0x7: {  	_ = 	snop  }
__scs_overlays_trampoline_lowered:
0x8: {  	[smem:$0x3FA1] =	sst s0  }
0x9: {  	[smem:$0x3FA2] =	sst s1  }
0xa: {  	[smem:$0x3FA3] =	sst s2  }
0xb: {  	[smem:$0x3FA4] =	sst s3  }
0xc: {  	[smem:$0x3FA5] =	sst s4  }
0xd: {  	[smem:$0x3FA6] =	sst s5  }
0xe: {  	[smem:$0x3FA7] =	sst s6  }
0xf: {  	[smem:$0x3FA8] =	sst s7  }
0x10: {  	[smem:$0x3FA9] =	sst s8  }
0x11: {  	[smem:$0x3FAA] =	sst s9;
	s0 =	simm.s32 @!p0 $0x0  }
0x12: {  	s1 =	sld [smem:$0x3F90];
	s0 =	simm.s32 @p0 $0x1  }
0x13: {  	[smem:$0x3FAB] =	sst s0;
	s0 =	simm.s32 @!p1 $0x0  }
0x14: {  	s2 =	sld [smem:$0x3F8F];
	s0 =	simm.s32 @p1 $0x1  }
0x15: {  	[smem:$0x3FAC] =	sst s0;
	s0 =	simm.s32 @!p2 $0x0  }
0x16: {  	s3 =	sld [smem:$0x3FDB];
	s0 =	simm.s32 @p2 $0x1  }
0x17: {  	s4 =	simm.s32 $0x1BF5;
	[smem:$0x3FAE] =	sst s0  }
0x18: {  	s0 =	sld [smem:$0x3F91];
	_ =	swait.ge [sflag:s4], $0x0  }
0x19: {  	s7 =	sld [smem:$0x3F92]  }
0x1a: {  	s8 =	sadd.s32 $0xFFFFE003, lr  }
0x1b: {  	s9 =	sadd.s32 $0xFFFFFEF7, lr;
	s5 =	simm.s32 $0xFFFFFFFF;
	p2 =	slt.u32 s8, $0xFFFFF086  }
0x1c: {  	p1 =	slt.u32 s9, $0xF7A;
	s5 =	simm.s32 @!p2 $0x0  }
0x1d: {  	s5 =	simm.s32 @p1 $0x1;
	p0 =	seq.s32 s7, s2  }
0x1e: {  	s7 =	smul.u32 @!p0 $0xF7A, s2;
	p2 =	seq.s32 @!p0 s5, $0x0  }
0x1f: {  	s9 =	smul.u32 $0xF7A, s1;
	s8 =	simm.s32 @!p0 $0x1BF5;
	p2 =	por !p2, p0  }
0x20: {  	[sflag:s8] =	ssyncset.s32 @!p0 $0xFFFFF086;
	s6 =	sadd.s32 @!p0 s3, s7;
	s7 =	simm.s32 @!p0 $0x108  }
0x21: {  	s3 =	sadd.s32 s3, s9;
	s6 =	sadd.s32 @!p0 $0x88, s6;
	s7 =	simm.s32 @p2 $0x1082  }
0x22: {  	[simem:s7], [sflag:s8] =	dma.local @!p0 [hbm:s6], $0xF7A  }
0x23: {  	s9 =	sor.u32 $0xD0000000, s2;
	s6 =	simm.s32 $0x108;
	_ =	swait.ge @!p0 [sflag:s8], $0x0  }
0x24: {  	s3 =	sadd.s32 $0x88, s3;
	s6 =	simm.s32 @!p1 $0x1082;
	[sflag:s4] =	ssyncset.s32 $0xFFFFF086  }
0x25: {  	[simem:s6], [sflag:s4] =	dma.local [hbm:s3], $0xF7A  }
0x26: {  	[smem:$0x3F92] =	sst s1;
	(tag) =	ssettag s2;
	_ =	strace s9  }
0x27: {  	s1 =	sld [smem:$0x3FA2]  }
0x28: {  	s2 =	sld [smem:$0x3FA3]  }
0x29: {  	s4 =	sld [smem:$0x3FA5]  }
0x2a: {  	p0 =	seq.s32 s5, $0x0;
	s5 =	sld [smem:$0x3FA6]  }
0x2b: {  	s6 =	sld [smem:$0x3FA7]  }
0x2c: {  	s7 =	sld [smem:$0x3FA8]  }
0x2d: {  	s3 =	simm.s32 $0x108;
	s8 =	sld [smem:$0x3FA9]  }
0x2e: {  	s3 =	simm.s32 @!p0 $0x1082;
	s9 =	sld [smem:$0x3FAA]  }
0x2f: {  	lr =	sadd.s32 s0, s3;
	s0 =	sld [smem:$0x3FA1]  }
0x30: {  	s3 =	sld [smem:$0x3FA4]  }
0x31: {  	[smem:$0x3FAD] =	sst s10  }
0x32: {  	s10 =	sld [smem:$0x3FAB];
	_ =	sdelay $0x3  }
0x33: {  	p0 =	seq.s32 s10, $0x1;
	s10 =	sld [smem:$0x3FAD];
	_ =	sdelay $0x3  }
0x34: {  	[smem:$0x3FAD] =	sst s10  }
0x35: {  	s10 =	sld [smem:$0x3FAC];
	_ =	sdelay $0x3  }
0x36: {  	p1 =	seq.s32 s10, $0x1;
	s10 =	sld [smem:$0x3FAD];
	_ =	sdelay $0x3  }
0x37: {  	[smem:$0x3FAD] =	sst s10  }
0x38: {  	s10 =	sld [smem:$0x3FAE]  }
0x39: {  	_ = 	snop;
	(pc) =	sbr.ind lr, $3  }
0x3a: {  	_ = 	snop  }
0x3b: {  	_ = 	snop  }
0x3c: {  	p2 =	seq.s32 s10, $0x1;
	s10 =	sld [smem:$0x3FAD]  }
0x3d: {  	_ =	shalt  }
0x3e: {  	_ =	shalt  }
0x3f: {  	_ =	shalt  }
0x40: {  	_ =	shalt  }
0x41: {  	_ =	shalt  }
0x42: {  	_ =	shalt  }
0x43: {  	_ =	shalt  }
0x44: {  	_ =	shalt  }
0x45: {  	_ =	shalt  }
0x46: {  	_ =	shalt  }
0x47: {  	_ =	shalt  }
0x48: {  	_ =	shalt  }
0x49: {  	_ =	shalt  }
0x4a: {  	_ =	shalt  }
0x4b: {  	_ =	shalt  }
0x4c: {  	_ =	shalt  }
0x4d: {  	_ =	shalt  }
0x4e: {  	_ =	shalt  }
0x4f: {  	_ =	shalt  }
0x50: {  	_ =	shalt  }
0x51: {  	_ =	shalt  }
0x52: {  	_ =	shalt  }
0x53: {  	_ =	shalt  }
0x54: {  	_ =	shalt  }
0x55: {  	_ =	shalt  }
0x56: {  	_ =	shalt  }
0x57: {  	_ =	shalt  }
0x58: {  	_ =	shalt  }
0x59: {  	_ =	shalt  }
0x5a: {  	_ =	shalt  }
0x5b: {  	_ =	shalt  }
0x5c: {  	_ =	shalt  }
0x5d: {  	_ =	shalt  }
0x5e: {  	_ =	shalt  }
0x5f: {  	_ =	shalt  }
0x60: {  	_ =	shalt  }
0x61: {  	_ =	shalt  }
0x62: {  	_ =	shalt  }
0x63: {  	_ =	shalt  }
0x64: {  	_ =	shalt  }
0x65: {  	_ =	shalt  }
0x66: {  	_ =	shalt  }
0x67: {  	_ =	shalt  }
0x68: {  	_ =	shalt  }
0x69: {  	_ =	shalt  }
0x6a: {  	_ =	shalt  }
0x6b: {  	_ =	shalt  }
0x6c: {  	_ =	shalt  }
0x6d: {  	_ =	shalt  }
0x6e: {  	_ =	shalt  }
0x6f: {  	_ =	shalt  }
0x70: {  	_ =	shalt  }
0x71: {  	_ =	shalt  }
0x72: {  	_ =	shalt  }
0x73: {  	_ =	shalt  }
0x74: {  	_ =	shalt  }
0x75: {  	_ =	shalt  }
0x76: {  	_ =	shalt  }
0x77: {  	_ =	shalt  }
0x78: {  	_ =	shalt  }
0x79: {  	_ =	shalt  }
0x7a: {  	_ =	shalt  }
0x7b: {  	_ =	shalt  }
0x7c: {  	_ =	shalt  }
0x7d: {  	_ =	shalt  }
0x7e: {  	_ =	shalt  }
0x7f: {  	_ =	shalt  }
0x80: {  	_ =	shalt  }
0x81: {  	_ =	shalt  }
0x82: {  	_ =	shalt  }
0x83: {  	_ =	shalt  }
0x84: {  	_ =	shalt  }
0x85: {  	_ =	shalt  }
0x86: {  	_ =	shalt  }
0x87: {  	_ =	shalt  }
.Lfunc_end0:
.L_simem_size_0:
called_computation_lowered:
.L_overlay_start_0:
0x88: {  	s2 =	sld [smem:$0x3FD9]  }
0x89: {  	s3 =	sld [smem:$0x3FFE];
	_ =	sdelay $0x1  }
0x8a: {  	s1 =	srdreg.scid  }
0x8b: {  	s0 =	sand.u32 $0x1, s1  }
0x8c: {  	s16 =	sshll.u32 s0, $0xA;
	s2 =	sadd.s32 s3, s2  }
0x8d: {  	s2 =	sadd.s32 s2, s16  }
0x8e: {  	[smem:$0x3FB9] =	sst s2  }
0x8f: {  	_ = 	snop  }
0x90: {  	(tm) =	ssettm $0x1  }
0x91: {  	s17 =	sld [smem:$0x3FFB];
	_ =	sdelay $0x3  }
0x92: {  	_ =	strace s17  }
0x93: {  	s2 =	sld [smem:$0x3FFC];
	_ =	sdelay $0x3  }
0x94: {  	_ =	strace s2  }
0x95: {  	s2 =	sld [smem:$0x3FFD];
	_ =	sdelay $0x3  }
0x96: {  	_ =	strace s2  }
0x97: {  	_ =	strace $0x8FFFFFFF  }
0x98: {  	s18 =	sld [smem:$0x3FDB];
	_ =	sdelay $0x1  }
0x99: {  	s19 =	simm.s32 $_scs_section_size  }
0x9a: {  	s4 =	simm.s32 $_size__tile_overlayer_lowered;
	s5 =	simm.s32 $_tile_overlayer_lowered  }
0x9b: {  	s22 =	simm.s32 $0x1BFF;
	s21 =	sshll.u32 s5, $0x1;
	s2 =	sadd.s32 s19, s18  }
0x9c: {  	s6 =	simm.s32 $0x0;
	s20 =	sshll.u32 s4, $0x1;
	s4 =	sadd.s32 s21, s2  }
0x9d: {  	[timem:s6], [sflag:s22] =	dma.local [hbm:s4], s20  }
0x9e: {  	_ =	swait.ge [sflag:s22], s20  }
0x9f: {  	s3 =	ssub.s32 $0x0, s20;
	[sflag:s22] =	ssyncset.done $0x0  }
0xa0: {  	[sflag:s22] =	ssyncadd.s32 s3;
	_ =	sdelay $0x1  }
0xa1: {  	s23 =	simm.s32 $0x1B8B  }
0xa2: {  	_ =	swait.ge [sflag:s23], $0x1  }
0xa3: {  	[sflag:s23] =	ssyncset.done $0x0  }
0xa4: {  	s25 =	simm.s32 $0x1B8E;
	s24 =	sld [smem:$0x3FFE];
	[sflag:s23] =	ssyncadd.s32 $0xFFFFFFFF  }
0xa5: {  	s26 =	simm.s32 $execute0_lowered;
	[smem:$0x3FD2] =	sst s25  }
0xa6: {  	s4 =	sshll.u32 s26, $0x1;
	_ =	strace $0x80000046;
	[dreg:$0x1] =	wrdreg $0xFFFFFFFF  }
0xa7: {  	s28 =	simm.s32 $_size_execute0_lowered;
	s2 =	sadd.s32 s2, s4;
	[dreg:$0x0] =	wrdreg $0x0  }
0xa8: {  	s4 =	sshll.u32 s28, $0x1;
	[dreg:$0x2] =	wrdreg s2  }
0xa9: {  	[dreg:$0x3] =	wrdreg s4  }
0xaa: {  	[dreg:$0x4] =	wrdreg $0xC0  }
0xab: {  	_ =	task [dreg:s6], $0x5FFFF  }
0xac: {  	[dreg:$0x1] =	wrdreg $0xFFFFFFFF  }
0xad: {  	[dreg:$0x0] =	wrdreg $0x60  }
0xae: {  	[dreg:$0x2] =	wrdreg s24  }
0xaf: {  	[dreg:$0x3] =	wrdreg $0x68000  }
0xb0: {  	[dreg:$0x4] =	wrdreg $0x9  }
0xb1: {  	_ =	task.clear_ibuf [dreg:s6], $0x5FFFF;
	_ =	strace $0x90000046  }
0xb2: {  	s29 =	simm.s32 $0x9;
	_ =	strace $0x80000048  }
0xb3: {  	_ =	swait.ge [sflag:s29], $0x1  }
0xb4: {  	[sflag:s29] =	ssyncadd.s32 $0xFFFFFFFF  }
0xb5: {  	_ =	strace $0x90000048  }
0xb6: {  	_ =	sfence  }
0xb7: {  	s30 =	sld [smem:$0x0];
	_ =	sdelay $0x2  }
0xb8: {  	s31 =	sshll.u32 s1, $0xD;
	s1 =	sshrl.u32 s1, $0x2  }
0xb9: {  	s3 =	sand.u32 $0x4000, s31;
	s1 =	sadd.s32 s1, s30  }
0xba: {  	s0 =	sor.u32 s3, s0;
	s1 =	sshll.u32 s1, $0x11  }
0xbb: {  	s0 =	sor.u32 s1, s0  }
0xbc: {  	s0 =	sadd.s32 $0x8F2B, s0  }
0xbd: {  	[sflag:s0] =	ssyncadd.remote.s32 $0x1  }
0xbe: {  	_ =	sfence.sel $0xFFFF  }
0xbf: {  	[dreg:$0x0] =	wrdreg $0xFFFFFFFF;
	(pc) =	sbr.abs _section_cstart, $3  }
0xc0: {  	[dreg:$0x1] =	wrdreg $0xFFFFFFFF  }
0xc1: {  	_ =	task.clear_ibuf [dreg:s6], $0x2FFFF;
	_ =	strace $0x9FFFFFFF  }
0xc2: {  	(tm) =	ssettm $0x7FFFFFFF  }
0xc3: {  	_ =	shalt  }
tec
execute0_lowered:
.L_overlay_start_1:
0x0: {  	(tag) =	ssettag $0x1  }
0x1: {  	s7 =	rddreg [dreg:$0x0]  }
0x2: {  	s0 =	srdreg.scid;
	s2 =	rddreg [dreg:$0x1]  }
0x3: {  	s3 =	simm.s32 $0x0;
	s13 =	simm.s32 $0x80;
	s14 =	simm.s32 $0x100  }
0x4: {  	s15 =	simm.s32 $0x180;
	s16 =	simm.s32 $0x1;
	s17 =	simm.s32 $0x2  }
0x5: {  	s18 =	simm.s32 $0x3;
	s19 =	simm.s32 $0x4;
	s6 =	sand.u32 $0x1, s0  }
0x6: {  	s20 =	simm.s32 $0x0;
	s0 =	stileid.u32;
	s5 =	smul.u32 $0x13C000, s6  }
0x7: {  	[smem:$0x7FF] =	sst s3;
	s1 =	sshll.u32 s6, $0x4;
	s8 =	smul.u32 $0x13C00, s0  }
0x8: {  	s10 =	smul.u32 $0x4F000, s0;
	s6 =	ssub.s32 $0x2, s6;
	s11 =	sshll.u32 s0, $0x6  }
0x9: {  	s1 =	sor.u32 s0, s1;
	s31 =	sshrl.u32 s6, $0x1;
	s11 =	sor.u32 $0x1C05, s11  }
0xa: {  	s4 =	smul.u32 $0x500, s1;
	s1 =	rddreg [dreg:$0x2];
	_ =	strace $0x80000047  }
0xb: {  	s8 =	sadd.s32 s8, s5;
	s5 =	sadd.s32 $0xE400, s7;
	s10 =	sshrl.u32 s10, $0x2  }
0xc: {  	s8 =	sshrl.u32 s8, $0x3;
	s12 =	sadd.s32 s10, s2;
	s10 =	simm.s32 $0x5  }
0xd: {  	s9 =	sadd.s32 s4, s7;
	s4 =	sadd.s32 $0x10C00, s7;
	s7 =	sadd.s32 s8, s7  }
0xe: {  	s8 =	ssub.s32 s6, s31;
	s12 =	sshrl.u32 s12, $0x3;
	s6 =	sadd.s32 $0x4400, s9  }
0xf: {  	s7 =	sadd.s32 $0x11400, s7;
	s8 =	smax.u32 s8, $0x1;
	s9 =	simm.s32 $0x2800  }
.LBB2_1:
0x10: {  	[tilespmem:s9], [sflag:$0x5] =	stream.linear.gather [hbm4b:s4+s3], $0x4000, $0x38;
	[tilespmem:$0x1A400] =	vst v63  }
0x11: {  	_ =	swait.ge [sflag:s10], $0x4000  }
0x12: {  	[sflag:s10] =	ssyncset.done $0x0  }
0x13: {  	[sflag:s10] =	ssyncadd.s32 $0xFFFFC000  }
0x14: {  	[tilespmem:s3], [sflag:$0x5] =	stream.linear.gather [hbm4b:s6+s3], $0x2800, $0x38;
	[tilespmem:$0x1A400] =	vst v63  }
0x15: {  	_ =	swait.ge [sflag:s10], $0x2800  }
0x16: {  	[sflag:s10] =	ssyncset.done $0x0  }
0x17: {  	[sflag:s10] =	ssyncadd.s32 $0xFFFFD800  }
0x18: {  	[spmem:s12], [sflag:s11] =	dma.local [hbm:s5], $0x2780  }
0x19: {  	_ =	swait.ge [sflag:s10], $0x2780  }
0x1a: {  	[sflag:s10] =	ssyncset.done $0x0  }
0x1b: {  	[sflag:s10] =	ssyncadd.s32 $0xFFFFD880  }
0x1c: {  	[bflag:$0x0] =	sbarrier.arrive $0xFFFF  }
0x1d: {  	[spmem:s2] =	stream.indirect.scatter.add.f32 [tilespmem:s9], [sflag:$0x1], $0x80, s3, s13, $0xb8;
	[tilespmem:$0x1A400] =	vst v63  }
0x1e: {  	_ = 	snop  }
0x1f: {  	[spmem:s2] =	stream.indirect.scatter.add.f32 [tilespmem:s9], [sflag:$0x2], $0x80, s13, s13, $0xb8;
	[tilespmem:$0x1A400] =	vst v63  }
0x20: {  	_ = 	snop  }
0x21: {  	[spmem:s2] =	stream.indirect.scatter.add.f32 [tilespmem:s9], [sflag:$0x3], $0x80, s14, s13, $0xb8;
	[tilespmem:$0x1A400] =	vst v63  }
0x22: {  	_ = 	snop  }
0x23: {  	[spmem:s2] =	stream.indirect.scatter.add.f32 [tilespmem:s9], [sflag:$0x4], $0x80, s15, s13, $0xb8;
	[tilespmem:$0x1A400] =	vst v63  }
0x24: {  	_ =	swait.ge [sflag:s16], $0x4000  }
0x25: {  	[sflag:s16] =	ssyncset.done $0x0  }
0x26: {  	s21 =	simm.s32 $0x200;
	[sflag:s16] =	ssyncadd.s32 $0xFFFFC000  }
0x27: {  	[spmem:s2] =	stream.indirect.scatter.add.f32 [tilespmem:s9], [sflag:$0x1], $0x80, s21, s13, $0xb8;
	[tilespmem:$0x1A400] =	vst v63  }
0x28: {  	_ =	swait.ge [sflag:s17], $0x4000  }
0x29: {  	[sflag:s17] =	ssyncset.done $0x0  }
0x2a: {  	s30 =	simm.s32 $0x280;
	[sflag:s17] =	ssyncadd.s32 $0xFFFFC000  }
0x2b: {  	[spmem:s2] =	stream.indirect.scatter.add.f32 [tilespmem:s9], [sflag:$0x2], $0x80, s30, s13, $0xb8;
	[tilespmem:$0x1A400] =	vst v63  }
0x2c: {  	_ =	swait.ge [sflag:s18], $0x4000  }
0x2d: {  	[sflag:s18] =	ssyncset.done $0x0  }
0x2e: {  	s31 =	simm.s32 $0x300;
	[sflag:s18] =	ssyncadd.s32 $0xFFFFC000  }
0x2f: {  	[spmem:s2] =	stream.indirect.scatter.add.f32 [tilespmem:s9], [sflag:$0x3], $0x80, s31, s13, $0xb8;
	[tilespmem:$0x1A400] =	vst v63  }
0x30: {  	_ =	swait.ge [sflag:s19], $0x4000  }
0x31: {  	[sflag:s19] =	ssyncset.done $0x0  }
0x32: {  	s22 =	simm.s32 $0x380;
	s21 =	simm.s32 $0xFFFF7000;
	[sflag:s19] =	ssyncadd.s32 $0xFFFFC000  }
.LBB2_2:
0x33: {  	[spmem:s2] =	stream.indirect.scatter.add.f32 [tilespmem:s9], [sflag:$0x4], $0x80, s22, s13, $0xb8;
	[tilespmem:$0x1A400] =	vst v63  }
0x34: {  	s22 =	smov.u32 s21  }
0x35: {  	p0 =	sne.s32 s21, $0xFFFFF800;
	s21 =	sadd.s32 $0x800, s21;
	_ =	swait.ge [sflag:s16], $0x4000  }
0x36: {  	s22 =	sshra.s32 s22, $0x2;
	[sflag:s16] =	ssyncset.done $0x0  }
0x37: {  	s23 =	sadd.s32 $0x2800, s22;
	[sflag:s16] =	ssyncadd.s32 $0xFFFFC000  }
0x38: {  	[spmem:s2] =	stream.indirect.scatter.add.f32 [tilespmem:s9], [sflag:$0x1], $0x80, s23, s13, $0xb8;
	[tilespmem:$0x1A400] =	vst v63  }
0x39: {  	_ =	swait.ge [sflag:s17], $0x4000  }
0x3a: {  	[sflag:s17] =	ssyncset.done $0x0  }
0x3b: {  	s23 =	sadd.s32 $0x2880, s22;
	[sflag:s17] =	ssyncadd.s32 $0xFFFFC000  }
0x3c: {  	[spmem:s2] =	stream.indirect.scatter.add.f32 [tilespmem:s9], [sflag:$0x2], $0x80, s23, s13, $0xb8;
	[tilespmem:$0x1A400] =	vst v63  }
0x3d: {  	_ =	swait.ge [sflag:s18], $0x4000  }
0x3e: {  	[sflag:s18] =	ssyncset.done $0x0  }
.Ltmp0:
0x3f: {  	s23 =	sadd.s32 $0x2900, s22;
	[sflag:s18] =	ssyncadd.s32 $0xFFFFC000;
	(pc) =	sbr.rel @p0 .LBB2_2-.Ltmp0, $4  }
0x40: {  	[spmem:s2] =	stream.indirect.scatter.add.f32 [tilespmem:s9], [sflag:$0x3], $0x80, s23, s13, $0xb8;
	[tilespmem:$0x1A400] =	vst v63  }
0x41: {  	_ =	swait.ge [sflag:s19], $0x4000  }
0x42: {  	[sflag:s19] =	ssyncset.done $0x0  }
0x43: {  	s22 =	sadd.s32 $0x2980, s22;
	[sflag:s19] =	ssyncadd.s32 $0xFFFFC000  }
0x44: {  	[spmem:s2] =	stream.indirect.scatter.add.f32 [tilespmem:s9], [sflag:$0x4], $0x80, s22, s13, $0xb8;
	[tilespmem:$0x1A400] =	vst v63  }
0x45: {  	_ =	swait.ge [sflag:s16], $0x4000  }
0x46: {  	[sflag:s16] =	ssyncset.done $0x0  }
0x47: {  	[sflag:s16] =	ssyncadd.s32 $0xFFFFC000  }
0x48: {  	_ =	swait.ge [sflag:s17], $0x4000  }
0x49: {  	[sflag:s17] =	ssyncset.done $0x0  }
0x4a: {  	[sflag:s17] =	ssyncadd.s32 $0xFFFFC000  }
0x4b: {  	_ =	swait.ge [sflag:s18], $0x4000  }
0x4c: {  	[sflag:s18] =	ssyncset.done $0x0  }
0x4d: {  	[sflag:s18] =	ssyncadd.s32 $0xFFFFC000  }
0x4e: {  	_ =	swait.ge [sflag:s19], $0x4000  }
0x4f: {  	s20 =	sadd.s32 $0x1, s20;
	[sflag:s19] =	ssyncset.done $0x0  }
0x50: {  	p0 =	sne.s32 s20, s8;
	[sflag:s19] =	ssyncadd.s32 $0xFFFFC000  }
.Ltmp1:
0x51: {  	[bflag:$0x0] =	sbarrier.arrive $0xFFFF;
	(pc) =	sbr.rel @p0 .LBB2_1-.Ltmp1, $4  }
0x52: {  	[hbm:s7], [sflag:s11] =	dma.local [spmem:s12], $0x2780  }
0x53: {  	_ =	swait.ge [sflag:s10], $0x2780  }
0x54: {  	[sflag:s10] =	ssyncset.done $0x0  }
0x55: {  	[sflag:s10] =	ssyncadd.s32 $0xFFFFD880  }
0x56: {  	_ =	sfence.sel $0x180000  }
0x57: {  	[bflag:$0x0] =	sbarrier.arrive $0xFFFF  }
0x58: {  	p0 =	sne.s32 s0, $0x0;
	_ =	strace $0x90000047  }
0x59: {  	s0 =	sadd.s32 @!p0 $0x100000, s1;
	[bflag:$0x2] =	sbarrier.arrive $0xFFFF  }
0x5a: {  	[sflag:s0] =	ssyncadd.tile.s32 @!p0 $0x1;
	_ =	shalt  }
.Lfunc_end2:
_tile_overlayer_lowered:
.L_overlay_start_2:
0x5b: {  	(tag) =	ssettag $0x2  }
0x5c: {  	s0 =	rddreg [dreg:$0x0];
	s2 =	stileid.u32  }
0x5d: {  	s1 =	rddreg [dreg:$0x1];
	p0 =	sne.s32 s2, $0x0  }
0x5e: {  	s3 =	rddreg [dreg:$0x2];
	[bflag:$0x3] =	sbarrier.arrive $0xFFFF;
	s2 =	simm.s32 @!p0 $0x1C05  }
0x5f: {  	[timem:s3], [sflag:s2] =	dma.local @!p0 [hbm:s0], s1  }
0x60: {  	s0 =	simm.s32 @!p0 $0x5  }
0x61: {  	_ =	swait.ge @!p0 [sflag:s0], s1  }
0x62: {  	s1 =	ssub.s32 @!p0 $0x0, s1;
	[sflag:s0] =	ssyncset.done @!p0 $0x0  }
0x63: {  	[sflag:s0] =	ssyncadd.s32 @!p0 s1  }
0x64: {  	[bflag:$0x3] =	sbarrier.arrive $0xFFFF  }
0x65: {  	_ =	shalt  }

</sc_bundles>
